<compile_context>
chip_gen: v7x
topology: tpu7x:2x2x1
jax: 0.10.2.dev20260603
libtpu: 0.0.44.dev20260713+nightly
codegen_flags: <defaults>
</compile_context>

<pallas_src>
import jax
import jax.numpy as jnp
from jax import lax
from jax.experimental import pallas as pl
from jax.experimental.pallas import tpu as pltpu
from jax.experimental.pallas import tpu_sc as plsc

B = 1024
L = 200
D = 128
NC = 2
NS = 16
NW = NC * NS
ROWS = B * L
BPW = ROWS // NW
CH = 200
NCHUNK = BPW // CH
HALF = CH // 2
NBUF = 3
LANES = 16


def _sc_body(idx_hbm, token_hbm, pos_hbm, out_hbm,
             idx_v, pos_v, buf0, buf1, buf2, gsem, ssem):
    c_ax = lax.axis_index("c")
    s_ax = lax.axis_index("s")
    wid = s_ax * NC + c_ax
    bufs = (buf0, buf1, buf2)

    pltpu.sync_copy(idx_hbm.at[wid], idx_v)
    pltpu.sync_copy(pos_hbm, pos_v)

    def gather_pair(ci, b):
        c0 = pltpu.async_copy(token_hbm.at[idx_v.at[2 * ci]],
                              bufs[b].at[pl.ds(0, HALF)], gsem.at[b])
        c1 = pltpu.async_copy(token_hbm.at[idx_v.at[2 * ci + 1]],
                              bufs[b].at[pl.ds(HALF, HALF)], gsem.at[b])
        return c0, c1

    def store(ci, b):
        base = wid * BPW + ci * CH
        return pltpu.async_copy(bufs[b], out_hbm.at[pl.ds(base, CH)],
                                ssem.at[b])

    def store_wait(ci, b):
        base = wid * BPW + ci * CH
        pltpu.make_async_copy(bufs[b], out_hbm.at[pl.ds(base, CH)],
                              ssem.at[b]).wait()

    def do_chunk(ci, b):
        nb = (b + 1) % NBUF

        @pl.when(jnp.logical_and(ci >= 2, ci + 1 < NCHUNK))
        def _():
            store_wait(ci - 2, nb)

        @pl.when(ci + 1 < NCHUNK)
        def _():
            gather_pair(ci + 1, nb)

        pltpu.make_async_copy(token_hbm.at[idx_v.at[2 * ci]],
                              bufs[b].at[pl.ds(0, HALF)], gsem.at[b]).wait()
        pltpu.make_async_copy(token_hbm.at[idx_v.at[2 * ci + 1]],
                              bufs[b].at[pl.ds(HALF, HALF)], gsem.at[b]).wait()

        buf = bufs[b]

        @plsc.parallel_loop(0, CH, unroll=4)
        def _(r):
            for j in range(D // LANES):
                sl = pl.ds(j * LANES, LANES)
                buf[r, sl] = buf[r, sl] + pos_v[r, sl]

        store(ci, b)

    gather_pair(0, 0)

    def group_body(g, carry):
        for b in range(NBUF):
            do_chunk(g * NBUF + b, b)
        return carry

    ngroups = NCHUNK // NBUF
    lax.fori_loop(0, ngroups, group_body, 0)
    for tail in range(ngroups * NBUF, NCHUNK):
        do_chunk(tail, tail % NBUF)

    for ci in range(NCHUNK - NBUF, NCHUNK):
        store_wait(ci, ci % NBUF)


@jax.jit
def _embed(idx, token_table, pos_table):
    mesh = plsc.VectorSubcoreMesh(core_axis_name="c", subcore_axis_name="s")
    f = pl.kernel(
        _sc_body,
        out_type=jax.ShapeDtypeStruct((ROWS, D), jnp.float32),
        mesh=mesh,
        scratch_types=[
            pltpu.VMEM((NCHUNK * 2, HALF), jnp.int32),
            pltpu.VMEM((CH, D), jnp.float32),
            pltpu.VMEM((CH, D), jnp.float32),
            pltpu.VMEM((CH, D), jnp.float32),
            pltpu.VMEM((CH, D), jnp.float32),
            pltpu.SemaphoreType.DMA((NBUF,)),
            pltpu.SemaphoreType.DMA((NBUF,)),
        ],
    )
    return f(idx, token_table, pos_table)


def kernel(inputs, token_table, pos_table):
    idx = inputs.reshape(NW, NCHUNK * 2, HALF).astype(jnp.int32)
    out = _embed(idx, token_table, pos_table)
    return out.reshape(B, L, D)

# --- scband reference (transcript-rebuilt; emitter-appended) ---
"""Pipeline reference for scband-positional-embedding-27230092656963 (READ-ONLY COPY).

The authoritative reference and input builder live on the scoring server;
editing this copy changes nothing except your own understanding.
"""

import jax, jax.numpy as jnp
import numpy as np

BATCH = 1024
SEQ_LEN = 200
VOCAB = 100000
EMBED_DIM = 128


def setup_inputs(seed: int = 0) -> dict:
    key = jax.random.key(seed)
    k1, k2, k3 = jax.random.split(key, 3)
    inputs = jax.random.randint(k1, (BATCH, SEQ_LEN), 0, VOCAB, dtype=jnp.int64 if jax.config.jax_enable_x64 else jnp.int32)
    token_table = jax.random.normal(k2, (VOCAB, EMBED_DIM), dtype=jnp.float32) * 0.05
    pos_table = jax.random.normal(k3, (SEQ_LEN, EMBED_DIM), dtype=jnp.float32) * 0.05
    return {"inputs": inputs, "token_table": token_table, "pos_table": pos_table}


def reference(inputs, token_table, pos_table):
    # tokens = base_embeddings(inputs)
    tokens = jnp.take(token_table, inputs, axis=0)  # [B, L, D]
    # positions = position_embeddings(range(L))
    length = inputs.shape[-1]
    positions = jnp.take(pos_table, jnp.arange(length), axis=0)  # [L, D]
    return tokens + positions[None, :, :]

if __name__ == "__main__":
    import jax
    _d = setup_inputs()
    print(jax.jit(kernel)(*tuple(_d.values())))

</pallas_src>

<mosaic_0001>
#map = affine_map<(d0, d1) -> (0, 0, 0)>
#map1 = affine_map<(d0, d1) -> (0, 0)>
module attributes {stable_mosaic.version = 14 : i64} {
  func.func @_sc_body(%arg0: i32, %arg1: i32, %arg2: memref<32x64x100xi32, #tpu.memory_space<hbm>>, %arg3: memref<100000x128xf32, #tpu.memory_space<hbm>>, %arg4: memref<200x128xf32, #tpu.memory_space<hbm>>, %arg5: memref<204800x128xf32, #tpu.memory_space<hbm>>, %arg6: memref<64x100xi32, #tpu.memory_space<vmem>>, %arg7: memref<200x128xf32, #tpu.memory_space<vmem>>, %arg8: memref<200x128xf32, #tpu.memory_space<vmem>>, %arg9: memref<200x128xf32, #tpu.memory_space<vmem>>, %arg10: memref<200x128xf32, #tpu.memory_space<vmem>>, %arg11: memref<3x!tpu.dma_semaphore, #tpu.memory_space<semaphore_mem>>, %arg12: memref<3x!tpu.dma_semaphore, #tpu.memory_space<semaphore_mem>>) attributes {dimension_semantics = [#tpu.dimension_semantics<core_parallel>, #tpu.dimension_semantics<subcore_parallel>], iteration_bounds = array<i64: 2, 16>, scalar_prefetch = 0 : i64, scratch_operands = 7 : i64, tpu.core_type = #tpu.core_type<sc_vector_subcore>, window_params = [{transform_indices = #map}, {transform_indices = #map1}, {transform_indices = #map1}, {transform_indices = #map1}]} {
    %mul3A = arith.constant 2 : i32
    %mul3A_0 = arith.muli %arg1, %mul3A : i32
    %add3A = arith.addi %mul3A_0, %arg0 : i32
    "tpu.region"() ({
      %run_scoped3A = tpu.sem_alloc : memref<!tpu.dma_semaphore, #tpu.memory_space<semaphore_mem>>
      %dma_start3A_177 = arith.constant 0 : i32
      %dma_start3A_178 = arith.constant 0 : i32
      %dma_start3A_179 = tpu.memref_slice %arg2[%add3A, %dma_start3A_177, %dma_start3A_178] : memref<32x64x100xi32, #tpu.memory_space<hbm>> -> memref<1x64x100xi32, #tpu.memory_space<hbm>>
      %dma_start3A_180 = tpu.memref_squeeze %dma_start3A_179 : memref<1x64x100xi32, #tpu.memory_space<hbm>> -> memref<64x100xi32, #tpu.memory_space<hbm>>
      %dma_start3A_181 = arith.constant 0 : i32
      %dma_start3A_182 = arith.constant 0 : i32
      %dma_start3A_183 = tpu.memref_slice %arg2[%add3A, %dma_start3A_181, %dma_start3A_182] : memref<32x64x100xi32, #tpu.memory_space<hbm>> -> memref<1x64x100xi32, #tpu.memory_space<hbm>>
      %dma_start3A_184 = tpu.memref_squeeze %dma_start3A_183 : memref<1x64x100xi32, #tpu.memory_space<hbm>> -> memref<64x100xi32, #tpu.memory_space<hbm>>
      tpu.enqueue_dma source(%dma_start3A_184 : memref<64x100xi32, #tpu.memory_space<hbm>>) target(%arg6 : memref<64x100xi32, #tpu.memory_space<vmem>>) target_semaphore(%run_scoped3A : memref<!tpu.dma_semaphore, #tpu.memory_space<semaphore_mem>>)
      %dma_wait3A_185 = arith.constant 0 : i32
      %dma_wait3A_186 = arith.constant 0 : i32
      %dma_wait3A_187 = tpu.memref_slice %arg2[%add3A, %dma_wait3A_185, %dma_wait3A_186] : memref<32x64x100xi32, #tpu.memory_space<hbm>> -> memref<1x64x100xi32, #tpu.memory_space<hbm>>
      %dma_wait3A_188 = tpu.memref_squeeze %dma_wait3A_187 : memref<1x64x100xi32, #tpu.memory_space<hbm>> -> memref<64x100xi32, #tpu.memory_space<hbm>>
      %dma_wait3A_189 = arith.constant 0 : i32
      %dma_wait3A_190 = arith.constant 0 : i32
      %dma_wait3A_191 = tpu.memref_slice %arg2[%add3A, %dma_wait3A_189, %dma_wait3A_190] : memref<32x64x100xi32, #tpu.memory_space<hbm>> -> memref<1x64x100xi32, #tpu.memory_space<hbm>>
      %dma_wait3A_192 = tpu.memref_squeeze %dma_wait3A_191 : memref<1x64x100xi32, #tpu.memory_space<hbm>> -> memref<64x100xi32, #tpu.memory_space<hbm>>
      tpu.wait_dma2 semaphore(%run_scoped3A : memref<!tpu.dma_semaphore, #tpu.memory_space<semaphore_mem>>) src(%dma_wait3A_192 : memref<64x100xi32, #tpu.memory_space<hbm>>) dst(%arg6 : memref<64x100xi32, #tpu.memory_space<vmem>>)
      tpu.yield
    }) : () -> ()
    "tpu.region"() ({
      %run_scoped3A = tpu.sem_alloc : memref<!tpu.dma_semaphore, #tpu.memory_space<semaphore_mem>>
      tpu.enqueue_dma source(%arg4 : memref<200x128xf32, #tpu.memory_space<hbm>>) target(%arg7 : memref<200x128xf32, #tpu.memory_space<vmem>>) target_semaphore(%run_scoped3A : memref<!tpu.dma_semaphore, #tpu.memory_space<semaphore_mem>>)
      tpu.wait_dma2 semaphore(%run_scoped3A : memref<!tpu.dma_semaphore, #tpu.memory_space<semaphore_mem>>) src(%arg4 : memref<200x128xf32, #tpu.memory_space<hbm>>) dst(%arg7 : memref<200x128xf32, #tpu.memory_space<vmem>>)
      tpu.yield
    }) : () -> ()
    %dma_start3A = arith.constant 0 : i32
    %dma_start3A_1 = arith.constant 0 : i32
    %dma_start3A_2 = arith.constant 0 : i32
    %dma_start3A_3 = arith.constant 0 : i32
    %dma_start3A_4 = tpu.memref_slice %arg8[%dma_start3A_2, %dma_start3A_3] : memref<200x128xf32, #tpu.memory_space<vmem>> -> memref<100x128xf32, #tpu.memory_space<vmem>>
    %dma_start3A_5 = arith.constant 0 : i32
    %dma_start3A_6 = tpu.memref_slice %arg6[%dma_start3A, %dma_start3A_5] : memref<64x100xi32, #tpu.memory_space<vmem>> -> memref<1x100xi32, #tpu.memory_space<vmem>>
    %dma_start3A_7 = tpu.memref_squeeze %dma_start3A_6 : memref<1x100xi32, #tpu.memory_space<vmem>> -> memref<100xi32, #tpu.memory_space<vmem>>
    %dma_start3A_8 = arith.constant 0 : i32
    %dma_start3A_9 = arith.constant 0 : i32
    %dma_start3A_10 = tpu.memref_slice %arg3[%dma_start3A_8, %dma_start3A_9] : memref<100000x128xf32, #tpu.memory_space<hbm>> -> memref<100000x128xf32, #tpu.memory_space<hbm>>
    %dma_start3A_11 = tpu.memref_slice %arg11[%dma_start3A_1] : memref<3x!tpu.dma_semaphore, #tpu.memory_space<semaphore_mem>> -> memref<1x!tpu.dma_semaphore, #tpu.memory_space<semaphore_mem>>
    %dma_start3A_12 = tpu.memref_squeeze %dma_start3A_11 : memref<1x!tpu.dma_semaphore, #tpu.memory_space<semaphore_mem>> -> memref<!tpu.dma_semaphore, #tpu.memory_space<semaphore_mem>>
    tpu.enqueue_indirect_dma source(%dma_start3A_10 : memref<100000x128xf32, #tpu.memory_space<hbm>>) target(%dma_start3A_4 : memref<100x128xf32, #tpu.memory_space<vmem>>) offsets(%dma_start3A_7 : memref<100xi32, #tpu.memory_space<vmem>>) semaphore(%dma_start3A_12 : memref<!tpu.dma_semaphore, #tpu.memory_space<semaphore_mem>>)
    %dma_start3A_13 = arith.constant 1 : i32
    %dma_start3A_14 = arith.constant 0 : i32
    %dma_start3A_15 = arith.constant 100 : i32
    %dma_start3A_16 = arith.constant 0 : i32
    %dma_start3A_17 = tpu.memref_slice %arg8[%dma_start3A_15, %dma_start3A_16] : memref<200x128xf32, #tpu.memory_space<vmem>> -> memref<100x128xf32, #tpu.memory_space<vmem>>
    %dma_start3A_18 = arith.constant 0 : i32
    %dma_start3A_19 = tpu.memref_slice %arg6[%dma_start3A_13, %dma_start3A_18] : memref<64x100xi32, #tpu.memory_space<vmem>> -> memref<1x100xi32, #tpu.memory_space<vmem>>
    %dma_start3A_20 = tpu.memref_squeeze %dma_start3A_19 : memref<1x100xi32, #tpu.memory_space<vmem>> -> memref<100xi32, #tpu.memory_space<vmem>>
    %dma_start3A_21 = arith.constant 0 : i32
    %dma_start3A_22 = arith.constant 0 : i32
    %dma_start3A_23 = tpu.memref_slice %arg3[%dma_start3A_21, %dma_start3A_22] : memref<100000x128xf32, #tpu.memory_space<hbm>> -> memref<100000x128xf32, #tpu.memory_space<hbm>>
    %dma_start3A_24 = tpu.memref_slice %arg11[%dma_start3A_14] : memref<3x!tpu.dma_semaphore, #tpu.memory_space<semaphore_mem>> -> memref<1x!tpu.dma_semaphore, #tpu.memory_space<semaphore_mem>>
    %dma_start3A_25 = tpu.memref_squeeze %dma_start3A_24 : memref<1x!tpu.dma_semaphore, #tpu.memory_space<semaphore_mem>> -> memref<!tpu.dma_semaphore, #tpu.memory_space<semaphore_mem>>
    tpu.enqueue_indirect_dma source(%dma_start3A_23 : memref<100000x128xf32, #tpu.memory_space<hbm>>) target(%dma_start3A_17 : memref<100x128xf32, #tpu.memory_space<vmem>>) offsets(%dma_start3A_20 : memref<100xi32, #tpu.memory_space<vmem>>) semaphore(%dma_start3A_25 : memref<!tpu.dma_semaphore, #tpu.memory_space<semaphore_mem>>)
    %scan3A = arith.constant 0 : i32
    %scan3A_26 = arith.constant 0 : i32
    %scan3A_27 = arith.constant 10 : i32
    %scan3A_28 = arith.addi %scan3A_26, %scan3A_27 : i32
    %scan3A_29 = arith.constant 1 : i32
    scf.for %scan3A_177 = %scan3A_26 to %scan3A_28 step %scan3A_29  : i32 {
      %mul3A_178 = arith.constant 3 : i32
      %mul3A_179 = arith.muli %scan3A_177, %mul3A_178 : i32
      %add3A_180 = arith.constant 0 : i32
      %add3A_181 = arith.addi %mul3A_179, %add3A_180 : i32
      %ge3A = arith.constant 2 : i32
      %ge3A_182 = arith.cmpi sge, %add3A_181, %ge3A : i32
      %add3A_183 = arith.constant 1 : i32
      %add3A_184 = arith.addi %add3A_181, %add3A_183 : i32
      %lt3A = arith.constant 32 : i32
      %lt3A_185 = arith.cmpi slt, %add3A_184, %lt3A : i32
      %and3A_186 = arith.andi %ge3A_182, %lt3A_185 : i1
      %convert_element_type3A_187 = arith.extui %and3A_186 : i1 to i32
      %cond3A_188 = arith.constant 0 : i32
      %cond3A_189 = arith.cmpi ne, %convert_element_type3A_187, %cond3A_188 : i32
      scf.if %cond3A_189 {
        %sub3A = arith.constant 2 : i32
        %sub3A_374 = arith.subi %add3A_181, %sub3A : i32
        %mul3A_375 = arith.constant 6400 : i32
        %mul3A_376 = arith.muli %add3A, %mul3A_375 : i32
        %mul3A_377 = arith.constant 200 : i32
        %mul3A_378 = arith.muli %sub3A_374, %mul3A_377 : i32
        %add3A_379 = arith.addi %mul3A_376, %mul3A_378 : i32
        %dma_wait3A_380 = arith.constant 1 : i32
        %dma_wait3A_381 = arith.constant 0 : i32
        %dma_wait3A_382 = tpu.memref_slice %arg5[%add3A_379, %dma_wait3A_381] : memref<204800x128xf32, #tpu.memory_space<hbm>> -> memref<200x128xf32, #tpu.memory_space<hbm>>
        %dma_wait3A_383 = tpu.memref_slice %arg12[%dma_wait3A_380] : memref<3x!tpu.dma_semaphore, #tpu.memory_space<semaphore_mem>> -> memref<1x!tpu.dma_semaphore, #tpu.memory_space<semaphore_mem>>
        %dma_wait3A_384 = tpu.memref_squeeze %dma_wait3A_383 : memref<1x!tpu.dma_semaphore, #tpu.memory_space<semaphore_mem>> -> memref<!tpu.dma_semaphore, #tpu.memory_space<semaphore_mem>>
        %dma_wait3A_385 = arith.constant 0 : i32
        %dma_wait3A_386 = tpu.memref_slice %arg5[%add3A_379, %dma_wait3A_385] : memref<204800x128xf32, #tpu.memory_space<hbm>> -> memref<200x128xf32, #tpu.memory_space<hbm>>
        tpu.wait_dma2 semaphore(%dma_wait3A_384 : memref<!tpu.dma_semaphore, #tpu.memory_space<semaphore_mem>>) src(%arg9 : memref<200x128xf32, #tpu.memory_space<vmem>>) dst(%dma_wait3A_386 : memref<200x128xf32, #tpu.memory_space<hbm>>)
      } else {
      }
      %add3A_190 = arith.constant 1 : i32
      %add3A_191 = arith.addi %add3A_181, %add3A_190 : i32
      %lt3A_192 = arith.constant 32 : i32
      %lt3A_193 = arith.cmpi slt, %add3A_191, %lt3A_192 : i32
      %convert_element_type3A_194 = arith.extui %lt3A_193 : i1 to i32
      %cond3A_195 = arith.constant 0 : i32
      %cond3A_196 = arith.cmpi ne, %convert_element_type3A_194, %cond3A_195 : i32
      scf.if %cond3A_196 {
        %add3A_374 = arith.constant 1 : i32
        %add3A_375 = arith.addi %add3A_181, %add3A_374 : i32
        %mul3A_376 = arith.constant 2 : i32
        %mul3A_377 = arith.muli %mul3A_376, %add3A_375 : i32
        %dma_start3A_378 = arith.constant 1 : i32
        %dma_start3A_379 = arith.constant 0 : i32
        %dma_start3A_380 = arith.constant 0 : i32
        %dma_start3A_381 = tpu.memref_slice %arg9[%dma_start3A_379, %dma_start3A_380] : memref<200x128xf32, #tpu.memory_space<vmem>> -> memref<100x128xf32, #tpu.memory_space<vmem>>
        %dma_start3A_382 = arith.constant 0 : i32
        %dma_start3A_383 = tpu.memref_slice %arg6[%mul3A_377, %dma_start3A_382] : memref<64x100xi32, #tpu.memory_space<vmem>> -> memref<1x100xi32, #tpu.memory_space<vmem>>
        %dma_start3A_384 = tpu.memref_squeeze %dma_start3A_383 : memref<1x100xi32, #tpu.memory_space<vmem>> -> memref<100xi32, #tpu.memory_space<vmem>>
        %dma_start3A_385 = arith.constant 0 : i32
        %dma_start3A_386 = arith.constant 0 : i32
        %dma_start3A_387 = tpu.memref_slice %arg3[%dma_start3A_385, %dma_start3A_386] : memref<100000x128xf32, #tpu.memory_space<hbm>> -> memref<100000x128xf32, #tpu.memory_space<hbm>>
        %dma_start3A_388 = tpu.memref_slice %arg11[%dma_start3A_378] : memref<3x!tpu.dma_semaphore, #tpu.memory_space<semaphore_mem>> -> memref<1x!tpu.dma_semaphore, #tpu.memory_space<semaphore_mem>>
        %dma_start3A_389 = tpu.memref_squeeze %dma_start3A_388 : memref<1x!tpu.dma_semaphore, #tpu.memory_space<semaphore_mem>> -> memref<!tpu.dma_semaphore, #tpu.memory_space<semaphore_mem>>
        tpu.enqueue_indirect_dma source(%dma_start3A_387 : memref<100000x128xf32, #tpu.memory_space<hbm>>) target(%dma_start3A_381 : memref<100x128xf32, #tpu.memory_space<vmem>>) offsets(%dma_start3A_384 : memref<100xi32, #tpu.memory_space<vmem>>) semaphore(%dma_start3A_389 : memref<!tpu.dma_semaphore, #tpu.memory_space<semaphore_mem>>)
        %mul3A_390 = arith.constant 2 : i32
        %mul3A_391 = arith.muli %mul3A_390, %add3A_375 : i32
        %add3A_392 = arith.constant 1 : i32
        %add3A_393 = arith.addi %mul3A_391, %add3A_392 : i32
        %dma_start3A_394 = arith.constant 1 : i32
        %dma_start3A_395 = arith.constant 100 : i32
        %dma_start3A_396 = arith.constant 0 : i32
        %dma_start3A_397 = tpu.memref_slice %arg9[%dma_start3A_395, %dma_start3A_396] : memref<200x128xf32, #tpu.memory_space<vmem>> -> memref<100x128xf32, #tpu.memory_space<vmem>>
        %dma_start3A_398 = arith.constant 0 : i32
        %dma_start3A_399 = tpu.memref_slice %arg6[%add3A_393, %dma_start3A_398] : memref<64x100xi32, #tpu.memory_space<vmem>> -> memref<1x100xi32, #tpu.memory_space<vmem>>
        %dma_start3A_400 = tpu.memref_squeeze %dma_start3A_399 : memref<1x100xi32, #tpu.memory_space<vmem>> -> memref<100xi32, #tpu.memory_space<vmem>>
        %dma_start3A_401 = arith.constant 0 : i32
        %dma_start3A_402 = arith.constant 0 : i32
        %dma_start3A_403 = tpu.memref_slice %arg3[%dma_start3A_401, %dma_start3A_402] : memref<100000x128xf32, #tpu.memory_space<hbm>> -> memref<100000x128xf32, #tpu.memory_space<hbm>>
        %dma_start3A_404 = tpu.memref_slice %arg11[%dma_start3A_394] : memref<3x!tpu.dma_semaphore, #tpu.memory_space<semaphore_mem>> -> memref<1x!tpu.dma_semaphore, #tpu.memory_space<semaphore_mem>>
        %dma_start3A_405 = tpu.memref_squeeze %dma_start3A_404 : memref<1x!tpu.dma_semaphore, #tpu.memory_space<semaphore_mem>> -> memref<!tpu.dma_semaphore, #tpu.memory_space<semaphore_mem>>
        tpu.enqueue_indirect_dma source(%dma_start3A_403 : memref<100000x128xf32, #tpu.memory_space<hbm>>) target(%dma_start3A_397 : memref<100x128xf32, #tpu.memory_space<vmem>>) offsets(%dma_start3A_400 : memref<100xi32, #tpu.memory_space<vmem>>) semaphore(%dma_start3A_405 : memref<!tpu.dma_semaphore, #tpu.memory_space<semaphore_mem>>)
      } else {
      }
      %mul3A_197 = arith.constant 2 : i32
      %mul3A_198 = arith.muli %mul3A_197, %add3A_181 : i32
      %dma_wait3A_199 = arith.constant 0 : i32
      %dma_wait3A_200 = arith.constant 0 : i32
      %dma_wait3A_201 = arith.constant 0 : i32
      %dma_wait3A_202 = tpu.memref_slice %arg8[%dma_wait3A_200, %dma_wait3A_201] : memref<200x128xf32, #tpu.memory_space<vmem>> -> memref<100x128xf32, #tpu.memory_space<vmem>>
      %dma_wait3A_203 = arith.constant 0 : i32
      %dma_wait3A_204 = tpu.memref_slice %arg6[%mul3A_198, %dma_wait3A_203] : memref<64x100xi32, #tpu.memory_space<vmem>> -> memref<1x100xi32, #tpu.memory_space<vmem>>
      %dma_wait3A_205 = tpu.memref_squeeze %dma_wait3A_204 : memref<1x100xi32, #tpu.memory_space<vmem>> -> memref<100xi32, #tpu.memory_space<vmem>>
      %dma_wait3A_206 = arith.constant 0 : i32
      %dma_wait3A_207 = arith.constant 0 : i32
      %dma_wait3A_208 = tpu.memref_slice %arg3[%dma_wait3A_206, %dma_wait3A_207] : memref<100000x128xf32, #tpu.memory_space<hbm>> -> memref<100000x128xf32, #tpu.memory_space<hbm>>
      %dma_wait3A_209 = tpu.memref_slice %arg11[%dma_wait3A_199] : memref<3x!tpu.dma_semaphore, #tpu.memory_space<semaphore_mem>> -> memref<1x!tpu.dma_semaphore, #tpu.memory_space<semaphore_mem>>
      %dma_wait3A_210 = tpu.memref_squeeze %dma_wait3A_209 : memref<1x!tpu.dma_semaphore, #tpu.memory_space<semaphore_mem>> -> memref<!tpu.dma_semaphore, #tpu.memory_space<semaphore_mem>>
      tpu.wait_indirect_dma semaphore(%dma_wait3A_210 : memref<!tpu.dma_semaphore, #tpu.memory_space<semaphore_mem>>) src(%dma_wait3A_208 : memref<100000x128xf32, #tpu.memory_space<hbm>>) dst(%dma_wait3A_202 : memref<100x128xf32, #tpu.memory_space<vmem>>)
      %mul3A_211 = arith.constant 2 : i32
      %mul3A_212 = arith.muli %mul3A_211, %add3A_181 : i32
      %add3A_213 = arith.constant 1 : i32
      %add3A_214 = arith.addi %mul3A_212, %add3A_213 : i32
      %dma_wait3A_215 = arith.constant 0 : i32
      %dma_wait3A_216 = arith.constant 100 : i32
      %dma_wait3A_217 = arith.constant 0 : i32
      %dma_wait3A_218 = tpu.memref_slice %arg8[%dma_wait3A_216, %dma_wait3A_217] : memref<200x128xf32, #tpu.memory_space<vmem>> -> memref<100x128xf32, #tpu.memory_space<vmem>>
      %dma_wait3A_219 = arith.constant 0 : i32
      %dma_wait3A_220 = tpu.memref_slice %arg6[%add3A_214, %dma_wait3A_219] : memref<64x100xi32, #tpu.memory_space<vmem>> -> memref<1x100xi32, #tpu.memory_space<vmem>>
      %dma_wait3A_221 = tpu.memref_squeeze %dma_wait3A_220 : memref<1x100xi32, #tpu.memory_space<vmem>> -> memref<100xi32, #tpu.memory_space<vmem>>
      %dma_wait3A_222 = arith.constant 0 : i32
      %dma_wait3A_223 = arith.constant 0 : i32
      %dma_wait3A_224 = tpu.memref_slice %arg3[%dma_wait3A_222, %dma_wait3A_223] : memref<100000x128xf32, #tpu.memory_space<hbm>> -> memref<100000x128xf32, #tpu.memory_space<hbm>>
      %dma_wait3A_225 = tpu.memref_slice %arg11[%dma_wait3A_215] : memref<3x!tpu.dma_semaphore, #tpu.memory_space<semaphore_mem>> -> memref<1x!tpu.dma_semaphore, #tpu.memory_space<semaphore_mem>>
      %dma_wait3A_226 = tpu.memref_squeeze %dma_wait3A_225 : memref<1x!tpu.dma_semaphore, #tpu.memory_space<semaphore_mem>> -> memref<!tpu.dma_semaphore, #tpu.memory_space<semaphore_mem>>
      tpu.wait_indirect_dma semaphore(%dma_wait3A_226 : memref<!tpu.dma_semaphore, #tpu.memory_space<semaphore_mem>>) src(%dma_wait3A_224 : memref<100000x128xf32, #tpu.memory_space<hbm>>) dst(%dma_wait3A_218 : memref<100x128xf32, #tpu.memory_space<vmem>>)
      %parallel_loop3A_227 = arith.constant 0 : i32
      %parallel_loop3A_228 = arith.constant 200 : i32
      %parallel_loop3A_229 = arith.constant 1 : i32
      scf.for %parallel_loop3A_374 = %parallel_loop3A_227 to %parallel_loop3A_228 step %parallel_loop3A_229  : i32 {
        %parallel_loop3A_375 = arith.index_cast %parallel_loop3A_374 : i32 to index
        %parallel_loop3A_376 = arith.constant 0 : index
        %parallel_loop3A_377 = tpu.vector_load %arg8[%parallel_loop3A_375, %parallel_loop3A_376] {strides = array<i32>} : memref<200x128xf32, #tpu.memory_space<vmem>>, vector<1x16xf32>,
        %parallel_loop3A_378 = vector.shape_cast %parallel_loop3A_377 : vector<1x16xf32> to vector<16xf32>
        %parallel_loop3A_379 = arith.index_cast %parallel_loop3A_374 : i32 to index
        %parallel_loop3A_380 = arith.constant 0 : index
        %parallel_loop3A_381 = tpu.vector_load %arg7[%parallel_loop3A_379, %parallel_loop3A_380] {strides = array<i32>} : memref<200x128xf32, #tpu.memory_space<vmem>>, vector<1x16xf32>,
        %parallel_loop3A_382 = vector.shape_cast %parallel_loop3A_381 : vector<1x16xf32> to vector<16xf32>
        %parallel_loop3A_383 = arith.addf %parallel_loop3A_378, %parallel_loop3A_382 : vector<16xf32>
        %parallel_loop3A_384 = arith.index_cast %parallel_loop3A_374 : i32 to index
        %parallel_loop3A_385 = arith.constant 0 : index
        %parallel_loop3A_386 = tpu.vector_load %arg8[%parallel_loop3A_384, %parallel_loop3A_385] {strides = array<i32>} : memref<200x128xf32, #tpu.memory_space<vmem>>, vector<1x16xf32>,
        %parallel_loop3A_387 = vector.shape_cast %parallel_loop3A_386 : vector<1x16xf32> to vector<16xf32>
        %parallel_loop3A_388 = vector.shape_cast %parallel_loop3A_383 : vector<16xf32> to vector<1x16xf32>
        tpu.vector_store %arg8[%parallel_loop3A_384, %parallel_loop3A_385], %parallel_loop3A_388 {strides = array<i32>} : memref<200x128xf32, #tpu.memory_space<vmem>>, vector<1x16xf32>,
        %parallel_loop3A_389 = arith.index_cast %parallel_loop3A_374 : i32 to index
        %parallel_loop3A_390 = arith.constant 16 : index
        %parallel_loop3A_391 = tpu.vector_load %arg8[%parallel_loop3A_389, %parallel_loop3A_390] {strides = array<i32>} : memref<200x128xf32, #tpu.memory_space<vmem>>, vector<1x16xf32>,
        %parallel_loop3A_392 = vector.shape_cast %parallel_loop3A_391 : vector<1x16xf32> to vector<16xf32>
        %parallel_loop3A_393 = arith.index_cast %parallel_loop3A_374 : i32 to index
        %parallel_loop3A_394 = arith.constant 16 : index
        %parallel_loop3A_395 = tpu.vector_load %arg7[%parallel_loop3A_393, %parallel_loop3A_394] {strides = array<i32>} : memref<200x128xf32, #tpu.memory_space<vmem>>, vector<1x16xf32>,
        %parallel_loop3A_396 = vector.shape_cast %parallel_loop3A_395 : vector<1x16xf32> to vector<16xf32>
        %parallel_loop3A_397 = arith.addf %parallel_loop3A_392, %parallel_loop3A_396 : vector<16xf32>
        %parallel_loop3A_398 = arith.index_cast %parallel_loop3A_374 : i32 to index
        %parallel_loop3A_399 = arith.constant 16 : index
        %parallel_loop3A_400 = tpu.vector_load %arg8[%parallel_loop3A_398, %parallel_loop3A_399] {strides = array<i32>} : memref<200x128xf32, #tpu.memory_space<vmem>>, vector<1x16xf32>,
        %parallel_loop3A_401 = vector.shape_cast %parallel_loop3A_400 : vector<1x16xf32> to vector<16xf32>
        %parallel_loop3A_402 = vector.shape_cast %parallel_loop3A_397 : vector<16xf32> to vector<1x16xf32>
        tpu.vector_store %arg8[%parallel_loop3A_398, %parallel_loop3A_399], %parallel_loop3A_402 {strides = array<i32>} : memref<200x128xf32, #tpu.memory_space<vmem>>, vector<1x16xf32>,
        %parallel_loop3A_403 = arith.index_cast %parallel_loop3A_374 : i32 to index
        %parallel_loop3A_404 = arith.constant 32 : index
        %parallel_loop3A_405 = tpu.vector_load %arg8[%parallel_loop3A_403, %parallel_loop3A_404] {strides = array<i32>} : memref<200x128xf32, #tpu.memory_space<vmem>>, vector<1x16xf32>,
        %parallel_loop3A_406 = vector.shape_cast %parallel_loop3A_405 : vector<1x16xf32> to vector<16xf32>
        %parallel_loop3A_407 = arith.index_cast %parallel_loop3A_374 : i32 to index
        %parallel_loop3A_408 = arith.constant 32 : index
        %parallel_loop3A_409 = tpu.vector_load %arg7[%parallel_loop3A_407, %parallel_loop3A_408] {strides = array<i32>} : memref<200x128xf32, #tpu.memory_space<vmem>>, vector<1x16xf32>,
        %parallel_loop3A_410 = vector.shape_cast %parallel_loop3A_409 : vector<1x16xf32> to vector<16xf32>
        %parallel_loop3A_411 = arith.addf %parallel_loop3A_406, %parallel_loop3A_410 : vector<16xf32>
        %parallel_loop3A_412 = arith.index_cast %parallel_loop3A_374 : i32 to index
        %parallel_loop3A_413 = arith.constant 32 : index
        %parallel_loop3A_414 = tpu.vector_load %arg8[%parallel_loop3A_412, %parallel_loop3A_413] {strides = array<i32>} : memref<200x128xf32, #tpu.memory_space<vmem>>, vector<1x16xf32>,
        %parallel_loop3A_415 = vector.shape_cast %parallel_loop3A_414 : vector<1x16xf32> to vector<16xf32>
        %parallel_loop3A_416 = vector.shape_cast %parallel_loop3A_411 : vector<16xf32> to vector<1x16xf32>
        tpu.vector_store %arg8[%parallel_loop3A_412, %parallel_loop3A_413], %parallel_loop3A_416 {strides = array<i32>} : memref<200x128xf32, #tpu.memory_space<vmem>>, vector<1x16xf32>,
        %parallel_loop3A_417 = arith.index_cast %parallel_loop3A_374 : i32 to index
        %parallel_loop3A_418 = arith.constant 48 : index
        %parallel_loop3A_419 = tpu.vector_load %arg8[%parallel_loop3A_417, %parallel_loop3A_418] {strides = array<i32>} : memref<200x128xf32, #tpu.memory_space<vmem>>, vector<1x16xf32>,
        %parallel_loop3A_420 = vector.shape_cast %parallel_loop3A_419 : vector<1x16xf32> to vector<16xf32>
        %parallel_loop3A_421 = arith.index_cast %parallel_loop3A_374 : i32 to index
        %parallel_loop3A_422 = arith.constant 48 : index
        %parallel_loop3A_423 = tpu.vector_load %arg7[%parallel_loop3A_421, %parallel_loop3A_422] {strides = array<i32>} : memref<200x128xf32, #tpu.memory_space<vmem>>, vector<1x16xf32>,
        %parallel_loop3A_424 = vector.shape_cast %parallel_loop3A_423 : vector<1x16xf32> to vector<16xf32>
        %parallel_loop3A_425 = arith.addf %parallel_loop3A_420, %parallel_loop3A_424 : vector<16xf32>
        %parallel_loop3A_426 = arith.index_cast %parallel_loop3A_374 : i32 to index
        %parallel_loop3A_427 = arith.constant 48 : index
        %parallel_loop3A_428 = tpu.vector_load %arg8[%parallel_loop3A_426, %parallel_loop3A_427] {strides = array<i32>} : memref<200x128xf32, #tpu.memory_space<vmem>>, vector<1x16xf32>,
        %parallel_loop3A_429 = vector.shape_cast %parallel_loop3A_428 : vector<1x16xf32> to vector<16xf32>
        %parallel_loop3A_430 = vector.shape_cast %parallel_loop3A_425 : vector<16xf32> to vector<1x16xf32>
        tpu.vector_store %arg8[%parallel_loop3A_426, %parallel_loop3A_427], %parallel_loop3A_430 {strides = array<i32>} : memref<200x128xf32, #tpu.memory_space<vmem>>, vector<1x16xf32>,
        %parallel_loop3A_431 = arith.index_cast %parallel_loop3A_374 : i32 to index
        %parallel_loop3A_432 = arith.constant 64 : index
        %parallel_loop3A_433 = tpu.vector_load %arg8[%parallel_loop3A_431, %parallel_loop3A_432] {strides = array<i32>} : memref<200x128xf32, #tpu.memory_space<vmem>>, vector<1x16xf32>,
        %parallel_loop3A_434 = vector.shape_cast %parallel_loop3A_433 : vector<1x16xf32> to vector<16xf32>
        %parallel_loop3A_435 = arith.index_cast %parallel_loop3A_374 : i32 to index
        %parallel_loop3A_436 = arith.constant 64 : index
        %parallel_loop3A_437 = tpu.vector_load %arg7[%parallel_loop3A_435, %parallel_loop3A_436] {strides = array<i32>} : memref<200x128xf32, #tpu.memory_space<vmem>>, vector<1x16xf32>,
        %parallel_loop3A_438 = vector.shape_cast %parallel_loop3A_437 : vector<1x16xf32> to vector<16xf32>
        %parallel_loop3A_439 = arith.addf %parallel_loop3A_434, %parallel_loop3A_438 : vector<16xf32>
        %parallel_loop3A_440 = arith.index_cast %parallel_loop3A_374 : i32 to index
        %parallel_loop3A_441 = arith.constant 64 : index
        %parallel_loop3A_442 = tpu.vector_load %arg8[%parallel_loop3A_440, %parallel_loop3A_441] {strides = array<i32>} : memref<200x128xf32, #tpu.memory_space<vmem>>, vector<1x16xf32>,
        %parallel_loop3A_443 = vector.shape_cast %parallel_loop3A_442 : vector<1x16xf32> to vector<16xf32>
        %parallel_loop3A_444 = vector.shape_cast %parallel_loop3A_439 : vector<16xf32> to vector<1x16xf32>
        tpu.vector_store %arg8[%parallel_loop3A_440, %parallel_loop3A_441], %parallel_loop3A_444 {strides = array<i32>} : memref<200x128xf32, #tpu.memory_space<vmem>>, vector<1x16xf32>,
        %parallel_loop3A_445 = arith.index_cast %parallel_loop3A_374 : i32 to index
        %parallel_loop3A_446 = arith.constant 80 : index
        %parallel_loop3A_447 = tpu.vector_load %arg8[%parallel_loop3A_445, %parallel_loop3A_446] {strides = array<i32>} : memref<200x128xf32, #tpu.memory_space<vmem>>, vector<1x16xf32>,
        %parallel_loop3A_448 = vector.shape_cast %parallel_loop3A_447 : vector<1x16xf32> to vector<16xf32>
        %parallel_loop3A_449 = arith.index_cast %parallel_loop3A_374 : i32 to index
        %parallel_loop3A_450 = arith.constant 80 : index
        %parallel_loop3A_451 = tpu.vector_load %arg7[%parallel_loop3A_449, %parallel_loop3A_450] {strides = array<i32>} : memref<200x128xf32, #tpu.memory_space<vmem>>, vector<1x16xf32>,
        %parallel_loop3A_452 = vector.shape_cast %parallel_loop3A_451 : vector<1x16xf32> to vector<16xf32>
        %parallel_loop3A_453 = arith.addf %parallel_loop3A_448, %parallel_loop3A_452 : vector<16xf32>
        %parallel_loop3A_454 = arith.index_cast %parallel_loop3A_374 : i32 to index
        %parallel_loop3A_455 = arith.constant 80 : index
        %parallel_loop3A_456 = tpu.vector_load %arg8[%parallel_loop3A_454, %parallel_loop3A_455] {strides = array<i32>} : memref<200x128xf32, #tpu.memory_space<vmem>>, vector<1x16xf32>,
        %parallel_loop3A_457 = vector.shape_cast %parallel_loop3A_456 : vector<1x16xf32> to vector<16xf32>
        %parallel_loop3A_458 = vector.shape_cast %parallel_loop3A_453 : vector<16xf32> to vector<1x16xf32>
        tpu.vector_store %arg8[%parallel_loop3A_454, %parallel_loop3A_455], %parallel_loop3A_458 {strides = array<i32>} : memref<200x128xf32, #tpu.memory_space<vmem>>, vector<1x16xf32>,
        %parallel_loop3A_459 = arith.index_cast %parallel_loop3A_374 : i32 to index
        %parallel_loop3A_460 = arith.constant 96 : index
        %parallel_loop3A_461 = tpu.vector_load %arg8[%parallel_loop3A_459, %parallel_loop3A_460] {strides = array<i32>} : memref<200x128xf32, #tpu.memory_space<vmem>>, vector<1x16xf32>,
        %parallel_loop3A_462 = vector.shape_cast %parallel_loop3A_461 : vector<1x16xf32> to vector<16xf32>
        %parallel_loop3A_463 = arith.index_cast %parallel_loop3A_374 : i32 to index
        %parallel_loop3A_464 = arith.constant 96 : index
        %parallel_loop3A_465 = tpu.vector_load %arg7[%parallel_loop3A_463, %parallel_loop3A_464] {strides = array<i32>} : memref<200x128xf32, #tpu.memory_space<vmem>>, vector<1x16xf32>,
        %parallel_loop3A_466 = vector.shape_cast %parallel_loop3A_465 : vector<1x16xf32> to vector<16xf32>
        %parallel_loop3A_467 = arith.addf %parallel_loop3A_462, %parallel_loop3A_466 : vector<16xf32>
        %parallel_loop3A_468 = arith.index_cast %parallel_loop3A_374 : i32 to index
        %parallel_loop3A_469 = arith.constant 96 : index
        %parallel_loop3A_470 = tpu.vector_load %arg8[%parallel_loop3A_468, %parallel_loop3A_469] {strides = array<i32>} : memref<200x128xf32, #tpu.memory_space<vmem>>, vector<1x16xf32>,
        %parallel_loop3A_471 = vector.shape_cast %parallel_loop3A_470 : vector<1x16xf32> to vector<16xf32>
        %parallel_loop3A_472 = vector.shape_cast %parallel_loop3A_467 : vector<16xf32> to vector<1x16xf32>
        tpu.vector_store %arg8[%parallel_loop3A_468, %parallel_loop3A_469], %parallel_loop3A_472 {strides = array<i32>} : memref<200x128xf32, #tpu.memory_space<vmem>>, vector<1x16xf32>,
        %parallel_loop3A_473 = arith.index_cast %parallel_loop3A_374 : i32 to index
        %parallel_loop3A_474 = arith.constant 112 : index
        %parallel_loop3A_475 = tpu.vector_load %arg8[%parallel_loop3A_473, %parallel_loop3A_474] {strides = array<i32>} : memref<200x128xf32, #tpu.memory_space<vmem>>, vector<1x16xf32>,
        %parallel_loop3A_476 = vector.shape_cast %parallel_loop3A_475 : vector<1x16xf32> to vector<16xf32>
        %parallel_loop3A_477 = arith.index_cast %parallel_loop3A_374 : i32 to index
        %parallel_loop3A_478 = arith.constant 112 : index
        %parallel_loop3A_479 = tpu.vector_load %arg7[%parallel_loop3A_477, %parallel_loop3A_478] {strides = array<i32>} : memref<200x128xf32, #tpu.memory_space<vmem>>, vector<1x16xf32>,
        %parallel_loop3A_480 = vector.shape_cast %parallel_loop3A_479 : vector<1x16xf32> to vector<16xf32>
        %parallel_loop3A_481 = arith.addf %parallel_loop3A_476, %parallel_loop3A_480 : vector<16xf32>
        %parallel_loop3A_482 = arith.index_cast %parallel_loop3A_374 : i32 to index
        %parallel_loop3A_483 = arith.constant 112 : index
        %parallel_loop3A_484 = tpu.vector_load %arg8[%parallel_loop3A_482, %parallel_loop3A_483] {strides = array<i32>} : memref<200x128xf32, #tpu.memory_space<vmem>>, vector<1x16xf32>,
        %parallel_loop3A_485 = vector.shape_cast %parallel_loop3A_484 : vector<1x16xf32> to vector<16xf32>
        %parallel_loop3A_486 = vector.shape_cast %parallel_loop3A_481 : vector<16xf32> to vector<1x16xf32>
        tpu.vector_store %arg8[%parallel_loop3A_482, %parallel_loop3A_483], %parallel_loop3A_486 {strides = array<i32>} : memref<200x128xf32, #tpu.memory_space<vmem>>, vector<1x16xf32>,
      } {sc.loop_unroll_factor = 4 : i64, sc.parallel_access}
      %mul3A_230 = arith.constant 6400 : i32
      %mul3A_231 = arith.muli %add3A, %mul3A_230 : i32
      %mul3A_232 = arith.constant 200 : i32
      %mul3A_233 = arith.muli %add3A_181, %mul3A_232 : i32
      %add3A_234 = arith.addi %mul3A_231, %mul3A_233 : i32
      %dma_start3A_235 = arith.constant 0 : i32
      %dma_start3A_236 = arith.constant 0 : i32
      %dma_start3A_237 = tpu.memref_slice %arg5[%add3A_234, %dma_start3A_236] : memref<204800x128xf32, #tpu.memory_space<hbm>> -> memref<200x128xf32, #tpu.memory_space<hbm>>
      %dma_start3A_238 = tpu.memref_slice %arg12[%dma_start3A_235] : memref<3x!tpu.dma_semaphore, #tpu.memory_space<semaphore_mem>> -> memref<1x!tpu.dma_semaphore, #tpu.memory_space<semaphore_mem>>
      %dma_start3A_239 = tpu.memref_squeeze %dma_start3A_238 : memref<1x!tpu.dma_semaphore, #tpu.memory_space<semaphore_mem>> -> memref<!tpu.dma_semaphore, #tpu.memory_space<semaphore_mem>>
      %dma_start3A_240 = arith.constant 0 : i32
      %dma_start3A_241 = tpu.memref_slice %arg5[%add3A_234, %dma_start3A_240] : memref<204800x128xf32, #tpu.memory_space<hbm>> -> memref<200x128xf32, #tpu.memory_space<hbm>>
      tpu.enqueue_dma source(%arg8 : memref<200x128xf32, #tpu.memory_space<vmem>>) target(%dma_start3A_241 : memref<200x128xf32, #tpu.memory_space<hbm>>) target_semaphore(%dma_start3A_239 : memref<!tpu.dma_semaphore, #tpu.memory_space<semaphore_mem>>)
      %mul3A_242 = arith.constant 3 : i32
      %mul3A_243 = arith.muli %scan3A_177, %mul3A_242 : i32
      %add3A_244 = arith.constant 1 : i32
      %add3A_245 = arith.addi %mul3A_243, %add3A_244 : i32
      %ge3A_246 = arith.constant 2 : i32
      %ge3A_247 = arith.cmpi sge, %add3A_245, %ge3A_246 : i32
      %add3A_248 = arith.constant 1 : i32
      %add3A_249 = arith.addi %add3A_245, %add3A_248 : i32
      %lt3A_250 = arith.constant 32 : i32
      %lt3A_251 = arith.cmpi slt, %add3A_249, %lt3A_250 : i32
      %and3A_252 = arith.andi %ge3A_247, %lt3A_251 : i1
      %convert_element_type3A_253 = arith.extui %and3A_252 : i1 to i32
      %cond3A_254 = arith.constant 0 : i32
      %cond3A_255 = arith.cmpi ne, %convert_element_type3A_253, %cond3A_254 : i32
      scf.if %cond3A_255 {
        %sub3A = arith.constant 2 : i32
        %sub3A_374 = arith.subi %add3A_245, %sub3A : i32
        %mul3A_375 = arith.constant 6400 : i32
        %mul3A_376 = arith.muli %add3A, %mul3A_375 : i32
        %mul3A_377 = arith.constant 200 : i32
        %mul3A_378 = arith.muli %sub3A_374, %mul3A_377 : i32
        %add3A_379 = arith.addi %mul3A_376, %mul3A_378 : i32
        %dma_wait3A_380 = arith.constant 2 : i32
        %dma_wait3A_381 = arith.constant 0 : i32
        %dma_wait3A_382 = tpu.memref_slice %arg5[%add3A_379, %dma_wait3A_381] : memref<204800x128xf32, #tpu.memory_space<hbm>> -> memref<200x128xf32, #tpu.memory_space<hbm>>
        %dma_wait3A_383 = tpu.memref_slice %arg12[%dma_wait3A_380] : memref<3x!tpu.dma_semaphore, #tpu.memory_space<semaphore_mem>> -> memref<1x!tpu.dma_semaphore, #tpu.memory_space<semaphore_mem>>
        %dma_wait3A_384 = tpu.memref_squeeze %dma_wait3A_383 : memref<1x!tpu.dma_semaphore, #tpu.memory_space<semaphore_mem>> -> memref<!tpu.dma_semaphore, #tpu.memory_space<semaphore_mem>>
        %dma_wait3A_385 = arith.constant 0 : i32
        %dma_wait3A_386 = tpu.memref_slice %arg5[%add3A_379, %dma_wait3A_385] : memref<204800x128xf32, #tpu.memory_space<hbm>> -> memref<200x128xf32, #tpu.memory_space<hbm>>
        tpu.wait_dma2 semaphore(%dma_wait3A_384 : memref<!tpu.dma_semaphore, #tpu.memory_space<semaphore_mem>>) src(%arg10 : memref<200x128xf32, #tpu.memory_space<vmem>>) dst(%dma_wait3A_386 : memref<200x128xf32, #tpu.memory_space<hbm>>)
      } else {
      }
      %add3A_256 = arith.constant 1 : i32
      %add3A_257 = arith.addi %add3A_245, %add3A_256 : i32
      %lt3A_258 = arith.constant 32 : i32
      %lt3A_259 = arith.cmpi slt, %add3A_257, %lt3A_258 : i32
      %convert_element_type3A_260 = arith.extui %lt3A_259 : i1 to i32
      %cond3A_261 = arith.constant 0 : i32
      %cond3A_262 = arith.cmpi ne, %convert_element_type3A_260, %cond3A_261 : i32
      scf.if %cond3A_262 {
        %add3A_374 = arith.constant 1 : i32
        %add3A_375 = arith.addi %add3A_245, %add3A_374 : i32
        %mul3A_376 = arith.constant 2 : i32
        %mul3A_377 = arith.muli %mul3A_376, %add3A_375 : i32
        %dma_start3A_378 = arith.constant 2 : i32
        %dma_start3A_379 = arith.constant 0 : i32
        %dma_start3A_380 = arith.constant 0 : i32
        %dma_start3A_381 = tpu.memref_slice %arg10[%dma_start3A_379, %dma_start3A_380] : memref<200x128xf32, #tpu.memory_space<vmem>> -> memref<100x128xf32, #tpu.memory_space<vmem>>
        %dma_start3A_382 = arith.constant 0 : i32
        %dma_start3A_383 = tpu.memref_slice %arg6[%mul3A_377, %dma_start3A_382] : memref<64x100xi32, #tpu.memory_space<vmem>> -> memref<1x100xi32, #tpu.memory_space<vmem>>
        %dma_start3A_384 = tpu.memref_squeeze %dma_start3A_383 : memref<1x100xi32, #tpu.memory_space<vmem>> -> memref<100xi32, #tpu.memory_space<vmem>>
        %dma_start3A_385 = arith.constant 0 : i32
        %dma_start3A_386 = arith.constant 0 : i32
        %dma_start3A_387 = tpu.memref_slice %arg3[%dma_start3A_385, %dma_start3A_386] : memref<100000x128xf32, #tpu.memory_space<hbm>> -> memref<100000x128xf32, #tpu.memory_space<hbm>>
        %dma_start3A_388 = tpu.memref_slice %arg11[%dma_start3A_378] : memref<3x!tpu.dma_semaphore, #tpu.memory_space<semaphore_mem>> -> memref<1x!tpu.dma_semaphore, #tpu.memory_space<semaphore_mem>>
        %dma_start3A_389 = tpu.memref_squeeze %dma_start3A_388 : memref<1x!tpu.dma_semaphore, #tpu.memory_space<semaphore_mem>> -> memref<!tpu.dma_semaphore, #tpu.memory_space<semaphore_mem>>
        tpu.enqueue_indirect_dma source(%dma_start3A_387 : memref<100000x128xf32, #tpu.memory_space<hbm>>) target(%dma_start3A_381 : memref<100x128xf32, #tpu.memory_space<vmem>>) offsets(%dma_start3A_384 : memref<100xi32, #tpu.memory_space<vmem>>) semaphore(%dma_start3A_389 : memref<!tpu.dma_semaphore, #tpu.memory_space<semaphore_mem>>)
        %mul3A_390 = arith.constant 2 : i32
        %mul3A_391 = arith.muli %mul3A_390, %add3A_375 : i32
        %add3A_392 = arith.constant 1 : i32
        %add3A_393 = arith.addi %mul3A_391, %add3A_392 : i32
        %dma_start3A_394 = arith.constant 2 : i32
        %dma_start3A_395 = arith.constant 100 : i32
        %dma_start3A_396 = arith.constant 0 : i32
        %dma_start3A_397 = tpu.memref_slice %arg10[%dma_start3A_395, %dma_start3A_396] : memref<200x128xf32, #tpu.memory_space<vmem>> -> memref<100x128xf32, #tpu.memory_space<vmem>>
        %dma_start3A_398 = arith.constant 0 : i32
        %dma_start3A_399 = tpu.memref_slice %arg6[%add3A_393, %dma_start3A_398] : memref<64x100xi32, #tpu.memory_space<vmem>> -> memref<1x100xi32, #tpu.memory_space<vmem>>
        %dma_start3A_400 = tpu.memref_squeeze %dma_start3A_399 : memref<1x100xi32, #tpu.memory_space<vmem>> -> memref<100xi32, #tpu.memory_space<vmem>>
        %dma_start3A_401 = arith.constant 0 : i32
        %dma_start3A_402 = arith.constant 0 : i32
        %dma_start3A_403 = tpu.memref_slice %arg3[%dma_start3A_401, %dma_start3A_402] : memref<100000x128xf32, #tpu.memory_space<hbm>> -> memref<100000x128xf32, #tpu.memory_space<hbm>>
        %dma_start3A_404 = tpu.memref_slice %arg11[%dma_start3A_394] : memref<3x!tpu.dma_semaphore, #tpu.memory_space<semaphore_mem>> -> memref<1x!tpu.dma_semaphore, #tpu.memory_space<semaphore_mem>>
        %dma_start3A_405 = tpu.memref_squeeze %dma_start3A_404 : memref<1x!tpu.dma_semaphore, #tpu.memory_space<semaphore_mem>> -> memref<!tpu.dma_semaphore, #tpu.memory_space<semaphore_mem>>
        tpu.enqueue_indirect_dma source(%dma_start3A_403 : memref<100000x128xf32, #tpu.memory_space<hbm>>) target(%dma_start3A_397 : memref<100x128xf32, #tpu.memory_space<vmem>>) offsets(%dma_start3A_400 : memref<100xi32, #tpu.memory_space<vmem>>) semaphore(%dma_start3A_405 : memref<!tpu.dma_semaphore, #tpu.memory_space<semaphore_mem>>)
      } else {
      }
      %mul3A_263 = arith.constant 2 : i32
      %mul3A_264 = arith.muli %mul3A_263, %add3A_245 : i32
      %dma_wait3A_265 = arith.constant 1 : i32
      %dma_wait3A_266 = arith.constant 0 : i32
      %dma_wait3A_267 = arith.constant 0 : i32
      %dma_wait3A_268 = tpu.memref_slice %arg9[%dma_wait3A_266, %dma_wait3A_267] : memref<200x128xf32, #tpu.memory_space<vmem>> -> memref<100x128xf32, #tpu.memory_space<vmem>>
      %dma_wait3A_269 = arith.constant 0 : i32
      %dma_wait3A_270 = tpu.memref_slice %arg6[%mul3A_264, %dma_wait3A_269] : memref<64x100xi32, #tpu.memory_space<vmem>> -> memref<1x100xi32, #tpu.memory_space<vmem>>
      %dma_wait3A_271 = tpu.memref_squeeze %dma_wait3A_270 : memref<1x100xi32, #tpu.memory_space<vmem>> -> memref<100xi32, #tpu.memory_space<vmem>>
      %dma_wait3A_272 = arith.constant 0 : i32
      %dma_wait3A_273 = arith.constant 0 : i32
      %dma_wait3A_274 = tpu.memref_slice %arg3[%dma_wait3A_272, %dma_wait3A_273] : memref<100000x128xf32, #tpu.memory_space<hbm>> -> memref<100000x128xf32, #tpu.memory_space<hbm>>
      %dma_wait3A_275 = tpu.memref_slice %arg11[%dma_wait3A_265] : memref<3x!tpu.dma_semaphore, #tpu.memory_space<semaphore_mem>> -> memref<1x!tpu.dma_semaphore, #tpu.memory_space<semaphore_mem>>
      %dma_wait3A_276 = tpu.memref_squeeze %dma_wait3A_275 : memref<1x!tpu.dma_semaphore, #tpu.memory_space<semaphore_mem>> -> memref<!tpu.dma_semaphore, #tpu.memory_space<semaphore_mem>>
      tpu.wait_indirect_dma semaphore(%dma_wait3A_276 : memref<!tpu.dma_semaphore, #tpu.memory_space<semaphore_mem>>) src(%dma_wait3A_274 : memref<100000x128xf32, #tpu.memory_space<hbm>>) dst(%dma_wait3A_268 : memref<100x128xf32, #tpu.memory_space<vmem>>)
      %mul3A_277 = arith.constant 2 : i32
      %mul3A_278 = arith.muli %mul3A_277, %add3A_245 : i32
      %add3A_279 = arith.constant 1 : i32
      %add3A_280 = arith.addi %mul3A_278, %add3A_279 : i32
      %dma_wait3A_281 = arith.constant 1 : i32
      %dma_wait3A_282 = arith.constant 100 : i32
      %dma_wait3A_283 = arith.constant 0 : i32
      %dma_wait3A_284 = tpu.memref_slice %arg9[%dma_wait3A_282, %dma_wait3A_283] : memref<200x128xf32, #tpu.memory_space<vmem>> -> memref<100x128xf32, #tpu.memory_space<vmem>>
      %dma_wait3A_285 = arith.constant 0 : i32
      %dma_wait3A_286 = tpu.memref_slice %arg6[%add3A_280, %dma_wait3A_285] : memref<64x100xi32, #tpu.memory_space<vmem>> -> memref<1x100xi32, #tpu.memory_space<vmem>>
      %dma_wait3A_287 = tpu.memref_squeeze %dma_wait3A_286 : memref<1x100xi32, #tpu.memory_space<vmem>> -> memref<100xi32, #tpu.memory_space<vmem>>
      %dma_wait3A_288 = arith.constant 0 : i32
      %dma_wait3A_289 = arith.constant 0 : i32
      %dma_wait3A_290 = tpu.memref_slice %arg3[%dma_wait3A_288, %dma_wait3A_289] : memref<100000x128xf32, #tpu.memory_space<hbm>> -> memref<100000x128xf32, #tpu.memory_space<hbm>>
      %dma_wait3A_291 = tpu.memref_slice %arg11[%dma_wait3A_281] : memref<3x!tpu.dma_semaphore, #tpu.memory_space<semaphore_mem>> -> memref<1x!tpu.dma_semaphore, #tpu.memory_space<semaphore_mem>>
      %dma_wait3A_292 = tpu.memref_squeeze %dma_wait3A_291 : memref<1x!tpu.dma_semaphore, #tpu.memory_space<semaphore_mem>> -> memref<!tpu.dma_semaphore, #tpu.memory_space<semaphore_mem>>
      tpu.wait_indirect_dma semaphore(%dma_wait3A_292 : memref<!tpu.dma_semaphore, #tpu.memory_space<semaphore_mem>>) src(%dma_wait3A_290 : memref<100000x128xf32, #tpu.memory_space<hbm>>) dst(%dma_wait3A_284 : memref<100x128xf32, #tpu.memory_space<vmem>>)
      %parallel_loop3A_293 = arith.constant 0 : i32
      %parallel_loop3A_294 = arith.constant 200 : i32
      %parallel_loop3A_295 = arith.constant 1 : i32
      scf.for %parallel_loop3A_374 = %parallel_loop3A_293 to %parallel_loop3A_294 step %parallel_loop3A_295  : i32 {
        %parallel_loop3A_375 = arith.index_cast %parallel_loop3A_374 : i32 to index
        %parallel_loop3A_376 = arith.constant 0 : index
        %parallel_loop3A_377 = tpu.vector_load %arg9[%parallel_loop3A_375, %parallel_loop3A_376] {strides = array<i32>} : memref<200x128xf32, #tpu.memory_space<vmem>>, vector<1x16xf32>,
        %parallel_loop3A_378 = vector.shape_cast %parallel_loop3A_377 : vector<1x16xf32> to vector<16xf32>
        %parallel_loop3A_379 = arith.index_cast %parallel_loop3A_374 : i32 to index
        %parallel_loop3A_380 = arith.constant 0 : index
        %parallel_loop3A_381 = tpu.vector_load %arg7[%parallel_loop3A_379, %parallel_loop3A_380] {strides = array<i32>} : memref<200x128xf32, #tpu.memory_space<vmem>>, vector<1x16xf32>,
        %parallel_loop3A_382 = vector.shape_cast %parallel_loop3A_381 : vector<1x16xf32> to vector<16xf32>
        %parallel_loop3A_383 = arith.addf %parallel_loop3A_378, %parallel_loop3A_382 : vector<16xf32>
        %parallel_loop3A_384 = arith.index_cast %parallel_loop3A_374 : i32 to index
        %parallel_loop3A_385 = arith.constant 0 : index
        %parallel_loop3A_386 = tpu.vector_load %arg9[%parallel_loop3A_384, %parallel_loop3A_385] {strides = array<i32>} : memref<200x128xf32, #tpu.memory_space<vmem>>, vector<1x16xf32>,
        %parallel_loop3A_387 = vector.shape_cast %parallel_loop3A_386 : vector<1x16xf32> to vector<16xf32>
        %parallel_loop3A_388 = vector.shape_cast %parallel_loop3A_383 : vector<16xf32> to vector<1x16xf32>
        tpu.vector_store %arg9[%parallel_loop3A_384, %parallel_loop3A_385], %parallel_loop3A_388 {strides = array<i32>} : memref<200x128xf32, #tpu.memory_space<vmem>>, vector<1x16xf32>,
        %parallel_loop3A_389 = arith.index_cast %parallel_loop3A_374 : i32 to index
        %parallel_loop3A_390 = arith.constant 16 : index
        %parallel_loop3A_391 = tpu.vector_load %arg9[%parallel_loop3A_389, %parallel_loop3A_390] {strides = array<i32>} : memref<200x128xf32, #tpu.memory_space<vmem>>, vector<1x16xf32>,
        %parallel_loop3A_392 = vector.shape_cast %parallel_loop3A_391 : vector<1x16xf32> to vector<16xf32>
        %parallel_loop3A_393 = arith.index_cast %parallel_loop3A_374 : i32 to index
        %parallel_loop3A_394 = arith.constant 16 : index
        %parallel_loop3A_395 = tpu.vector_load %arg7[%parallel_loop3A_393, %parallel_loop3A_394] {strides = array<i32>} : memref<200x128xf32, #tpu.memory_space<vmem>>, vector<1x16xf32>,
        %parallel_loop3A_396 = vector.shape_cast %parallel_loop3A_395 : vector<1x16xf32> to vector<16xf32>
        %parallel_loop3A_397 = arith.addf %parallel_loop3A_392, %parallel_loop3A_396 : vector<16xf32>
        %parallel_loop3A_398 = arith.index_cast %parallel_loop3A_374 : i32 to index
        %parallel_loop3A_399 = arith.constant 16 : index
        %parallel_loop3A_400 = tpu.vector_load %arg9[%parallel_loop3A_398, %parallel_loop3A_399] {strides = array<i32>} : memref<200x128xf32, #tpu.memory_space<vmem>>, vector<1x16xf32>,
        %parallel_loop3A_401 = vector.shape_cast %parallel_loop3A_400 : vector<1x16xf32> to vector<16xf32>
        %parallel_loop3A_402 = vector.shape_cast %parallel_loop3A_397 : vector<16xf32> to vector<1x16xf32>
        tpu.vector_store %arg9[%parallel_loop3A_398, %parallel_loop3A_399], %parallel_loop3A_402 {strides = array<i32>} : memref<200x128xf32, #tpu.memory_space<vmem>>, vector<1x16xf32>,
        %parallel_loop3A_403 = arith.index_cast %parallel_loop3A_374 : i32 to index
        %parallel_loop3A_404 = arith.constant 32 : index
        %parallel_loop3A_405 = tpu.vector_load %arg9[%parallel_loop3A_403, %parallel_loop3A_404] {strides = array<i32>} : memref<200x128xf32, #tpu.memory_space<vmem>>, vector<1x16xf32>,
        %parallel_loop3A_406 = vector.shape_cast %parallel_loop3A_405 : vector<1x16xf32> to vector<16xf32>
        %parallel_loop3A_407 = arith.index_cast %parallel_loop3A_374 : i32 to index
        %parallel_loop3A_408 = arith.constant 32 : index
        %parallel_loop3A_409 = tpu.vector_load %arg7[%parallel_loop3A_407, %parallel_loop3A_408] {strides = array<i32>} : memref<200x128xf32, #tpu.memory_space<vmem>>, vector<1x16xf32>,
        %parallel_loop3A_410 = vector.shape_cast %parallel_loop3A_409 : vector<1x16xf32> to vector<16xf32>
        %parallel_loop3A_411 = arith.addf %parallel_loop3A_406, %parallel_loop3A_410 : vector<16xf32>
        %parallel_loop3A_412 = arith.index_cast %parallel_loop3A_374 : i32 to index
        %parallel_loop3A_413 = arith.constant 32 : index
        %parallel_loop3A_414 = tpu.vector_load %arg9[%parallel_loop3A_412, %parallel_loop3A_413] {strides = array<i32>} : memref<200x128xf32, #tpu.memory_space<vmem>>, vector<1x16xf32>,
        %parallel_loop3A_415 = vector.shape_cast %parallel_loop3A_414 : vector<1x16xf32> to vector<16xf32>
        %parallel_loop3A_416 = vector.shape_cast %parallel_loop3A_411 : vector<16xf32> to vector<1x16xf32>
        tpu.vector_store %arg9[%parallel_loop3A_412, %parallel_loop3A_413], %parallel_loop3A_416 {strides = array<i32>} : memref<200x128xf32, #tpu.memory_space<vmem>>, vector<1x16xf32>,
        %parallel_loop3A_417 = arith.index_cast %parallel_loop3A_374 : i32 to index
        %parallel_loop3A_418 = arith.constant 48 : index
        %parallel_loop3A_419 = tpu.vector_load %arg9[%parallel_loop3A_417, %parallel_loop3A_418] {strides = array<i32>} : memref<200x128xf32, #tpu.memory_space<vmem>>, vector<1x16xf32>,
        %parallel_loop3A_420 = vector.shape_cast %parallel_loop3A_419 : vector<1x16xf32> to vector<16xf32>
        %parallel_loop3A_421 = arith.index_cast %parallel_loop3A_374 : i32 to index
        %parallel_loop3A_422 = arith.constant 48 : index
        %parallel_loop3A_423 = tpu.vector_load %arg7[%parallel_loop3A_421, %parallel_loop3A_422] {strides = array<i32>} : memref<200x128xf32, #tpu.memory_space<vmem>>, vector<1x16xf32>,
        %parallel_loop3A_424 = vector.shape_cast %parallel_loop3A_423 : vector<1x16xf32> to vector<16xf32>
        %parallel_loop3A_425 = arith.addf %parallel_loop3A_420, %parallel_loop3A_424 : vector<16xf32>
        %parallel_loop3A_426 = arith.index_cast %parallel_loop3A_374 : i32 to index
        %parallel_loop3A_427 = arith.constant 48 : index
        %parallel_loop3A_428 = tpu.vector_load %arg9[%parallel_loop3A_426, %parallel_loop3A_427] {strides = array<i32>} : memref<200x128xf32, #tpu.memory_space<vmem>>, vector<1x16xf32>,
        %parallel_loop3A_429 = vector.shape_cast %parallel_loop3A_428 : vector<1x16xf32> to vector<16xf32>
        %parallel_loop3A_430 = vector.shape_cast %parallel_loop3A_425 : vector<16xf32> to vector<1x16xf32>
        tpu.vector_store %arg9[%parallel_loop3A_426, %parallel_loop3A_427], %parallel_loop3A_430 {strides = array<i32>} : memref<200x128xf32, #tpu.memory_space<vmem>>, vector<1x16xf32>,
        %parallel_loop3A_431 = arith.index_cast %parallel_loop3A_374 : i32 to index
        %parallel_loop3A_432 = arith.constant 64 : index
        %parallel_loop3A_433 = tpu.vector_load %arg9[%parallel_loop3A_431, %parallel_loop3A_432] {strides = array<i32>} : memref<200x128xf32, #tpu.memory_space<vmem>>, vector<1x16xf32>,
        %parallel_loop3A_434 = vector.shape_cast %parallel_loop3A_433 : vector<1x16xf32> to vector<16xf32>
        %parallel_loop3A_435 = arith.index_cast %parallel_loop3A_374 : i32 to index
        %parallel_loop3A_436 = arith.constant 64 : index
        %parallel_loop3A_437 = tpu.vector_load %arg7[%parallel_loop3A_435, %parallel_loop3A_436] {strides = array<i32>} : memref<200x128xf32, #tpu.memory_space<vmem>>, vector<1x16xf32>,
        %parallel_loop3A_438 = vector.shape_cast %parallel_loop3A_437 : vector<1x16xf32> to vector<16xf32>
        %parallel_loop3A_439 = arith.addf %parallel_loop3A_434, %parallel_loop3A_438 : vector<16xf32>
        %parallel_loop3A_440 = arith.index_cast %parallel_loop3A_374 : i32 to index
        %parallel_loop3A_441 = arith.constant 64 : index
        %parallel_loop3A_442 = tpu.vector_load %arg9[%parallel_loop3A_440, %parallel_loop3A_441] {strides = array<i32>} : memref<200x128xf32, #tpu.memory_space<vmem>>, vector<1x16xf32>,
        %parallel_loop3A_443 = vector.shape_cast %parallel_loop3A_442 : vector<1x16xf32> to vector<16xf32>
        %parallel_loop3A_444 = vector.shape_cast %parallel_loop3A_439 : vector<16xf32> to vector<1x16xf32>
        tpu.vector_store %arg9[%parallel_loop3A_440, %parallel_loop3A_441], %parallel_loop3A_444 {strides = array<i32>} : memref<200x128xf32, #tpu.memory_space<vmem>>, vector<1x16xf32>,
        %parallel_loop3A_445 = arith.index_cast %parallel_loop3A_374 : i32 to index
        %parallel_loop3A_446 = arith.constant 80 : index
        %parallel_loop3A_447 = tpu.vector_load %arg9[%parallel_loop3A_445, %parallel_loop3A_446] {strides = array<i32>} : memref<200x128xf32, #tpu.memory_space<vmem>>, vector<1x16xf32>,
        %parallel_loop3A_448 = vector.shape_cast %parallel_loop3A_447 : vector<1x16xf32> to vector<16xf32>
        %parallel_loop3A_449 = arith.index_cast %parallel_loop3A_374 : i32 to index
        %parallel_loop3A_450 = arith.constant 80 : index
        %parallel_loop3A_451 = tpu.vector_load %arg7[%parallel_loop3A_449, %parallel_loop3A_450] {strides = array<i32>} : memref<200x128xf32, #tpu.memory_space<vmem>>, vector<1x16xf32>,
        %parallel_loop3A_452 = vector.shape_cast %parallel_loop3A_451 : vector<1x16xf32> to vector<16xf32>
        %parallel_loop3A_453 = arith.addf %parallel_loop3A_448, %parallel_loop3A_452 : vector<16xf32>
        %parallel_loop3A_454 = arith.index_cast %parallel_loop3A_374 : i32 to index
        %parallel_loop3A_455 = arith.constant 80 : index
        %parallel_loop3A_456 = tpu.vector_load %arg9[%parallel_loop3A_454, %parallel_loop3A_455] {strides = array<i32>} : memref<200x128xf32, #tpu.memory_space<vmem>>, vector<1x16xf32>,
        %parallel_loop3A_457 = vector.shape_cast %parallel_loop3A_456 : vector<1x16xf32> to vector<16xf32>
        %parallel_loop3A_458 = vector.shape_cast %parallel_loop3A_453 : vector<16xf32> to vector<1x16xf32>
        tpu.vector_store %arg9[%parallel_loop3A_454, %parallel_loop3A_455], %parallel_loop3A_458 {strides = array<i32>} : memref<200x128xf32, #tpu.memory_space<vmem>>, vector<1x16xf32>,
        %parallel_loop3A_459 = arith.index_cast %parallel_loop3A_374 : i32 to index
        %parallel_loop3A_460 = arith.constant 96 : index
        %parallel_loop3A_461 = tpu.vector_load %arg9[%parallel_loop3A_459, %parallel_loop3A_460] {strides = array<i32>} : memref<200x128xf32, #tpu.memory_space<vmem>>, vector<1x16xf32>,
        %parallel_loop3A_462 = vector.shape_cast %parallel_loop3A_461 : vector<1x16xf32> to vector<16xf32>
        %parallel_loop3A_463 = arith.index_cast %parallel_loop3A_374 : i32 to index
        %parallel_loop3A_464 = arith.constant 96 : index
        %parallel_loop3A_465 = tpu.vector_load %arg7[%parallel_loop3A_463, %parallel_loop3A_464] {strides = array<i32>} : memref<200x128xf32, #tpu.memory_space<vmem>>, vector<1x16xf32>,
        %parallel_loop3A_466 = vector.shape_cast %parallel_loop3A_465 : vector<1x16xf32> to vector<16xf32>
        %parallel_loop3A_467 = arith.addf %parallel_loop3A_462, %parallel_loop3A_466 : vector<16xf32>
        %parallel_loop3A_468 = arith.index_cast %parallel_loop3A_374 : i32 to index
        %parallel_loop3A_469 = arith.constant 96 : index
        %parallel_loop3A_470 = tpu.vector_load %arg9[%parallel_loop3A_468, %parallel_loop3A_469] {strides = array<i32>} : memref<200x128xf32, #tpu.memory_space<vmem>>, vector<1x16xf32>,
        %parallel_loop3A_471 = vector.shape_cast %parallel_loop3A_470 : vector<1x16xf32> to vector<16xf32>
        %parallel_loop3A_472 = vector.shape_cast %parallel_loop3A_467 : vector<16xf32> to vector<1x16xf32>
        tpu.vector_store %arg9[%parallel_loop3A_468, %parallel_loop3A_469], %parallel_loop3A_472 {strides = array<i32>} : memref<200x128xf32, #tpu.memory_space<vmem>>, vector<1x16xf32>,
        %parallel_loop3A_473 = arith.index_cast %parallel_loop3A_374 : i32 to index
        %parallel_loop3A_474 = arith.constant 112 : index
        %parallel_loop3A_475 = tpu.vector_load %arg9[%parallel_loop3A_473, %parallel_loop3A_474] {strides = array<i32>} : memref<200x128xf32, #tpu.memory_space<vmem>>, vector<1x16xf32>,
        %parallel_loop3A_476 = vector.shape_cast %parallel_loop3A_475 : vector<1x16xf32> to vector<16xf32>
        %parallel_loop3A_477 = arith.index_cast %parallel_loop3A_374 : i32 to index
        %parallel_loop3A_478 = arith.constant 112 : index
        %parallel_loop3A_479 = tpu.vector_load %arg7[%parallel_loop3A_477, %parallel_loop3A_478] {strides = array<i32>} : memref<200x128xf32, #tpu.memory_space<vmem>>, vector<1x16xf32>,
        %parallel_loop3A_480 = vector.shape_cast %parallel_loop3A_479 : vector<1x16xf32> to vector<16xf32>
        %parallel_loop3A_481 = arith.addf %parallel_loop3A_476, %parallel_loop3A_480 : vector<16xf32>
        %parallel_loop3A_482 = arith.index_cast %parallel_loop3A_374 : i32 to index
        %parallel_loop3A_483 = arith.constant 112 : index
        %parallel_loop3A_484 = tpu.vector_load %arg9[%parallel_loop3A_482, %parallel_loop3A_483] {strides = array<i32>} : memref<200x128xf32, #tpu.memory_space<vmem>>, vector<1x16xf32>,
        %parallel_loop3A_485 = vector.shape_cast %parallel_loop3A_484 : vector<1x16xf32> to vector<16xf32>
        %parallel_loop3A_486 = vector.shape_cast %parallel_loop3A_481 : vector<16xf32> to vector<1x16xf32>
        tpu.vector_store %arg9[%parallel_loop3A_482, %parallel_loop3A_483], %parallel_loop3A_486 {strides = array<i32>} : memref<200x128xf32, #tpu.memory_space<vmem>>, vector<1x16xf32>,
      } {sc.loop_unroll_factor = 4 : i64, sc.parallel_access}
      %mul3A_296 = arith.constant 6400 : i32
      %mul3A_297 = arith.muli %add3A, %mul3A_296 : i32
      %mul3A_298 = arith.constant 200 : i32
      %mul3A_299 = arith.muli %add3A_245, %mul3A_298 : i32
      %add3A_300 = arith.addi %mul3A_297, %mul3A_299 : i32
      %dma_start3A_301 = arith.constant 1 : i32
      %dma_start3A_302 = arith.constant 0 : i32
      %dma_start3A_303 = tpu.memref_slice %arg5[%add3A_300, %dma_start3A_302] : memref<204800x128xf32, #tpu.memory_space<hbm>> -> memref<200x128xf32, #tpu.memory_space<hbm>>
      %dma_start3A_304 = tpu.memref_slice %arg12[%dma_start3A_301] : memref<3x!tpu.dma_semaphore, #tpu.memory_space<semaphore_mem>> -> memref<1x!tpu.dma_semaphore, #tpu.memory_space<semaphore_mem>>
      %dma_start3A_305 = tpu.memref_squeeze %dma_start3A_304 : memref<1x!tpu.dma_semaphore, #tpu.memory_space<semaphore_mem>> -> memref<!tpu.dma_semaphore, #tpu.memory_space<semaphore_mem>>
      %dma_start3A_306 = arith.constant 0 : i32
      %dma_start3A_307 = tpu.memref_slice %arg5[%add3A_300, %dma_start3A_306] : memref<204800x128xf32, #tpu.memory_space<hbm>> -> memref<200x128xf32, #tpu.memory_space<hbm>>
      tpu.enqueue_dma source(%arg9 : memref<200x128xf32, #tpu.memory_space<vmem>>) target(%dma_start3A_307 : memref<200x128xf32, #tpu.memory_space<hbm>>) target_semaphore(%dma_start3A_305 : memref<!tpu.dma_semaphore, #tpu.memory_space<semaphore_mem>>)
      %mul3A_308 = arith.constant 3 : i32
      %mul3A_309 = arith.muli %scan3A_177, %mul3A_308 : i32
      %add3A_310 = arith.constant 2 : i32
      %add3A_311 = arith.addi %mul3A_309, %add3A_310 : i32
      %ge3A_312 = arith.constant 2 : i32
      %ge3A_313 = arith.cmpi sge, %add3A_311, %ge3A_312 : i32
      %add3A_314 = arith.constant 1 : i32
      %add3A_315 = arith.addi %add3A_311, %add3A_314 : i32
      %lt3A_316 = arith.constant 32 : i32
      %lt3A_317 = arith.cmpi slt, %add3A_315, %lt3A_316 : i32
      %and3A_318 = arith.andi %ge3A_313, %lt3A_317 : i1
      %convert_element_type3A_319 = arith.extui %and3A_318 : i1 to i32
      %cond3A_320 = arith.constant 0 : i32
      %cond3A_321 = arith.cmpi ne, %convert_element_type3A_319, %cond3A_320 : i32
      scf.if %cond3A_321 {
        %sub3A = arith.constant 2 : i32
        %sub3A_374 = arith.subi %add3A_311, %sub3A : i32
        %mul3A_375 = arith.constant 6400 : i32
        %mul3A_376 = arith.muli %add3A, %mul3A_375 : i32
        %mul3A_377 = arith.constant 200 : i32
        %mul3A_378 = arith.muli %sub3A_374, %mul3A_377 : i32
        %add3A_379 = arith.addi %mul3A_376, %mul3A_378 : i32
        %dma_wait3A_380 = arith.constant 0 : i32
        %dma_wait3A_381 = arith.constant 0 : i32
        %dma_wait3A_382 = tpu.memref_slice %arg5[%add3A_379, %dma_wait3A_381] : memref<204800x128xf32, #tpu.memory_space<hbm>> -> memref<200x128xf32, #tpu.memory_space<hbm>>
        %dma_wait3A_383 = tpu.memref_slice %arg12[%dma_wait3A_380] : memref<3x!tpu.dma_semaphore, #tpu.memory_space<semaphore_mem>> -> memref<1x!tpu.dma_semaphore, #tpu.memory_space<semaphore_mem>>
        %dma_wait3A_384 = tpu.memref_squeeze %dma_wait3A_383 : memref<1x!tpu.dma_semaphore, #tpu.memory_space<semaphore_mem>> -> memref<!tpu.dma_semaphore, #tpu.memory_space<semaphore_mem>>
        %dma_wait3A_385 = arith.constant 0 : i32
        %dma_wait3A_386 = tpu.memref_slice %arg5[%add3A_379, %dma_wait3A_385] : memref<204800x128xf32, #tpu.memory_space<hbm>> -> memref<200x128xf32, #tpu.memory_space<hbm>>
        tpu.wait_dma2 semaphore(%dma_wait3A_384 : memref<!tpu.dma_semaphore, #tpu.memory_space<semaphore_mem>>) src(%arg8 : memref<200x128xf32, #tpu.memory_space<vmem>>) dst(%dma_wait3A_386 : memref<200x128xf32, #tpu.memory_space<hbm>>)
      } else {
      }
      %add3A_322 = arith.constant 1 : i32
      %add3A_323 = arith.addi %add3A_311, %add3A_322 : i32
      %lt3A_324 = arith.constant 32 : i32
      %lt3A_325 = arith.cmpi slt, %add3A_323, %lt3A_324 : i32
      %convert_element_type3A_326 = arith.extui %lt3A_325 : i1 to i32
      %cond3A_327 = arith.constant 0 : i32
      %cond3A_328 = arith.cmpi ne, %convert_element_type3A_326, %cond3A_327 : i32
      scf.if %cond3A_328 {
        %add3A_374 = arith.constant 1 : i32
        %add3A_375 = arith.addi %add3A_311, %add3A_374 : i32
        %mul3A_376 = arith.constant 2 : i32
        %mul3A_377 = arith.muli %mul3A_376, %add3A_375 : i32
        %dma_start3A_378 = arith.constant 0 : i32
        %dma_start3A_379 = arith.constant 0 : i32
        %dma_start3A_380 = arith.constant 0 : i32
        %dma_start3A_381 = tpu.memref_slice %arg8[%dma_start3A_379, %dma_start3A_380] : memref<200x128xf32, #tpu.memory_space<vmem>> -> memref<100x128xf32, #tpu.memory_space<vmem>>
        %dma_start3A_382 = arith.constant 0 : i32
        %dma_start3A_383 = tpu.memref_slice %arg6[%mul3A_377, %dma_start3A_382] : memref<64x100xi32, #tpu.memory_space<vmem>> -> memref<1x100xi32, #tpu.memory_space<vmem>>
        %dma_start3A_384 = tpu.memref_squeeze %dma_start3A_383 : memref<1x100xi32, #tpu.memory_space<vmem>> -> memref<100xi32, #tpu.memory_space<vmem>>
        %dma_start3A_385 = arith.constant 0 : i32
        %dma_start3A_386 = arith.constant 0 : i32
        %dma_start3A_387 = tpu.memref_slice %arg3[%dma_start3A_385, %dma_start3A_386] : memref<100000x128xf32, #tpu.memory_space<hbm>> -> memref<100000x128xf32, #tpu.memory_space<hbm>>
        %dma_start3A_388 = tpu.memref_slice %arg11[%dma_start3A_378] : memref<3x!tpu.dma_semaphore, #tpu.memory_space<semaphore_mem>> -> memref<1x!tpu.dma_semaphore, #tpu.memory_space<semaphore_mem>>
        %dma_start3A_389 = tpu.memref_squeeze %dma_start3A_388 : memref<1x!tpu.dma_semaphore, #tpu.memory_space<semaphore_mem>> -> memref<!tpu.dma_semaphore, #tpu.memory_space<semaphore_mem>>
        tpu.enqueue_indirect_dma source(%dma_start3A_387 : memref<100000x128xf32, #tpu.memory_space<hbm>>) target(%dma_start3A_381 : memref<100x128xf32, #tpu.memory_space<vmem>>) offsets(%dma_start3A_384 : memref<100xi32, #tpu.memory_space<vmem>>) semaphore(%dma_start3A_389 : memref<!tpu.dma_semaphore, #tpu.memory_space<semaphore_mem>>)
        %mul3A_390 = arith.constant 2 : i32
        %mul3A_391 = arith.muli %mul3A_390, %add3A_375 : i32
        %add3A_392 = arith.constant 1 : i32
        %add3A_393 = arith.addi %mul3A_391, %add3A_392 : i32
        %dma_start3A_394 = arith.constant 0 : i32
        %dma_start3A_395 = arith.constant 100 : i32
        %dma_start3A_396 = arith.constant 0 : i32
        %dma_start3A_397 = tpu.memref_slice %arg8[%dma_start3A_395, %dma_start3A_396] : memref<200x128xf32, #tpu.memory_space<vmem>> -> memref<100x128xf32, #tpu.memory_space<vmem>>
        %dma_start3A_398 = arith.constant 0 : i32
        %dma_start3A_399 = tpu.memref_slice %arg6[%add3A_393, %dma_start3A_398] : memref<64x100xi32, #tpu.memory_space<vmem>> -> memref<1x100xi32, #tpu.memory_space<vmem>>
        %dma_start3A_400 = tpu.memref_squeeze %dma_start3A_399 : memref<1x100xi32, #tpu.memory_space<vmem>> -> memref<100xi32, #tpu.memory_space<vmem>>
        %dma_start3A_401 = arith.constant 0 : i32
        %dma_start3A_402 = arith.constant 0 : i32
        %dma_start3A_403 = tpu.memref_slice %arg3[%dma_start3A_401, %dma_start3A_402] : memref<100000x128xf32, #tpu.memory_space<hbm>> -> memref<100000x128xf32, #tpu.memory_space<hbm>>
        %dma_start3A_404 = tpu.memref_slice %arg11[%dma_start3A_394] : memref<3x!tpu.dma_semaphore, #tpu.memory_space<semaphore_mem>> -> memref<1x!tpu.dma_semaphore, #tpu.memory_space<semaphore_mem>>
        %dma_start3A_405 = tpu.memref_squeeze %dma_start3A_404 : memref<1x!tpu.dma_semaphore, #tpu.memory_space<semaphore_mem>> -> memref<!tpu.dma_semaphore, #tpu.memory_space<semaphore_mem>>
        tpu.enqueue_indirect_dma source(%dma_start3A_403 : memref<100000x128xf32, #tpu.memory_space<hbm>>) target(%dma_start3A_397 : memref<100x128xf32, #tpu.memory_space<vmem>>) offsets(%dma_start3A_400 : memref<100xi32, #tpu.memory_space<vmem>>) semaphore(%dma_start3A_405 : memref<!tpu.dma_semaphore, #tpu.memory_space<semaphore_mem>>)
      } else {
      }
      %mul3A_329 = arith.constant 2 : i32
      %mul3A_330 = arith.muli %mul3A_329, %add3A_311 : i32
      %dma_wait3A_331 = arith.constant 2 : i32
      %dma_wait3A_332 = arith.constant 0 : i32
      %dma_wait3A_333 = arith.constant 0 : i32
      %dma_wait3A_334 = tpu.memref_slice %arg10[%dma_wait3A_332, %dma_wait3A_333] : memref<200x128xf32, #tpu.memory_space<vmem>> -> memref<100x128xf32, #tpu.memory_space<vmem>>
      %dma_wait3A_335 = arith.constant 0 : i32
      %dma_wait3A_336 = tpu.memref_slice %arg6[%mul3A_330, %dma_wait3A_335] : memref<64x100xi32, #tpu.memory_space<vmem>> -> memref<1x100xi32, #tpu.memory_space<vmem>>
      %dma_wait3A_337 = tpu.memref_squeeze %dma_wait3A_336 : memref<1x100xi32, #tpu.memory_space<vmem>> -> memref<100xi32, #tpu.memory_space<vmem>>
      %dma_wait3A_338 = arith.constant 0 : i32
      %dma_wait3A_339 = arith.constant 0 : i32
      %dma_wait3A_340 = tpu.memref_slice %arg3[%dma_wait3A_338, %dma_wait3A_339] : memref<100000x128xf32, #tpu.memory_space<hbm>> -> memref<100000x128xf32, #tpu.memory_space<hbm>>
      %dma_wait3A_341 = tpu.memref_slice %arg11[%dma_wait3A_331] : memref<3x!tpu.dma_semaphore, #tpu.memory_space<semaphore_mem>> -> memref<1x!tpu.dma_semaphore, #tpu.memory_space<semaphore_mem>>
      %dma_wait3A_342 = tpu.memref_squeeze %dma_wait3A_341 : memref<1x!tpu.dma_semaphore, #tpu.memory_space<semaphore_mem>> -> memref<!tpu.dma_semaphore, #tpu.memory_space<semaphore_mem>>
      tpu.wait_indirect_dma semaphore(%dma_wait3A_342 : memref<!tpu.dma_semaphore, #tpu.memory_space<semaphore_mem>>) src(%dma_wait3A_340 : memref<100000x128xf32, #tpu.memory_space<hbm>>) dst(%dma_wait3A_334 : memref<100x128xf32, #tpu.memory_space<vmem>>)
      %mul3A_343 = arith.constant 2 : i32
      %mul3A_344 = arith.muli %mul3A_343, %add3A_311 : i32
      %add3A_345 = arith.constant 1 : i32
      %add3A_346 = arith.addi %mul3A_344, %add3A_345 : i32
      %dma_wait3A_347 = arith.constant 2 : i32
      %dma_wait3A_348 = arith.constant 100 : i32
      %dma_wait3A_349 = arith.constant 0 : i32
      %dma_wait3A_350 = tpu.memref_slice %arg10[%dma_wait3A_348, %dma_wait3A_349] : memref<200x128xf32, #tpu.memory_space<vmem>> -> memref<100x128xf32, #tpu.memory_space<vmem>>
      %dma_wait3A_351 = arith.constant 0 : i32
      %dma_wait3A_352 = tpu.memref_slice %arg6[%add3A_346, %dma_wait3A_351] : memref<64x100xi32, #tpu.memory_space<vmem>> -> memref<1x100xi32, #tpu.memory_space<vmem>>
      %dma_wait3A_353 = tpu.memref_squeeze %dma_wait3A_352 : memref<1x100xi32, #tpu.memory_space<vmem>> -> memref<100xi32, #tpu.memory_space<vmem>>
      %dma_wait3A_354 = arith.constant 0 : i32
      %dma_wait3A_355 = arith.constant 0 : i32
      %dma_wait3A_356 = tpu.memref_slice %arg3[%dma_wait3A_354, %dma_wait3A_355] : memref<100000x128xf32, #tpu.memory_space<hbm>> -> memref<100000x128xf32, #tpu.memory_space<hbm>>
      %dma_wait3A_357 = tpu.memref_slice %arg11[%dma_wait3A_347] : memref<3x!tpu.dma_semaphore, #tpu.memory_space<semaphore_mem>> -> memref<1x!tpu.dma_semaphore, #tpu.memory_space<semaphore_mem>>
      %dma_wait3A_358 = tpu.memref_squeeze %dma_wait3A_357 : memref<1x!tpu.dma_semaphore, #tpu.memory_space<semaphore_mem>> -> memref<!tpu.dma_semaphore, #tpu.memory_space<semaphore_mem>>
      tpu.wait_indirect_dma semaphore(%dma_wait3A_358 : memref<!tpu.dma_semaphore, #tpu.memory_space<semaphore_mem>>) src(%dma_wait3A_356 : memref<100000x128xf32, #tpu.memory_space<hbm>>) dst(%dma_wait3A_350 : memref<100x128xf32, #tpu.memory_space<vmem>>)
      %parallel_loop3A_359 = arith.constant 0 : i32
      %parallel_loop3A_360 = arith.constant 200 : i32
      %parallel_loop3A_361 = arith.constant 1 : i32
      scf.for %parallel_loop3A_374 = %parallel_loop3A_359 to %parallel_loop3A_360 step %parallel_loop3A_361  : i32 {
        %parallel_loop3A_375 = arith.index_cast %parallel_loop3A_374 : i32 to index
        %parallel_loop3A_376 = arith.constant 0 : index
        %parallel_loop3A_377 = tpu.vector_load %arg10[%parallel_loop3A_375, %parallel_loop3A_376] {strides = array<i32>} : memref<200x128xf32, #tpu.memory_space<vmem>>, vector<1x16xf32>,
        %parallel_loop3A_378 = vector.shape_cast %parallel_loop3A_377 : vector<1x16xf32> to vector<16xf32>
        %parallel_loop3A_379 = arith.index_cast %parallel_loop3A_374 : i32 to index
        %parallel_loop3A_380 = arith.constant 0 : index
        %parallel_loop3A_381 = tpu.vector_load %arg7[%parallel_loop3A_379, %parallel_loop3A_380] {strides = array<i32>} : memref<200x128xf32, #tpu.memory_space<vmem>>, vector<1x16xf32>,
        %parallel_loop3A_382 = vector.shape_cast %parallel_loop3A_381 : vector<1x16xf32> to vector<16xf32>
        %parallel_loop3A_383 = arith.addf %parallel_loop3A_378, %parallel_loop3A_382 : vector<16xf32>
        %parallel_loop3A_384 = arith.index_cast %parallel_loop3A_374 : i32 to index
        %parallel_loop3A_385 = arith.constant 0 : index
        %parallel_loop3A_386 = tpu.vector_load %arg10[%parallel_loop3A_384, %parallel_loop3A_385] {strides = array<i32>} : memref<200x128xf32, #tpu.memory_space<vmem>>, vector<1x16xf32>,
        %parallel_loop3A_387 = vector.shape_cast %parallel_loop3A_386 : vector<1x16xf32> to vector<16xf32>
        %parallel_loop3A_388 = vector.shape_cast %parallel_loop3A_383 : vector<16xf32> to vector<1x16xf32>
        tpu.vector_store %arg10[%parallel_loop3A_384, %parallel_loop3A_385], %parallel_loop3A_388 {strides = array<i32>} : memref<200x128xf32, #tpu.memory_space<vmem>>, vector<1x16xf32>,
        %parallel_loop3A_389 = arith.index_cast %parallel_loop3A_374 : i32 to index
        %parallel_loop3A_390 = arith.constant 16 : index
        %parallel_loop3A_391 = tpu.vector_load %arg10[%parallel_loop3A_389, %parallel_loop3A_390] {strides = array<i32>} : memref<200x128xf32, #tpu.memory_space<vmem>>, vector<1x16xf32>,
        %parallel_loop3A_392 = vector.shape_cast %parallel_loop3A_391 : vector<1x16xf32> to vector<16xf32>
        %parallel_loop3A_393 = arith.index_cast %parallel_loop3A_374 : i32 to index
        %parallel_loop3A_394 = arith.constant 16 : index
        %parallel_loop3A_395 = tpu.vector_load %arg7[%parallel_loop3A_393, %parallel_loop3A_394] {strides = array<i32>} : memref<200x128xf32, #tpu.memory_space<vmem>>, vector<1x16xf32>,
        %parallel_loop3A_396 = vector.shape_cast %parallel_loop3A_395 : vector<1x16xf32> to vector<16xf32>
        %parallel_loop3A_397 = arith.addf %parallel_loop3A_392, %parallel_loop3A_396 : vector<16xf32>
        %parallel_loop3A_398 = arith.index_cast %parallel_loop3A_374 : i32 to index
        %parallel_loop3A_399 = arith.constant 16 : index
        %parallel_loop3A_400 = tpu.vector_load %arg10[%parallel_loop3A_398, %parallel_loop3A_399] {strides = array<i32>} : memref<200x128xf32, #tpu.memory_space<vmem>>, vector<1x16xf32>,
        %parallel_loop3A_401 = vector.shape_cast %parallel_loop3A_400 : vector<1x16xf32> to vector<16xf32>
        %parallel_loop3A_402 = vector.shape_cast %parallel_loop3A_397 : vector<16xf32> to vector<1x16xf32>
        tpu.vector_store %arg10[%parallel_loop3A_398, %parallel_loop3A_399], %parallel_loop3A_402 {strides = array<i32>} : memref<200x128xf32, #tpu.memory_space<vmem>>, vector<1x16xf32>,
        %parallel_loop3A_403 = arith.index_cast %parallel_loop3A_374 : i32 to index
        %parallel_loop3A_404 = arith.constant 32 : index
        %parallel_loop3A_405 = tpu.vector_load %arg10[%parallel_loop3A_403, %parallel_loop3A_404] {strides = array<i32>} : memref<200x128xf32, #tpu.memory_space<vmem>>, vector<1x16xf32>,
        %parallel_loop3A_406 = vector.shape_cast %parallel_loop3A_405 : vector<1x16xf32> to vector<16xf32>
        %parallel_loop3A_407 = arith.index_cast %parallel_loop3A_374 : i32 to index
        %parallel_loop3A_408 = arith.constant 32 : index
        %parallel_loop3A_409 = tpu.vector_load %arg7[%parallel_loop3A_407, %parallel_loop3A_408] {strides = array<i32>} : memref<200x128xf32, #tpu.memory_space<vmem>>, vector<1x16xf32>,
        %parallel_loop3A_410 = vector.shape_cast %parallel_loop3A_409 : vector<1x16xf32> to vector<16xf32>
        %parallel_loop3A_411 = arith.addf %parallel_loop3A_406, %parallel_loop3A_410 : vector<16xf32>
        %parallel_loop3A_412 = arith.index_cast %parallel_loop3A_374 : i32 to index
        %parallel_loop3A_413 = arith.constant 32 : index
        %parallel_loop3A_414 = tpu.vector_load %arg10[%parallel_loop3A_412, %parallel_loop3A_413] {strides = array<i32>} : memref<200x128xf32, #tpu.memory_space<vmem>>, vector<1x16xf32>,
        %parallel_loop3A_415 = vector.shape_cast %parallel_loop3A_414 : vector<1x16xf32> to vector<16xf32>
        %parallel_loop3A_416 = vector.shape_cast %parallel_loop3A_411 : vector<16xf32> to vector<1x16xf32>
        tpu.vector_store %arg10[%parallel_loop3A_412, %parallel_loop3A_413], %parallel_loop3A_416 {strides = array<i32>} : memref<200x128xf32, #tpu.memory_space<vmem>>, vector<1x16xf32>,
        %parallel_loop3A_417 = arith.index_cast %parallel_loop3A_374 : i32 to index
        %parallel_loop3A_418 = arith.constant 48 : index
        %parallel_loop3A_419 = tpu.vector_load %arg10[%parallel_loop3A_417, %parallel_loop3A_418] {strides = array<i32>} : memref<200x128xf32, #tpu.memory_space<vmem>>, vector<1x16xf32>,
        %parallel_loop3A_420 = vector.shape_cast %parallel_loop3A_419 : vector<1x16xf32> to vector<16xf32>
        %parallel_loop3A_421 = arith.index_cast %parallel_loop3A_374 : i32 to index
        %parallel_loop3A_422 = arith.constant 48 : index
        %parallel_loop3A_423 = tpu.vector_load %arg7[%parallel_loop3A_421, %parallel_loop3A_422] {strides = array<i32>} : memref<200x128xf32, #tpu.memory_space<vmem>>, vector<1x16xf32>,
        %parallel_loop3A_424 = vector.shape_cast %parallel_loop3A_423 : vector<1x16xf32> to vector<16xf32>
        %parallel_loop3A_425 = arith.addf %parallel_loop3A_420, %parallel_loop3A_424 : vector<16xf32>
        %parallel_loop3A_426 = arith.index_cast %parallel_loop3A_374 : i32 to index
        %parallel_loop3A_427 = arith.constant 48 : index
        %parallel_loop3A_428 = tpu.vector_load %arg10[%parallel_loop3A_426, %parallel_loop3A_427] {strides = array<i32>} : memref<200x128xf32, #tpu.memory_space<vmem>>, vector<1x16xf32>,
        %parallel_loop3A_429 = vector.shape_cast %parallel_loop3A_428 : vector<1x16xf32> to vector<16xf32>
        %parallel_loop3A_430 = vector.shape_cast %parallel_loop3A_425 : vector<16xf32> to vector<1x16xf32>
        tpu.vector_store %arg10[%parallel_loop3A_426, %parallel_loop3A_427], %parallel_loop3A_430 {strides = array<i32>} : memref<200x128xf32, #tpu.memory_space<vmem>>, vector<1x16xf32>,
        %parallel_loop3A_431 = arith.index_cast %parallel_loop3A_374 : i32 to index
        %parallel_loop3A_432 = arith.constant 64 : index
        %parallel_loop3A_433 = tpu.vector_load %arg10[%parallel_loop3A_431, %parallel_loop3A_432] {strides = array<i32>} : memref<200x128xf32, #tpu.memory_space<vmem>>, vector<1x16xf32>,
        %parallel_loop3A_434 = vector.shape_cast %parallel_loop3A_433 : vector<1x16xf32> to vector<16xf32>
        %parallel_loop3A_435 = arith.index_cast %parallel_loop3A_374 : i32 to index
        %parallel_loop3A_436 = arith.constant 64 : index
        %parallel_loop3A_437 = tpu.vector_load %arg7[%parallel_loop3A_435, %parallel_loop3A_436] {strides = array<i32>} : memref<200x128xf32, #tpu.memory_space<vmem>>, vector<1x16xf32>,
        %parallel_loop3A_438 = vector.shape_cast %parallel_loop3A_437 : vector<1x16xf32> to vector<16xf32>
        %parallel_loop3A_439 = arith.addf %parallel_loop3A_434, %parallel_loop3A_438 : vector<16xf32>
        %parallel_loop3A_440 = arith.index_cast %parallel_loop3A_374 : i32 to index
        %parallel_loop3A_441 = arith.constant 64 : index
        %parallel_loop3A_442 = tpu.vector_load %arg10[%parallel_loop3A_440, %parallel_loop3A_441] {strides = array<i32>} : memref<200x128xf32, #tpu.memory_space<vmem>>, vector<1x16xf32>,
        %parallel_loop3A_443 = vector.shape_cast %parallel_loop3A_442 : vector<1x16xf32> to vector<16xf32>
        %parallel_loop3A_444 = vector.shape_cast %parallel_loop3A_439 : vector<16xf32> to vector<1x16xf32>
        tpu.vector_store %arg10[%parallel_loop3A_440, %parallel_loop3A_441], %parallel_loop3A_444 {strides = array<i32>} : memref<200x128xf32, #tpu.memory_space<vmem>>, vector<1x16xf32>,
        %parallel_loop3A_445 = arith.index_cast %parallel_loop3A_374 : i32 to index
        %parallel_loop3A_446 = arith.constant 80 : index
        %parallel_loop3A_447 = tpu.vector_load %arg10[%parallel_loop3A_445, %parallel_loop3A_446] {strides = array<i32>} : memref<200x128xf32, #tpu.memory_space<vmem>>, vector<1x16xf32>,
        %parallel_loop3A_448 = vector.shape_cast %parallel_loop3A_447 : vector<1x16xf32> to vector<16xf32>
        %parallel_loop3A_449 = arith.index_cast %parallel_loop3A_374 : i32 to index
        %parallel_loop3A_450 = arith.constant 80 : index
        %parallel_loop3A_451 = tpu.vector_load %arg7[%parallel_loop3A_449, %parallel_loop3A_450] {strides = array<i32>} : memref<200x128xf32, #tpu.memory_space<vmem>>, vector<1x16xf32>,
        %parallel_loop3A_452 = vector.shape_cast %parallel_loop3A_451 : vector<1x16xf32> to vector<16xf32>
        %parallel_loop3A_453 = arith.addf %parallel_loop3A_448, %parallel_loop3A_452 : vector<16xf32>
        %parallel_loop3A_454 = arith.index_cast %parallel_loop3A_374 : i32 to index
        %parallel_loop3A_455 = arith.constant 80 : index
        %parallel_loop3A_456 = tpu.vector_load %arg10[%parallel_loop3A_454, %parallel_loop3A_455] {strides = array<i32>} : memref<200x128xf32, #tpu.memory_space<vmem>>, vector<1x16xf32>,
        %parallel_loop3A_457 = vector.shape_cast %parallel_loop3A_456 : vector<1x16xf32> to vector<16xf32>
        %parallel_loop3A_458 = vector.shape_cast %parallel_loop3A_453 : vector<16xf32> to vector<1x16xf32>
        tpu.vector_store %arg10[%parallel_loop3A_454, %parallel_loop3A_455], %parallel_loop3A_458 {strides = array<i32>} : memref<200x128xf32, #tpu.memory_space<vmem>>, vector<1x16xf32>,
        %parallel_loop3A_459 = arith.index_cast %parallel_loop3A_374 : i32 to index
        %parallel_loop3A_460 = arith.constant 96 : index
        %parallel_loop3A_461 = tpu.vector_load %arg10[%parallel_loop3A_459, %parallel_loop3A_460] {strides = array<i32>} : memref<200x128xf32, #tpu.memory_space<vmem>>, vector<1x16xf32>,
        %parallel_loop3A_462 = vector.shape_cast %parallel_loop3A_461 : vector<1x16xf32> to vector<16xf32>
        %parallel_loop3A_463 = arith.index_cast %parallel_loop3A_374 : i32 to index
        %parallel_loop3A_464 = arith.constant 96 : index
        %parallel_loop3A_465 = tpu.vector_load %arg7[%parallel_loop3A_463, %parallel_loop3A_464] {strides = array<i32>} : memref<200x128xf32, #tpu.memory_space<vmem>>, vector<1x16xf32>,
        %parallel_loop3A_466 = vector.shape_cast %parallel_loop3A_465 : vector<1x16xf32> to vector<16xf32>
        %parallel_loop3A_467 = arith.addf %parallel_loop3A_462, %parallel_loop3A_466 : vector<16xf32>
        %parallel_loop3A_468 = arith.index_cast %parallel_loop3A_374 : i32 to index
        %parallel_loop3A_469 = arith.constant 96 : index
        %parallel_loop3A_470 = tpu.vector_load %arg10[%parallel_loop3A_468, %parallel_loop3A_469] {strides = array<i32>} : memref<200x128xf32, #tpu.memory_space<vmem>>, vector<1x16xf32>,
        %parallel_loop3A_471 = vector.shape_cast %parallel_loop3A_470 : vector<1x16xf32> to vector<16xf32>
        %parallel_loop3A_472 = vector.shape_cast %parallel_loop3A_467 : vector<16xf32> to vector<1x16xf32>
        tpu.vector_store %arg10[%parallel_loop3A_468, %parallel_loop3A_469], %parallel_loop3A_472 {strides = array<i32>} : memref<200x128xf32, #tpu.memory_space<vmem>>, vector<1x16xf32>,
        %parallel_loop3A_473 = arith.index_cast %parallel_loop3A_374 : i32 to index
        %parallel_loop3A_474 = arith.constant 112 : index
        %parallel_loop3A_475 = tpu.vector_load %arg10[%parallel_loop3A_473, %parallel_loop3A_474] {strides = array<i32>} : memref<200x128xf32, #tpu.memory_space<vmem>>, vector<1x16xf32>,
        %parallel_loop3A_476 = vector.shape_cast %parallel_loop3A_475 : vector<1x16xf32> to vector<16xf32>
        %parallel_loop3A_477 = arith.index_cast %parallel_loop3A_374 : i32 to index
        %parallel_loop3A_478 = arith.constant 112 : index
        %parallel_loop3A_479 = tpu.vector_load %arg7[%parallel_loop3A_477, %parallel_loop3A_478] {strides = array<i32>} : memref<200x128xf32, #tpu.memory_space<vmem>>, vector<1x16xf32>,
        %parallel_loop3A_480 = vector.shape_cast %parallel_loop3A_479 : vector<1x16xf32> to vector<16xf32>
        %parallel_loop3A_481 = arith.addf %parallel_loop3A_476, %parallel_loop3A_480 : vector<16xf32>
        %parallel_loop3A_482 = arith.index_cast %parallel_loop3A_374 : i32 to index
        %parallel_loop3A_483 = arith.constant 112 : index
        %parallel_loop3A_484 = tpu.vector_load %arg10[%parallel_loop3A_482, %parallel_loop3A_483] {strides = array<i32>} : memref<200x128xf32, #tpu.memory_space<vmem>>, vector<1x16xf32>,
        %parallel_loop3A_485 = vector.shape_cast %parallel_loop3A_484 : vector<1x16xf32> to vector<16xf32>
        %parallel_loop3A_486 = vector.shape_cast %parallel_loop3A_481 : vector<16xf32> to vector<1x16xf32>
        tpu.vector_store %arg10[%parallel_loop3A_482, %parallel_loop3A_483], %parallel_loop3A_486 {strides = array<i32>} : memref<200x128xf32, #tpu.memory_space<vmem>>, vector<1x16xf32>,
      } {sc.loop_unroll_factor = 4 : i64, sc.parallel_access}
      %mul3A_362 = arith.constant 6400 : i32
      %mul3A_363 = arith.muli %add3A, %mul3A_362 : i32
      %mul3A_364 = arith.constant 200 : i32
      %mul3A_365 = arith.muli %add3A_311, %mul3A_364 : i32
      %add3A_366 = arith.addi %mul3A_363, %mul3A_365 : i32
      %dma_start3A_367 = arith.constant 2 : i32
      %dma_start3A_368 = arith.constant 0 : i32
      %dma_start3A_369 = tpu.memref_slice %arg5[%add3A_366, %dma_start3A_368] : memref<204800x128xf32, #tpu.memory_space<hbm>> -> memref<200x128xf32, #tpu.memory_space<hbm>>
      %dma_start3A_370 = tpu.memref_slice %arg12[%dma_start3A_367] : memref<3x!tpu.dma_semaphore, #tpu.memory_space<semaphore_mem>> -> memref<1x!tpu.dma_semaphore, #tpu.memory_space<semaphore_mem>>
      %dma_start3A_371 = tpu.memref_squeeze %dma_start3A_370 : memref<1x!tpu.dma_semaphore, #tpu.memory_space<semaphore_mem>> -> memref<!tpu.dma_semaphore, #tpu.memory_space<semaphore_mem>>
      %dma_start3A_372 = arith.constant 0 : i32
      %dma_start3A_373 = tpu.memref_slice %arg5[%add3A_366, %dma_start3A_372] : memref<204800x128xf32, #tpu.memory_space<hbm>> -> memref<200x128xf32, #tpu.memory_space<hbm>>
      tpu.enqueue_dma source(%arg10 : memref<200x128xf32, #tpu.memory_space<vmem>>) target(%dma_start3A_373 : memref<200x128xf32, #tpu.memory_space<hbm>>) target_semaphore(%dma_start3A_371 : memref<!tpu.dma_semaphore, #tpu.memory_space<semaphore_mem>>)
    }
    %scan3A_30 = arith.constant 10 : i32
    %and3A = arith.constant true
    %and3A_31 = arith.constant true
    %and3A_32 = arith.andi %and3A, %and3A_31 : i1
    %convert_element_type3A = arith.extui %and3A_32 : i1 to i32
    %cond3A = arith.constant 0 : i32
    %cond3A_33 = arith.cmpi ne, %convert_element_type3A, %cond3A : i32
    scf.if %cond3A_33 {
      %mul3A_177 = arith.constant 6400 : i32
      %mul3A_178 = arith.muli %add3A, %mul3A_177 : i32
      %add3A_179 = arith.constant 5600 : i32
      %add3A_180 = arith.addi %mul3A_178, %add3A_179 : i32
      %dma_wait3A_181 = arith.constant 1 : i32
      %dma_wait3A_182 = arith.constant 0 : i32
      %dma_wait3A_183 = tpu.memref_slice %arg5[%add3A_180, %dma_wait3A_182] : memref<204800x128xf32, #tpu.memory_space<hbm>> -> memref<200x128xf32, #tpu.memory_space<hbm>>
      %dma_wait3A_184 = tpu.memref_slice %arg12[%dma_wait3A_181] : memref<3x!tpu.dma_semaphore, #tpu.memory_space<semaphore_mem>> -> memref<1x!tpu.dma_semaphore, #tpu.memory_space<semaphore_mem>>
      %dma_wait3A_185 = tpu.memref_squeeze %dma_wait3A_184 : memref<1x!tpu.dma_semaphore, #tpu.memory_space<semaphore_mem>> -> memref<!tpu.dma_semaphore, #tpu.memory_space<semaphore_mem>>
      %dma_wait3A_186 = arith.constant 0 : i32
      %dma_wait3A_187 = tpu.memref_slice %arg5[%add3A_180, %dma_wait3A_186] : memref<204800x128xf32, #tpu.memory_space<hbm>> -> memref<200x128xf32, #tpu.memory_space<hbm>>
      tpu.wait_dma2 semaphore(%dma_wait3A_185 : memref<!tpu.dma_semaphore, #tpu.memory_space<semaphore_mem>>) src(%arg9 : memref<200x128xf32, #tpu.memory_space<vmem>>) dst(%dma_wait3A_187 : memref<200x128xf32, #tpu.memory_space<hbm>>)
    } else {
    }
    %dma_start3A_34 = arith.constant 62 : i32
    %dma_start3A_35 = arith.constant 1 : i32
    %dma_start3A_36 = arith.constant 0 : i32
    %dma_start3A_37 = arith.constant 0 : i32
    %dma_start3A_38 = tpu.memref_slice %arg9[%dma_start3A_36, %dma_start3A_37] : memref<200x128xf32, #tpu.memory_space<vmem>> -> memref<100x128xf32, #tpu.memory_space<vmem>>
    %dma_start3A_39 = arith.constant 0 : i32
    %dma_start3A_40 = tpu.memref_slice %arg6[%dma_start3A_34, %dma_start3A_39] : memref<64x100xi32, #tpu.memory_space<vmem>> -> memref<1x100xi32, #tpu.memory_space<vmem>>
    %dma_start3A_41 = tpu.memref_squeeze %dma_start3A_40 : memref<1x100xi32, #tpu.memory_space<vmem>> -> memref<100xi32, #tpu.memory_space<vmem>>
    %dma_start3A_42 = arith.constant 0 : i32
    %dma_start3A_43 = arith.constant 0 : i32
    %dma_start3A_44 = tpu.memref_slice %arg3[%dma_start3A_42, %dma_start3A_43] : memref<100000x128xf32, #tpu.memory_space<hbm>> -> memref<100000x128xf32, #tpu.memory_space<hbm>>
    %dma_start3A_45 = tpu.memref_slice %arg11[%dma_start3A_35] : memref<3x!tpu.dma_semaphore, #tpu.memory_space<semaphore_mem>> -> memref<1x!tpu.dma_semaphore, #tpu.memory_space<semaphore_mem>>
    %dma_start3A_46 = tpu.memref_squeeze %dma_start3A_45 : memref<1x!tpu.dma_semaphore, #tpu.memory_space<semaphore_mem>> -> memref<!tpu.dma_semaphore, #tpu.memory_space<semaphore_mem>>
    tpu.enqueue_indirect_dma source(%dma_start3A_44 : memref<100000x128xf32, #tpu.memory_space<hbm>>) target(%dma_start3A_38 : memref<100x128xf32, #tpu.memory_space<vmem>>) offsets(%dma_start3A_41 : memref<100xi32, #tpu.memory_space<vmem>>) semaphore(%dma_start3A_46 : memref<!tpu.dma_semaphore, #tpu.memory_space<semaphore_mem>>)
    %dma_start3A_47 = arith.constant 63 : i32
    %dma_start3A_48 = arith.constant 1 : i32
    %dma_start3A_49 = arith.constant 100 : i32
    %dma_start3A_50 = arith.constant 0 : i32
    %dma_start3A_51 = tpu.memref_slice %arg9[%dma_start3A_49, %dma_start3A_50] : memref<200x128xf32, #tpu.memory_space<vmem>> -> memref<100x128xf32, #tpu.memory_space<vmem>>
    %dma_start3A_52 = arith.constant 0 : i32
    %dma_start3A_53 = tpu.memref_slice %arg6[%dma_start3A_47, %dma_start3A_52] : memref<64x100xi32, #tpu.memory_space<vmem>> -> memref<1x100xi32, #tpu.memory_space<vmem>>
    %dma_start3A_54 = tpu.memref_squeeze %dma_start3A_53 : memref<1x100xi32, #tpu.memory_space<vmem>> -> memref<100xi32, #tpu.memory_space<vmem>>
    %dma_start3A_55 = arith.constant 0 : i32
    %dma_start3A_56 = arith.constant 0 : i32
    %dma_start3A_57 = tpu.memref_slice %arg3[%dma_start3A_55, %dma_start3A_56] : memref<100000x128xf32, #tpu.memory_space<hbm>> -> memref<100000x128xf32, #tpu.memory_space<hbm>>
    %dma_start3A_58 = tpu.memref_slice %arg11[%dma_start3A_48] : memref<3x!tpu.dma_semaphore, #tpu.memory_space<semaphore_mem>> -> memref<1x!tpu.dma_semaphore, #tpu.memory_space<semaphore_mem>>
    %dma_start3A_59 = tpu.memref_squeeze %dma_start3A_58 : memref<1x!tpu.dma_semaphore, #tpu.memory_space<semaphore_mem>> -> memref<!tpu.dma_semaphore, #tpu.memory_space<semaphore_mem>>
    tpu.enqueue_indirect_dma source(%dma_start3A_57 : memref<100000x128xf32, #tpu.memory_space<hbm>>) target(%dma_start3A_51 : memref<100x128xf32, #tpu.memory_space<vmem>>) offsets(%dma_start3A_54 : memref<100xi32, #tpu.memory_space<vmem>>) semaphore(%dma_start3A_59 : memref<!tpu.dma_semaphore, #tpu.memory_space<semaphore_mem>>)
    %dma_wait3A = arith.constant 60 : i32
    %dma_wait3A_60 = arith.constant 0 : i32
    %dma_wait3A_61 = arith.constant 0 : i32
    %dma_wait3A_62 = arith.constant 0 : i32
    %dma_wait3A_63 = tpu.memref_slice %arg8[%dma_wait3A_61, %dma_wait3A_62] : memref<200x128xf32, #tpu.memory_space<vmem>> -> memref<100x128xf32, #tpu.memory_space<vmem>>
    %dma_wait3A_64 = arith.constant 0 : i32
    %dma_wait3A_65 = tpu.memref_slice %arg6[%dma_wait3A, %dma_wait3A_64] : memref<64x100xi32, #tpu.memory_space<vmem>> -> memref<1x100xi32, #tpu.memory_space<vmem>>
    %dma_wait3A_66 = tpu.memref_squeeze %dma_wait3A_65 : memref<1x100xi32, #tpu.memory_space<vmem>> -> memref<100xi32, #tpu.memory_space<vmem>>
    %dma_wait3A_67 = arith.constant 0 : i32
    %dma_wait3A_68 = arith.constant 0 : i32
    %dma_wait3A_69 = tpu.memref_slice %arg3[%dma_wait3A_67, %dma_wait3A_68] : memref<100000x128xf32, #tpu.memory_space<hbm>> -> memref<100000x128xf32, #tpu.memory_space<hbm>>
    %dma_wait3A_70 = tpu.memref_slice %arg11[%dma_wait3A_60] : memref<3x!tpu.dma_semaphore, #tpu.memory_space<semaphore_mem>> -> memref<1x!tpu.dma_semaphore, #tpu.memory_space<semaphore_mem>>
    %dma_wait3A_71 = tpu.memref_squeeze %dma_wait3A_70 : memref<1x!tpu.dma_semaphore, #tpu.memory_space<semaphore_mem>> -> memref<!tpu.dma_semaphore, #tpu.memory_space<semaphore_mem>>
    tpu.wait_indirect_dma semaphore(%dma_wait3A_71 : memref<!tpu.dma_semaphore, #tpu.memory_space<semaphore_mem>>) src(%dma_wait3A_69 : memref<100000x128xf32, #tpu.memory_space<hbm>>) dst(%dma_wait3A_63 : memref<100x128xf32, #tpu.memory_space<vmem>>)
    %dma_wait3A_72 = arith.constant 61 : i32
    %dma_wait3A_73 = arith.constant 0 : i32
    %dma_wait3A_74 = arith.constant 100 : i32
    %dma_wait3A_75 = arith.constant 0 : i32
    %dma_wait3A_76 = tpu.memref_slice %arg8[%dma_wait3A_74, %dma_wait3A_75] : memref<200x128xf32, #tpu.memory_space<vmem>> -> memref<100x128xf32, #tpu.memory_space<vmem>>
    %dma_wait3A_77 = arith.constant 0 : i32
    %dma_wait3A_78 = tpu.memref_slice %arg6[%dma_wait3A_72, %dma_wait3A_77] : memref<64x100xi32, #tpu.memory_space<vmem>> -> memref<1x100xi32, #tpu.memory_space<vmem>>
    %dma_wait3A_79 = tpu.memref_squeeze %dma_wait3A_78 : memref<1x100xi32, #tpu.memory_space<vmem>> -> memref<100xi32, #tpu.memory_space<vmem>>
    %dma_wait3A_80 = arith.constant 0 : i32
    %dma_wait3A_81 = arith.constant 0 : i32
    %dma_wait3A_82 = tpu.memref_slice %arg3[%dma_wait3A_80, %dma_wait3A_81] : memref<100000x128xf32, #tpu.memory_space<hbm>> -> memref<100000x128xf32, #tpu.memory_space<hbm>>
    %dma_wait3A_83 = tpu.memref_slice %arg11[%dma_wait3A_73] : memref<3x!tpu.dma_semaphore, #tpu.memory_space<semaphore_mem>> -> memref<1x!tpu.dma_semaphore, #tpu.memory_space<semaphore_mem>>
    %dma_wait3A_84 = tpu.memref_squeeze %dma_wait3A_83 : memref<1x!tpu.dma_semaphore, #tpu.memory_space<semaphore_mem>> -> memref<!tpu.dma_semaphore, #tpu.memory_space<semaphore_mem>>
    tpu.wait_indirect_dma semaphore(%dma_wait3A_84 : memref<!tpu.dma_semaphore, #tpu.memory_space<semaphore_mem>>) src(%dma_wait3A_82 : memref<100000x128xf32, #tpu.memory_space<hbm>>) dst(%dma_wait3A_76 : memref<100x128xf32, #tpu.memory_space<vmem>>)
    %parallel_loop3A = arith.constant 0 : i32
    %parallel_loop3A_85 = arith.constant 200 : i32
    %parallel_loop3A_86 = arith.constant 1 : i32
    scf.for %parallel_loop3A_177 = %parallel_loop3A to %parallel_loop3A_85 step %parallel_loop3A_86  : i32 {
      %parallel_loop3A_178 = arith.index_cast %parallel_loop3A_177 : i32 to index
      %parallel_loop3A_179 = arith.constant 0 : index
      %parallel_loop3A_180 = tpu.vector_load %arg8[%parallel_loop3A_178, %parallel_loop3A_179] {strides = array<i32>} : memref<200x128xf32, #tpu.memory_space<vmem>>, vector<1x16xf32>,
      %parallel_loop3A_181 = vector.shape_cast %parallel_loop3A_180 : vector<1x16xf32> to vector<16xf32>
      %parallel_loop3A_182 = arith.index_cast %parallel_loop3A_177 : i32 to index
      %parallel_loop3A_183 = arith.constant 0 : index
      %parallel_loop3A_184 = tpu.vector_load %arg7[%parallel_loop3A_182, %parallel_loop3A_183] {strides = array<i32>} : memref<200x128xf32, #tpu.memory_space<vmem>>, vector<1x16xf32>,
      %parallel_loop3A_185 = vector.shape_cast %parallel_loop3A_184 : vector<1x16xf32> to vector<16xf32>
      %parallel_loop3A_186 = arith.addf %parallel_loop3A_181, %parallel_loop3A_185 : vector<16xf32>
      %parallel_loop3A_187 = arith.index_cast %parallel_loop3A_177 : i32 to index
      %parallel_loop3A_188 = arith.constant 0 : index
      %parallel_loop3A_189 = tpu.vector_load %arg8[%parallel_loop3A_187, %parallel_loop3A_188] {strides = array<i32>} : memref<200x128xf32, #tpu.memory_space<vmem>>, vector<1x16xf32>,
      %parallel_loop3A_190 = vector.shape_cast %parallel_loop3A_189 : vector<1x16xf32> to vector<16xf32>
      %parallel_loop3A_191 = vector.shape_cast %parallel_loop3A_186 : vector<16xf32> to vector<1x16xf32>
      tpu.vector_store %arg8[%parallel_loop3A_187, %parallel_loop3A_188], %parallel_loop3A_191 {strides = array<i32>} : memref<200x128xf32, #tpu.memory_space<vmem>>, vector<1x16xf32>,
      %parallel_loop3A_192 = arith.index_cast %parallel_loop3A_177 : i32 to index
      %parallel_loop3A_193 = arith.constant 16 : index
      %parallel_loop3A_194 = tpu.vector_load %arg8[%parallel_loop3A_192, %parallel_loop3A_193] {strides = array<i32>} : memref<200x128xf32, #tpu.memory_space<vmem>>, vector<1x16xf32>,
      %parallel_loop3A_195 = vector.shape_cast %parallel_loop3A_194 : vector<1x16xf32> to vector<16xf32>
      %parallel_loop3A_196 = arith.index_cast %parallel_loop3A_177 : i32 to index
      %parallel_loop3A_197 = arith.constant 16 : index
      %parallel_loop3A_198 = tpu.vector_load %arg7[%parallel_loop3A_196, %parallel_loop3A_197] {strides = array<i32>} : memref<200x128xf32, #tpu.memory_space<vmem>>, vector<1x16xf32>,
      %parallel_loop3A_199 = vector.shape_cast %parallel_loop3A_198 : vector<1x16xf32> to vector<16xf32>
      %parallel_loop3A_200 = arith.addf %parallel_loop3A_195, %parallel_loop3A_199 : vector<16xf32>
      %parallel_loop3A_201 = arith.index_cast %parallel_loop3A_177 : i32 to index
      %parallel_loop3A_202 = arith.constant 16 : index
      %parallel_loop3A_203 = tpu.vector_load %arg8[%parallel_loop3A_201, %parallel_loop3A_202] {strides = array<i32>} : memref<200x128xf32, #tpu.memory_space<vmem>>, vector<1x16xf32>,
      %parallel_loop3A_204 = vector.shape_cast %parallel_loop3A_203 : vector<1x16xf32> to vector<16xf32>
      %parallel_loop3A_205 = vector.shape_cast %parallel_loop3A_200 : vector<16xf32> to vector<1x16xf32>
      tpu.vector_store %arg8[%parallel_loop3A_201, %parallel_loop3A_202], %parallel_loop3A_205 {strides = array<i32>} : memref<200x128xf32, #tpu.memory_space<vmem>>, vector<1x16xf32>,
      %parallel_loop3A_206 = arith.index_cast %parallel_loop3A_177 : i32 to index
      %parallel_loop3A_207 = arith.constant 32 : index
      %parallel_loop3A_208 = tpu.vector_load %arg8[%parallel_loop3A_206, %parallel_loop3A_207] {strides = array<i32>} : memref<200x128xf32, #tpu.memory_space<vmem>>, vector<1x16xf32>,
      %parallel_loop3A_209 = vector.shape_cast %parallel_loop3A_208 : vector<1x16xf32> to vector<16xf32>
      %parallel_loop3A_210 = arith.index_cast %parallel_loop3A_177 : i32 to index
      %parallel_loop3A_211 = arith.constant 32 : index
      %parallel_loop3A_212 = tpu.vector_load %arg7[%parallel_loop3A_210, %parallel_loop3A_211] {strides = array<i32>} : memref<200x128xf32, #tpu.memory_space<vmem>>, vector<1x16xf32>,
      %parallel_loop3A_213 = vector.shape_cast %parallel_loop3A_212 : vector<1x16xf32> to vector<16xf32>
      %parallel_loop3A_214 = arith.addf %parallel_loop3A_209, %parallel_loop3A_213 : vector<16xf32>
      %parallel_loop3A_215 = arith.index_cast %parallel_loop3A_177 : i32 to index
      %parallel_loop3A_216 = arith.constant 32 : index
      %parallel_loop3A_217 = tpu.vector_load %arg8[%parallel_loop3A_215, %parallel_loop3A_216] {strides = array<i32>} : memref<200x128xf32, #tpu.memory_space<vmem>>, vector<1x16xf32>,
      %parallel_loop3A_218 = vector.shape_cast %parallel_loop3A_217 : vector<1x16xf32> to vector<16xf32>
      %parallel_loop3A_219 = vector.shape_cast %parallel_loop3A_214 : vector<16xf32> to vector<1x16xf32>
      tpu.vector_store %arg8[%parallel_loop3A_215, %parallel_loop3A_216], %parallel_loop3A_219 {strides = array<i32>} : memref<200x128xf32, #tpu.memory_space<vmem>>, vector<1x16xf32>,
      %parallel_loop3A_220 = arith.index_cast %parallel_loop3A_177 : i32 to index
      %parallel_loop3A_221 = arith.constant 48 : index
      %parallel_loop3A_222 = tpu.vector_load %arg8[%parallel_loop3A_220, %parallel_loop3A_221] {strides = array<i32>} : memref<200x128xf32, #tpu.memory_space<vmem>>, vector<1x16xf32>,
      %parallel_loop3A_223 = vector.shape_cast %parallel_loop3A_222 : vector<1x16xf32> to vector<16xf32>
      %parallel_loop3A_224 = arith.index_cast %parallel_loop3A_177 : i32 to index
      %parallel_loop3A_225 = arith.constant 48 : index
      %parallel_loop3A_226 = tpu.vector_load %arg7[%parallel_loop3A_224, %parallel_loop3A_225] {strides = array<i32>} : memref<200x128xf32, #tpu.memory_space<vmem>>, vector<1x16xf32>,
      %parallel_loop3A_227 = vector.shape_cast %parallel_loop3A_226 : vector<1x16xf32> to vector<16xf32>
      %parallel_loop3A_228 = arith.addf %parallel_loop3A_223, %parallel_loop3A_227 : vector<16xf32>
      %parallel_loop3A_229 = arith.index_cast %parallel_loop3A_177 : i32 to index
      %parallel_loop3A_230 = arith.constant 48 : index
      %parallel_loop3A_231 = tpu.vector_load %arg8[%parallel_loop3A_229, %parallel_loop3A_230] {strides = array<i32>} : memref<200x128xf32, #tpu.memory_space<vmem>>, vector<1x16xf32>,
      %parallel_loop3A_232 = vector.shape_cast %parallel_loop3A_231 : vector<1x16xf32> to vector<16xf32>
      %parallel_loop3A_233 = vector.shape_cast %parallel_loop3A_228 : vector<16xf32> to vector<1x16xf32>
      tpu.vector_store %arg8[%parallel_loop3A_229, %parallel_loop3A_230], %parallel_loop3A_233 {strides = array<i32>} : memref<200x128xf32, #tpu.memory_space<vmem>>, vector<1x16xf32>,
      %parallel_loop3A_234 = arith.index_cast %parallel_loop3A_177 : i32 to index
      %parallel_loop3A_235 = arith.constant 64 : index
      %parallel_loop3A_236 = tpu.vector_load %arg8[%parallel_loop3A_234, %parallel_loop3A_235] {strides = array<i32>} : memref<200x128xf32, #tpu.memory_space<vmem>>, vector<1x16xf32>,
      %parallel_loop3A_237 = vector.shape_cast %parallel_loop3A_236 : vector<1x16xf32> to vector<16xf32>
      %parallel_loop3A_238 = arith.index_cast %parallel_loop3A_177 : i32 to index
      %parallel_loop3A_239 = arith.constant 64 : index
      %parallel_loop3A_240 = tpu.vector_load %arg7[%parallel_loop3A_238, %parallel_loop3A_239] {strides = array<i32>} : memref<200x128xf32, #tpu.memory_space<vmem>>, vector<1x16xf32>,
      %parallel_loop3A_241 = vector.shape_cast %parallel_loop3A_240 : vector<1x16xf32> to vector<16xf32>
      %parallel_loop3A_242 = arith.addf %parallel_loop3A_237, %parallel_loop3A_241 : vector<16xf32>
      %parallel_loop3A_243 = arith.index_cast %parallel_loop3A_177 : i32 to index
      %parallel_loop3A_244 = arith.constant 64 : index
      %parallel_loop3A_245 = tpu.vector_load %arg8[%parallel_loop3A_243, %parallel_loop3A_244] {strides = array<i32>} : memref<200x128xf32, #tpu.memory_space<vmem>>, vector<1x16xf32>,
      %parallel_loop3A_246 = vector.shape_cast %parallel_loop3A_245 : vector<1x16xf32> to vector<16xf32>
      %parallel_loop3A_247 = vector.shape_cast %parallel_loop3A_242 : vector<16xf32> to vector<1x16xf32>
      tpu.vector_store %arg8[%parallel_loop3A_243, %parallel_loop3A_244], %parallel_loop3A_247 {strides = array<i32>} : memref<200x128xf32, #tpu.memory_space<vmem>>, vector<1x16xf32>,
      %parallel_loop3A_248 = arith.index_cast %parallel_loop3A_177 : i32 to index
      %parallel_loop3A_249 = arith.constant 80 : index
      %parallel_loop3A_250 = tpu.vector_load %arg8[%parallel_loop3A_248, %parallel_loop3A_249] {strides = array<i32>} : memref<200x128xf32, #tpu.memory_space<vmem>>, vector<1x16xf32>,
      %parallel_loop3A_251 = vector.shape_cast %parallel_loop3A_250 : vector<1x16xf32> to vector<16xf32>
      %parallel_loop3A_252 = arith.index_cast %parallel_loop3A_177 : i32 to index
      %parallel_loop3A_253 = arith.constant 80 : index
      %parallel_loop3A_254 = tpu.vector_load %arg7[%parallel_loop3A_252, %parallel_loop3A_253] {strides = array<i32>} : memref<200x128xf32, #tpu.memory_space<vmem>>, vector<1x16xf32>,
      %parallel_loop3A_255 = vector.shape_cast %parallel_loop3A_254 : vector<1x16xf32> to vector<16xf32>
      %parallel_loop3A_256 = arith.addf %parallel_loop3A_251, %parallel_loop3A_255 : vector<16xf32>
      %parallel_loop3A_257 = arith.index_cast %parallel_loop3A_177 : i32 to index
      %parallel_loop3A_258 = arith.constant 80 : index
      %parallel_loop3A_259 = tpu.vector_load %arg8[%parallel_loop3A_257, %parallel_loop3A_258] {strides = array<i32>} : memref<200x128xf32, #tpu.memory_space<vmem>>, vector<1x16xf32>,
      %parallel_loop3A_260 = vector.shape_cast %parallel_loop3A_259 : vector<1x16xf32> to vector<16xf32>
      %parallel_loop3A_261 = vector.shape_cast %parallel_loop3A_256 : vector<16xf32> to vector<1x16xf32>
      tpu.vector_store %arg8[%parallel_loop3A_257, %parallel_loop3A_258], %parallel_loop3A_261 {strides = array<i32>} : memref<200x128xf32, #tpu.memory_space<vmem>>, vector<1x16xf32>,
      %parallel_loop3A_262 = arith.index_cast %parallel_loop3A_177 : i32 to index
      %parallel_loop3A_263 = arith.constant 96 : index
      %parallel_loop3A_264 = tpu.vector_load %arg8[%parallel_loop3A_262, %parallel_loop3A_263] {strides = array<i32>} : memref<200x128xf32, #tpu.memory_space<vmem>>, vector<1x16xf32>,
      %parallel_loop3A_265 = vector.shape_cast %parallel_loop3A_264 : vector<1x16xf32> to vector<16xf32>
      %parallel_loop3A_266 = arith.index_cast %parallel_loop3A_177 : i32 to index
      %parallel_loop3A_267 = arith.constant 96 : index
      %parallel_loop3A_268 = tpu.vector_load %arg7[%parallel_loop3A_266, %parallel_loop3A_267] {strides = array<i32>} : memref<200x128xf32, #tpu.memory_space<vmem>>, vector<1x16xf32>,
      %parallel_loop3A_269 = vector.shape_cast %parallel_loop3A_268 : vector<1x16xf32> to vector<16xf32>
      %parallel_loop3A_270 = arith.addf %parallel_loop3A_265, %parallel_loop3A_269 : vector<16xf32>
      %parallel_loop3A_271 = arith.index_cast %parallel_loop3A_177 : i32 to index
      %parallel_loop3A_272 = arith.constant 96 : index
      %parallel_loop3A_273 = tpu.vector_load %arg8[%parallel_loop3A_271, %parallel_loop3A_272] {strides = array<i32>} : memref<200x128xf32, #tpu.memory_space<vmem>>, vector<1x16xf32>,
      %parallel_loop3A_274 = vector.shape_cast %parallel_loop3A_273 : vector<1x16xf32> to vector<16xf32>
      %parallel_loop3A_275 = vector.shape_cast %parallel_loop3A_270 : vector<16xf32> to vector<1x16xf32>
      tpu.vector_store %arg8[%parallel_loop3A_271, %parallel_loop3A_272], %parallel_loop3A_275 {strides = array<i32>} : memref<200x128xf32, #tpu.memory_space<vmem>>, vector<1x16xf32>,
      %parallel_loop3A_276 = arith.index_cast %parallel_loop3A_177 : i32 to index
      %parallel_loop3A_277 = arith.constant 112 : index
      %parallel_loop3A_278 = tpu.vector_load %arg8[%parallel_loop3A_276, %parallel_loop3A_277] {strides = array<i32>} : memref<200x128xf32, #tpu.memory_space<vmem>>, vector<1x16xf32>,
      %parallel_loop3A_279 = vector.shape_cast %parallel_loop3A_278 : vector<1x16xf32> to vector<16xf32>
      %parallel_loop3A_280 = arith.index_cast %parallel_loop3A_177 : i32 to index
      %parallel_loop3A_281 = arith.constant 112 : index
      %parallel_loop3A_282 = tpu.vector_load %arg7[%parallel_loop3A_280, %parallel_loop3A_281] {strides = array<i32>} : memref<200x128xf32, #tpu.memory_space<vmem>>, vector<1x16xf32>,
      %parallel_loop3A_283 = vector.shape_cast %parallel_loop3A_282 : vector<1x16xf32> to vector<16xf32>
      %parallel_loop3A_284 = arith.addf %parallel_loop3A_279, %parallel_loop3A_283 : vector<16xf32>
      %parallel_loop3A_285 = arith.index_cast %parallel_loop3A_177 : i32 to index
      %parallel_loop3A_286 = arith.constant 112 : index
      %parallel_loop3A_287 = tpu.vector_load %arg8[%parallel_loop3A_285, %parallel_loop3A_286] {strides = array<i32>} : memref<200x128xf32, #tpu.memory_space<vmem>>, vector<1x16xf32>,
      %parallel_loop3A_288 = vector.shape_cast %parallel_loop3A_287 : vector<1x16xf32> to vector<16xf32>
      %parallel_loop3A_289 = vector.shape_cast %parallel_loop3A_284 : vector<16xf32> to vector<1x16xf32>
      tpu.vector_store %arg8[%parallel_loop3A_285, %parallel_loop3A_286], %parallel_loop3A_289 {strides = array<i32>} : memref<200x128xf32, #tpu.memory_space<vmem>>, vector<1x16xf32>,
    } {sc.loop_unroll_factor = 4 : i64, sc.parallel_access}
    %mul3A_87 = arith.constant 6400 : i32
    %mul3A_88 = arith.muli %add3A, %mul3A_87 : i32
    %add3A_89 = arith.constant 6000 : i32
    %add3A_90 = arith.addi %mul3A_88, %add3A_89 : i32
    %dma_start3A_91 = arith.constant 0 : i32
    %dma_start3A_92 = arith.constant 0 : i32
    %dma_start3A_93 = tpu.memref_slice %arg5[%add3A_90, %dma_start3A_92] : memref<204800x128xf32, #tpu.memory_space<hbm>> -> memref<200x128xf32, #tpu.memory_space<hbm>>
    %dma_start3A_94 = tpu.memref_slice %arg12[%dma_start3A_91] : memref<3x!tpu.dma_semaphore, #tpu.memory_space<semaphore_mem>> -> memref<1x!tpu.dma_semaphore, #tpu.memory_space<semaphore_mem>>
    %dma_start3A_95 = tpu.memref_squeeze %dma_start3A_94 : memref<1x!tpu.dma_semaphore, #tpu.memory_space<semaphore_mem>> -> memref<!tpu.dma_semaphore, #tpu.memory_space<semaphore_mem>>
    %dma_start3A_96 = arith.constant 0 : i32
    %dma_start3A_97 = tpu.memref_slice %arg5[%add3A_90, %dma_start3A_96] : memref<204800x128xf32, #tpu.memory_space<hbm>> -> memref<200x128xf32, #tpu.memory_space<hbm>>
    tpu.enqueue_dma source(%arg8 : memref<200x128xf32, #tpu.memory_space<vmem>>) target(%dma_start3A_97 : memref<200x128xf32, #tpu.memory_space<hbm>>) target_semaphore(%dma_start3A_95 : memref<!tpu.dma_semaphore, #tpu.memory_space<semaphore_mem>>)
    %and3A_98 = arith.constant true
    %and3A_99 = arith.constant false
    %and3A_100 = arith.andi %and3A_98, %and3A_99 : i1
    %convert_element_type3A_101 = arith.extui %and3A_100 : i1 to i32
    %cond3A_102 = arith.constant 0 : i32
    %cond3A_103 = arith.cmpi ne, %convert_element_type3A_101, %cond3A_102 : i32
    scf.if %cond3A_103 {
      %mul3A_177 = arith.constant 6400 : i32
      %mul3A_178 = arith.muli %add3A, %mul3A_177 : i32
      %add3A_179 = arith.constant 5800 : i32
      %add3A_180 = arith.addi %mul3A_178, %add3A_179 : i32
      %dma_wait3A_181 = arith.constant 2 : i32
      %dma_wait3A_182 = arith.constant 0 : i32
      %dma_wait3A_183 = tpu.memref_slice %arg5[%add3A_180, %dma_wait3A_182] : memref<204800x128xf32, #tpu.memory_space<hbm>> -> memref<200x128xf32, #tpu.memory_space<hbm>>
      %dma_wait3A_184 = tpu.memref_slice %arg12[%dma_wait3A_181] : memref<3x!tpu.dma_semaphore, #tpu.memory_space<semaphore_mem>> -> memref<1x!tpu.dma_semaphore, #tpu.memory_space<semaphore_mem>>
      %dma_wait3A_185 = tpu.memref_squeeze %dma_wait3A_184 : memref<1x!tpu.dma_semaphore, #tpu.memory_space<semaphore_mem>> -> memref<!tpu.dma_semaphore, #tpu.memory_space<semaphore_mem>>
      %dma_wait3A_186 = arith.constant 0 : i32
      %dma_wait3A_187 = tpu.memref_slice %arg5[%add3A_180, %dma_wait3A_186] : memref<204800x128xf32, #tpu.memory_space<hbm>> -> memref<200x128xf32, #tpu.memory_space<hbm>>
      tpu.wait_dma2 semaphore(%dma_wait3A_185 : memref<!tpu.dma_semaphore, #tpu.memory_space<semaphore_mem>>) src(%arg10 : memref<200x128xf32, #tpu.memory_space<vmem>>) dst(%dma_wait3A_187 : memref<200x128xf32, #tpu.memory_space<hbm>>)
    } else {
    }
    %dma_wait3A_104 = arith.constant 62 : i32
    %dma_wait3A_105 = arith.constant 1 : i32
    %dma_wait3A_106 = arith.constant 0 : i32
    %dma_wait3A_107 = arith.constant 0 : i32
    %dma_wait3A_108 = tpu.memref_slice %arg9[%dma_wait3A_106, %dma_wait3A_107] : memref<200x128xf32, #tpu.memory_space<vmem>> -> memref<100x128xf32, #tpu.memory_space<vmem>>
    %dma_wait3A_109 = arith.constant 0 : i32
    %dma_wait3A_110 = tpu.memref_slice %arg6[%dma_wait3A_104, %dma_wait3A_109] : memref<64x100xi32, #tpu.memory_space<vmem>> -> memref<1x100xi32, #tpu.memory_space<vmem>>
    %dma_wait3A_111 = tpu.memref_squeeze %dma_wait3A_110 : memref<1x100xi32, #tpu.memory_space<vmem>> -> memref<100xi32, #tpu.memory_space<vmem>>
    %dma_wait3A_112 = arith.constant 0 : i32
    %dma_wait3A_113 = arith.constant 0 : i32
    %dma_wait3A_114 = tpu.memref_slice %arg3[%dma_wait3A_112, %dma_wait3A_113] : memref<100000x128xf32, #tpu.memory_space<hbm>> -> memref<100000x128xf32, #tpu.memory_space<hbm>>
    %dma_wait3A_115 = tpu.memref_slice %arg11[%dma_wait3A_105] : memref<3x!tpu.dma_semaphore, #tpu.memory_space<semaphore_mem>> -> memref<1x!tpu.dma_semaphore, #tpu.memory_space<semaphore_mem>>
    %dma_wait3A_116 = tpu.memref_squeeze %dma_wait3A_115 : memref<1x!tpu.dma_semaphore, #tpu.memory_space<semaphore_mem>> -> memref<!tpu.dma_semaphore, #tpu.memory_space<semaphore_mem>>
    tpu.wait_indirect_dma semaphore(%dma_wait3A_116 : memref<!tpu.dma_semaphore, #tpu.memory_space<semaphore_mem>>) src(%dma_wait3A_114 : memref<100000x128xf32, #tpu.memory_space<hbm>>) dst(%dma_wait3A_108 : memref<100x128xf32, #tpu.memory_space<vmem>>)
    %dma_wait3A_117 = arith.constant 63 : i32
    %dma_wait3A_118 = arith.constant 1 : i32
    %dma_wait3A_119 = arith.constant 100 : i32
    %dma_wait3A_120 = arith.constant 0 : i32
    %dma_wait3A_121 = tpu.memref_slice %arg9[%dma_wait3A_119, %dma_wait3A_120] : memref<200x128xf32, #tpu.memory_space<vmem>> -> memref<100x128xf32, #tpu.memory_space<vmem>>
    %dma_wait3A_122 = arith.constant 0 : i32
    %dma_wait3A_123 = tpu.memref_slice %arg6[%dma_wait3A_117, %dma_wait3A_122] : memref<64x100xi32, #tpu.memory_space<vmem>> -> memref<1x100xi32, #tpu.memory_space<vmem>>
    %dma_wait3A_124 = tpu.memref_squeeze %dma_wait3A_123 : memref<1x100xi32, #tpu.memory_space<vmem>> -> memref<100xi32, #tpu.memory_space<vmem>>
    %dma_wait3A_125 = arith.constant 0 : i32
    %dma_wait3A_126 = arith.constant 0 : i32
    %dma_wait3A_127 = tpu.memref_slice %arg3[%dma_wait3A_125, %dma_wait3A_126] : memref<100000x128xf32, #tpu.memory_space<hbm>> -> memref<100000x128xf32, #tpu.memory_space<hbm>>
    %dma_wait3A_128 = tpu.memref_slice %arg11[%dma_wait3A_118] : memref<3x!tpu.dma_semaphore, #tpu.memory_space<semaphore_mem>> -> memref<1x!tpu.dma_semaphore, #tpu.memory_space<semaphore_mem>>
    %dma_wait3A_129 = tpu.memref_squeeze %dma_wait3A_128 : memref<1x!tpu.dma_semaphore, #tpu.memory_space<semaphore_mem>> -> memref<!tpu.dma_semaphore, #tpu.memory_space<semaphore_mem>>
    tpu.wait_indirect_dma semaphore(%dma_wait3A_129 : memref<!tpu.dma_semaphore, #tpu.memory_space<semaphore_mem>>) src(%dma_wait3A_127 : memref<100000x128xf32, #tpu.memory_space<hbm>>) dst(%dma_wait3A_121 : memref<100x128xf32, #tpu.memory_space<vmem>>)
    %parallel_loop3A_130 = arith.constant 0 : i32
    %parallel_loop3A_131 = arith.constant 200 : i32
    %parallel_loop3A_132 = arith.constant 1 : i32
    scf.for %parallel_loop3A_177 = %parallel_loop3A_130 to %parallel_loop3A_131 step %parallel_loop3A_132  : i32 {
      %parallel_loop3A_178 = arith.index_cast %parallel_loop3A_177 : i32 to index
      %parallel_loop3A_179 = arith.constant 0 : index
      %parallel_loop3A_180 = tpu.vector_load %arg9[%parallel_loop3A_178, %parallel_loop3A_179] {strides = array<i32>} : memref<200x128xf32, #tpu.memory_space<vmem>>, vector<1x16xf32>,
      %parallel_loop3A_181 = vector.shape_cast %parallel_loop3A_180 : vector<1x16xf32> to vector<16xf32>
      %parallel_loop3A_182 = arith.index_cast %parallel_loop3A_177 : i32 to index
      %parallel_loop3A_183 = arith.constant 0 : index
      %parallel_loop3A_184 = tpu.vector_load %arg7[%parallel_loop3A_182, %parallel_loop3A_183] {strides = array<i32>} : memref<200x128xf32, #tpu.memory_space<vmem>>, vector<1x16xf32>,
      %parallel_loop3A_185 = vector.shape_cast %parallel_loop3A_184 : vector<1x16xf32> to vector<16xf32>
      %parallel_loop3A_186 = arith.addf %parallel_loop3A_181, %parallel_loop3A_185 : vector<16xf32>
      %parallel_loop3A_187 = arith.index_cast %parallel_loop3A_177 : i32 to index
      %parallel_loop3A_188 = arith.constant 0 : index
      %parallel_loop3A_189 = tpu.vector_load %arg9[%parallel_loop3A_187, %parallel_loop3A_188] {strides = array<i32>} : memref<200x128xf32, #tpu.memory_space<vmem>>, vector<1x16xf32>,
      %parallel_loop3A_190 = vector.shape_cast %parallel_loop3A_189 : vector<1x16xf32> to vector<16xf32>
      %parallel_loop3A_191 = vector.shape_cast %parallel_loop3A_186 : vector<16xf32> to vector<1x16xf32>
      tpu.vector_store %arg9[%parallel_loop3A_187, %parallel_loop3A_188], %parallel_loop3A_191 {strides = array<i32>} : memref<200x128xf32, #tpu.memory_space<vmem>>, vector<1x16xf32>,
      %parallel_loop3A_192 = arith.index_cast %parallel_loop3A_177 : i32 to index
      %parallel_loop3A_193 = arith.constant 16 : index
      %parallel_loop3A_194 = tpu.vector_load %arg9[%parallel_loop3A_192, %parallel_loop3A_193] {strides = array<i32>} : memref<200x128xf32, #tpu.memory_space<vmem>>, vector<1x16xf32>,
      %parallel_loop3A_195 = vector.shape_cast %parallel_loop3A_194 : vector<1x16xf32> to vector<16xf32>
      %parallel_loop3A_196 = arith.index_cast %parallel_loop3A_177 : i32 to index
      %parallel_loop3A_197 = arith.constant 16 : index
      %parallel_loop3A_198 = tpu.vector_load %arg7[%parallel_loop3A_196, %parallel_loop3A_197] {strides = array<i32>} : memref<200x128xf32, #tpu.memory_space<vmem>>, vector<1x16xf32>,
      %parallel_loop3A_199 = vector.shape_cast %parallel_loop3A_198 : vector<1x16xf32> to vector<16xf32>
      %parallel_loop3A_200 = arith.addf %parallel_loop3A_195, %parallel_loop3A_199 : vector<16xf32>
      %parallel_loop3A_201 = arith.index_cast %parallel_loop3A_177 : i32 to index
      %parallel_loop3A_202 = arith.constant 16 : index
      %parallel_loop3A_203 = tpu.vector_load %arg9[%parallel_loop3A_201, %parallel_loop3A_202] {strides = array<i32>} : memref<200x128xf32, #tpu.memory_space<vmem>>, vector<1x16xf32>,
      %parallel_loop3A_204 = vector.shape_cast %parallel_loop3A_203 : vector<1x16xf32> to vector<16xf32>
      %parallel_loop3A_205 = vector.shape_cast %parallel_loop3A_200 : vector<16xf32> to vector<1x16xf32>
      tpu.vector_store %arg9[%parallel_loop3A_201, %parallel_loop3A_202], %parallel_loop3A_205 {strides = array<i32>} : memref<200x128xf32, #tpu.memory_space<vmem>>, vector<1x16xf32>,
      %parallel_loop3A_206 = arith.index_cast %parallel_loop3A_177 : i32 to index
      %parallel_loop3A_207 = arith.constant 32 : index
      %parallel_loop3A_208 = tpu.vector_load %arg9[%parallel_loop3A_206, %parallel_loop3A_207] {strides = array<i32>} : memref<200x128xf32, #tpu.memory_space<vmem>>, vector<1x16xf32>,
      %parallel_loop3A_209 = vector.shape_cast %parallel_loop3A_208 : vector<1x16xf32> to vector<16xf32>
      %parallel_loop3A_210 = arith.index_cast %parallel_loop3A_177 : i32 to index
      %parallel_loop3A_211 = arith.constant 32 : index
      %parallel_loop3A_212 = tpu.vector_load %arg7[%parallel_loop3A_210, %parallel_loop3A_211] {strides = array<i32>} : memref<200x128xf32, #tpu.memory_space<vmem>>, vector<1x16xf32>,
      %parallel_loop3A_213 = vector.shape_cast %parallel_loop3A_212 : vector<1x16xf32> to vector<16xf32>
      %parallel_loop3A_214 = arith.addf %parallel_loop3A_209, %parallel_loop3A_213 : vector<16xf32>
      %parallel_loop3A_215 = arith.index_cast %parallel_loop3A_177 : i32 to index
      %parallel_loop3A_216 = arith.constant 32 : index
      %parallel_loop3A_217 = tpu.vector_load %arg9[%parallel_loop3A_215, %parallel_loop3A_216] {strides = array<i32>} : memref<200x128xf32, #tpu.memory_space<vmem>>, vector<1x16xf32>,
      %parallel_loop3A_218 = vector.shape_cast %parallel_loop3A_217 : vector<1x16xf32> to vector<16xf32>
      %parallel_loop3A_219 = vector.shape_cast %parallel_loop3A_214 : vector<16xf32> to vector<1x16xf32>
      tpu.vector_store %arg9[%parallel_loop3A_215, %parallel_loop3A_216], %parallel_loop3A_219 {strides = array<i32>} : memref<200x128xf32, #tpu.memory_space<vmem>>, vector<1x16xf32>,
      %parallel_loop3A_220 = arith.index_cast %parallel_loop3A_177 : i32 to index
      %parallel_loop3A_221 = arith.constant 48 : index
      %parallel_loop3A_222 = tpu.vector_load %arg9[%parallel_loop3A_220, %parallel_loop3A_221] {strides = array<i32>} : memref<200x128xf32, #tpu.memory_space<vmem>>, vector<1x16xf32>,
      %parallel_loop3A_223 = vector.shape_cast %parallel_loop3A_222 : vector<1x16xf32> to vector<16xf32>
      %parallel_loop3A_224 = arith.index_cast %parallel_loop3A_177 : i32 to index
      %parallel_loop3A_225 = arith.constant 48 : index
      %parallel_loop3A_226 = tpu.vector_load %arg7[%parallel_loop3A_224, %parallel_loop3A_225] {strides = array<i32>} : memref<200x128xf32, #tpu.memory_space<vmem>>, vector<1x16xf32>,
      %parallel_loop3A_227 = vector.shape_cast %parallel_loop3A_226 : vector<1x16xf32> to vector<16xf32>
      %parallel_loop3A_228 = arith.addf %parallel_loop3A_223, %parallel_loop3A_227 : vector<16xf32>
      %parallel_loop3A_229 = arith.index_cast %parallel_loop3A_177 : i32 to index
      %parallel_loop3A_230 = arith.constant 48 : index
      %parallel_loop3A_231 = tpu.vector_load %arg9[%parallel_loop3A_229, %parallel_loop3A_230] {strides = array<i32>} : memref<200x128xf32, #tpu.memory_space<vmem>>, vector<1x16xf32>,
      %parallel_loop3A_232 = vector.shape_cast %parallel_loop3A_231 : vector<1x16xf32> to vector<16xf32>
      %parallel_loop3A_233 = vector.shape_cast %parallel_loop3A_228 : vector<16xf32> to vector<1x16xf32>
      tpu.vector_store %arg9[%parallel_loop3A_229, %parallel_loop3A_230], %parallel_loop3A_233 {strides = array<i32>} : memref<200x128xf32, #tpu.memory_space<vmem>>, vector<1x16xf32>,
      %parallel_loop3A_234 = arith.index_cast %parallel_loop3A_177 : i32 to index
      %parallel_loop3A_235 = arith.constant 64 : index
      %parallel_loop3A_236 = tpu.vector_load %arg9[%parallel_loop3A_234, %parallel_loop3A_235] {strides = array<i32>} : memref<200x128xf32, #tpu.memory_space<vmem>>, vector<1x16xf32>,
      %parallel_loop3A_237 = vector.shape_cast %parallel_loop3A_236 : vector<1x16xf32> to vector<16xf32>
      %parallel_loop3A_238 = arith.index_cast %parallel_loop3A_177 : i32 to index
      %parallel_loop3A_239 = arith.constant 64 : index
      %parallel_loop3A_240 = tpu.vector_load %arg7[%parallel_loop3A_238, %parallel_loop3A_239] {strides = array<i32>} : memref<200x128xf32, #tpu.memory_space<vmem>>, vector<1x16xf32>,
      %parallel_loop3A_241 = vector.shape_cast %parallel_loop3A_240 : vector<1x16xf32> to vector<16xf32>
      %parallel_loop3A_242 = arith.addf %parallel_loop3A_237, %parallel_loop3A_241 : vector<16xf32>
      %parallel_loop3A_243 = arith.index_cast %parallel_loop3A_177 : i32 to index
      %parallel_loop3A_244 = arith.constant 64 : index
      %parallel_loop3A_245 = tpu.vector_load %arg9[%parallel_loop3A_243, %parallel_loop3A_244] {strides = array<i32>} : memref<200x128xf32, #tpu.memory_space<vmem>>, vector<1x16xf32>,
      %parallel_loop3A_246 = vector.shape_cast %parallel_loop3A_245 : vector<1x16xf32> to vector<16xf32>
      %parallel_loop3A_247 = vector.shape_cast %parallel_loop3A_242 : vector<16xf32> to vector<1x16xf32>
      tpu.vector_store %arg9[%parallel_loop3A_243, %parallel_loop3A_244], %parallel_loop3A_247 {strides = array<i32>} : memref<200x128xf32, #tpu.memory_space<vmem>>, vector<1x16xf32>,
      %parallel_loop3A_248 = arith.index_cast %parallel_loop3A_177 : i32 to index
      %parallel_loop3A_249 = arith.constant 80 : index
      %parallel_loop3A_250 = tpu.vector_load %arg9[%parallel_loop3A_248, %parallel_loop3A_249] {strides = array<i32>} : memref<200x128xf32, #tpu.memory_space<vmem>>, vector<1x16xf32>,
      %parallel_loop3A_251 = vector.shape_cast %parallel_loop3A_250 : vector<1x16xf32> to vector<16xf32>
      %parallel_loop3A_252 = arith.index_cast %parallel_loop3A_177 : i32 to index
      %parallel_loop3A_253 = arith.constant 80 : index
      %parallel_loop3A_254 = tpu.vector_load %arg7[%parallel_loop3A_252, %parallel_loop3A_253] {strides = array<i32>} : memref<200x128xf32, #tpu.memory_space<vmem>>, vector<1x16xf32>,
      %parallel_loop3A_255 = vector.shape_cast %parallel_loop3A_254 : vector<1x16xf32> to vector<16xf32>
      %parallel_loop3A_256 = arith.addf %parallel_loop3A_251, %parallel_loop3A_255 : vector<16xf32>
      %parallel_loop3A_257 = arith.index_cast %parallel_loop3A_177 : i32 to index
      %parallel_loop3A_258 = arith.constant 80 : index
      %parallel_loop3A_259 = tpu.vector_load %arg9[%parallel_loop3A_257, %parallel_loop3A_258] {strides = array<i32>} : memref<200x128xf32, #tpu.memory_space<vmem>>, vector<1x16xf32>,
      %parallel_loop3A_260 = vector.shape_cast %parallel_loop3A_259 : vector<1x16xf32> to vector<16xf32>
      %parallel_loop3A_261 = vector.shape_cast %parallel_loop3A_256 : vector<16xf32> to vector<1x16xf32>
      tpu.vector_store %arg9[%parallel_loop3A_257, %parallel_loop3A_258], %parallel_loop3A_261 {strides = array<i32>} : memref<200x128xf32, #tpu.memory_space<vmem>>, vector<1x16xf32>,
      %parallel_loop3A_262 = arith.index_cast %parallel_loop3A_177 : i32 to index
      %parallel_loop3A_263 = arith.constant 96 : index
      %parallel_loop3A_264 = tpu.vector_load %arg9[%parallel_loop3A_262, %parallel_loop3A_263] {strides = array<i32>} : memref<200x128xf32, #tpu.memory_space<vmem>>, vector<1x16xf32>,
      %parallel_loop3A_265 = vector.shape_cast %parallel_loop3A_264 : vector<1x16xf32> to vector<16xf32>
      %parallel_loop3A_266 = arith.index_cast %parallel_loop3A_177 : i32 to index
      %parallel_loop3A_267 = arith.constant 96 : index
      %parallel_loop3A_268 = tpu.vector_load %arg7[%parallel_loop3A_266, %parallel_loop3A_267] {strides = array<i32>} : memref<200x128xf32, #tpu.memory_space<vmem>>, vector<1x16xf32>,
      %parallel_loop3A_269 = vector.shape_cast %parallel_loop3A_268 : vector<1x16xf32> to vector<16xf32>
      %parallel_loop3A_270 = arith.addf %parallel_loop3A_265, %parallel_loop3A_269 : vector<16xf32>
      %parallel_loop3A_271 = arith.index_cast %parallel_loop3A_177 : i32 to index
      %parallel_loop3A_272 = arith.constant 96 : index
      %parallel_loop3A_273 = tpu.vector_load %arg9[%parallel_loop3A_271, %parallel_loop3A_272] {strides = array<i32>} : memref<200x128xf32, #tpu.memory_space<vmem>>, vector<1x16xf32>,
      %parallel_loop3A_274 = vector.shape_cast %parallel_loop3A_273 : vector<1x16xf32> to vector<16xf32>
      %parallel_loop3A_275 = vector.shape_cast %parallel_loop3A_270 : vector<16xf32> to vector<1x16xf32>
      tpu.vector_store %arg9[%parallel_loop3A_271, %parallel_loop3A_272], %parallel_loop3A_275 {strides = array<i32>} : memref<200x128xf32, #tpu.memory_space<vmem>>, vector<1x16xf32>,
      %parallel_loop3A_276 = arith.index_cast %parallel_loop3A_177 : i32 to index
      %parallel_loop3A_277 = arith.constant 112 : index
      %parallel_loop3A_278 = tpu.vector_load %arg9[%parallel_loop3A_276, %parallel_loop3A_277] {strides = array<i32>} : memref<200x128xf32, #tpu.memory_space<vmem>>, vector<1x16xf32>,
      %parallel_loop3A_279 = vector.shape_cast %parallel_loop3A_278 : vector<1x16xf32> to vector<16xf32>
      %parallel_loop3A_280 = arith.index_cast %parallel_loop3A_177 : i32 to index
      %parallel_loop3A_281 = arith.constant 112 : index
      %parallel_loop3A_282 = tpu.vector_load %arg7[%parallel_loop3A_280, %parallel_loop3A_281] {strides = array<i32>} : memref<200x128xf32, #tpu.memory_space<vmem>>, vector<1x16xf32>,
      %parallel_loop3A_283 = vector.shape_cast %parallel_loop3A_282 : vector<1x16xf32> to vector<16xf32>
      %parallel_loop3A_284 = arith.addf %parallel_loop3A_279, %parallel_loop3A_283 : vector<16xf32>
      %parallel_loop3A_285 = arith.index_cast %parallel_loop3A_177 : i32 to index
      %parallel_loop3A_286 = arith.constant 112 : index
      %parallel_loop3A_287 = tpu.vector_load %arg9[%parallel_loop3A_285, %parallel_loop3A_286] {strides = array<i32>} : memref<200x128xf32, #tpu.memory_space<vmem>>, vector<1x16xf32>,
      %parallel_loop3A_288 = vector.shape_cast %parallel_loop3A_287 : vector<1x16xf32> to vector<16xf32>
      %parallel_loop3A_289 = vector.shape_cast %parallel_loop3A_284 : vector<16xf32> to vector<1x16xf32>
      tpu.vector_store %arg9[%parallel_loop3A_285, %parallel_loop3A_286], %parallel_loop3A_289 {strides = array<i32>} : memref<200x128xf32, #tpu.memory_space<vmem>>, vector<1x16xf32>,
    } {sc.loop_unroll_factor = 4 : i64, sc.parallel_access}
    %mul3A_133 = arith.constant 6400 : i32
    %mul3A_134 = arith.muli %add3A, %mul3A_133 : i32
    %add3A_135 = arith.constant 6200 : i32
    %add3A_136 = arith.addi %mul3A_134, %add3A_135 : i32
    %dma_start3A_137 = arith.constant 1 : i32
    %dma_start3A_138 = arith.constant 0 : i32
    %dma_start3A_139 = tpu.memref_slice %arg5[%add3A_136, %dma_start3A_138] : memref<204800x128xf32, #tpu.memory_space<hbm>> -> memref<200x128xf32, #tpu.memory_space<hbm>>
    %dma_start3A_140 = tpu.memref_slice %arg12[%dma_start3A_137] : memref<3x!tpu.dma_semaphore, #tpu.memory_space<semaphore_mem>> -> memref<1x!tpu.dma_semaphore, #tpu.memory_space<semaphore_mem>>
    %dma_start3A_141 = tpu.memref_squeeze %dma_start3A_140 : memref<1x!tpu.dma_semaphore, #tpu.memory_space<semaphore_mem>> -> memref<!tpu.dma_semaphore, #tpu.memory_space<semaphore_mem>>
    %dma_start3A_142 = arith.constant 0 : i32
    %dma_start3A_143 = tpu.memref_slice %arg5[%add3A_136, %dma_start3A_142] : memref<204800x128xf32, #tpu.memory_space<hbm>> -> memref<200x128xf32, #tpu.memory_space<hbm>>
    tpu.enqueue_dma source(%arg9 : memref<200x128xf32, #tpu.memory_space<vmem>>) target(%dma_start3A_143 : memref<200x128xf32, #tpu.memory_space<hbm>>) target_semaphore(%dma_start3A_141 : memref<!tpu.dma_semaphore, #tpu.memory_space<semaphore_mem>>)
    %mul3A_144 = arith.constant 6400 : i32
    %mul3A_145 = arith.muli %add3A, %mul3A_144 : i32
    %add3A_146 = arith.constant 5800 : i32
    %add3A_147 = arith.addi %mul3A_145, %add3A_146 : i32
    %dma_wait3A_148 = arith.constant 2 : i32
    %dma_wait3A_149 = arith.constant 0 : i32
    %dma_wait3A_150 = tpu.memref_slice %arg5[%add3A_147, %dma_wait3A_149] : memref<204800x128xf32, #tpu.memory_space<hbm>> -> memref<200x128xf32, #tpu.memory_space<hbm>>
    %dma_wait3A_151 = tpu.memref_slice %arg12[%dma_wait3A_148] : memref<3x!tpu.dma_semaphore, #tpu.memory_space<semaphore_mem>> -> memref<1x!tpu.dma_semaphore, #tpu.memory_space<semaphore_mem>>
    %dma_wait3A_152 = tpu.memref_squeeze %dma_wait3A_151 : memref<1x!tpu.dma_semaphore, #tpu.memory_space<semaphore_mem>> -> memref<!tpu.dma_semaphore, #tpu.memory_space<semaphore_mem>>
    %dma_wait3A_153 = arith.constant 0 : i32
    %dma_wait3A_154 = tpu.memref_slice %arg5[%add3A_147, %dma_wait3A_153] : memref<204800x128xf32, #tpu.memory_space<hbm>> -> memref<200x128xf32, #tpu.memory_space<hbm>>
    tpu.wait_dma2 semaphore(%dma_wait3A_152 : memref<!tpu.dma_semaphore, #tpu.memory_space<semaphore_mem>>) src(%arg10 : memref<200x128xf32, #tpu.memory_space<vmem>>) dst(%dma_wait3A_154 : memref<200x128xf32, #tpu.memory_space<hbm>>)
    %mul3A_155 = arith.constant 6400 : i32
    %mul3A_156 = arith.muli %add3A, %mul3A_155 : i32
    %add3A_157 = arith.constant 6000 : i32
    %add3A_158 = arith.addi %mul3A_156, %add3A_157 : i32
    %dma_wait3A_159 = arith.constant 0 : i32
    %dma_wait3A_160 = arith.constant 0 : i32
    %dma_wait3A_161 = tpu.memref_slice %arg5[%add3A_158, %dma_wait3A_160] : memref<204800x128xf32, #tpu.memory_space<hbm>> -> memref<200x128xf32, #tpu.memory_space<hbm>>
    %dma_wait3A_162 = tpu.memref_slice %arg12[%dma_wait3A_159] : memref<3x!tpu.dma_semaphore, #tpu.memory_space<semaphore_mem>> -> memref<1x!tpu.dma_semaphore, #tpu.memory_space<semaphore_mem>>
    %dma_wait3A_163 = tpu.memref_squeeze %dma_wait3A_162 : memref<1x!tpu.dma_semaphore, #tpu.memory_space<semaphore_mem>> -> memref<!tpu.dma_semaphore, #tpu.memory_space<semaphore_mem>>
    %dma_wait3A_164 = arith.constant 0 : i32
    %dma_wait3A_165 = tpu.memref_slice %arg5[%add3A_158, %dma_wait3A_164] : memref<204800x128xf32, #tpu.memory_space<hbm>> -> memref<200x128xf32, #tpu.memory_space<hbm>>
    tpu.wait_dma2 semaphore(%dma_wait3A_163 : memref<!tpu.dma_semaphore, #tpu.memory_space<semaphore_mem>>) src(%arg8 : memref<200x128xf32, #tpu.memory_space<vmem>>) dst(%dma_wait3A_165 : memref<200x128xf32, #tpu.memory_space<hbm>>)
    %mul3A_166 = arith.constant 6400 : i32
    %mul3A_167 = arith.muli %add3A, %mul3A_166 : i32
    %add3A_168 = arith.constant 6200 : i32
    %add3A_169 = arith.addi %mul3A_167, %add3A_168 : i32
    %dma_wait3A_170 = arith.constant 1 : i32
    %dma_wait3A_171 = arith.constant 0 : i32
    %dma_wait3A_172 = tpu.memref_slice %arg5[%add3A_169, %dma_wait3A_171] : memref<204800x128xf32, #tpu.memory_space<hbm>> -> memref<200x128xf32, #tpu.memory_space<hbm>>
    %dma_wait3A_173 = tpu.memref_slice %arg12[%dma_wait3A_170] : memref<3x!tpu.dma_semaphore, #tpu.memory_space<semaphore_mem>> -> memref<1x!tpu.dma_semaphore, #tpu.memory_space<semaphore_mem>>
    %dma_wait3A_174 = tpu.memref_squeeze %dma_wait3A_173 : memref<1x!tpu.dma_semaphore, #tpu.memory_space<semaphore_mem>> -> memref<!tpu.dma_semaphore, #tpu.memory_space<semaphore_mem>>
    %dma_wait3A_175 = arith.constant 0 : i32
    %dma_wait3A_176 = tpu.memref_slice %arg5[%add3A_169, %dma_wait3A_175] : memref<204800x128xf32, #tpu.memory_space<hbm>> -> memref<200x128xf32, #tpu.memory_space<hbm>>
    tpu.wait_dma2 semaphore(%dma_wait3A_174 : memref<!tpu.dma_semaphore, #tpu.memory_space<semaphore_mem>>) src(%arg9 : memref<200x128xf32, #tpu.memory_space<vmem>>) dst(%dma_wait3A_176 : memref<200x128xf32, #tpu.memory_space<hbm>>)
    return
  }
}

</mosaic_0001>

<sc_bundles>
// kernel: _embed.3.cloned.1.call-start
scs
__scs_entry_jumppad:
0x0: {  	(pc) =	sbr.rel $0x88, $3  }
0x1: {  	(tag) =	ssettag $0x0;
	lr =	simm.s32 $0x1  }
0x2: {  	[smem:$0x3F9E] =	sst lr;
	_ =	strace $0xD0000000  }
0x3: {  	_ = 	snop  }
0x4: {  	_ = 	snop  }
0x5: {  	_ = 	snop  }
0x6: {  	_ = 	snop  }
0x7: {  	_ = 	snop  }
__scs_overlays_trampoline_lowered:
0x8: {  	[smem:$0x3FAD] =	sst s0  }
0x9: {  	[smem:$0x3FAE] =	sst s1  }
0xa: {  	[smem:$0x3FAF] =	sst s2  }
0xb: {  	[smem:$0x3FB0] =	sst s3  }
0xc: {  	[smem:$0x3FB1] =	sst s4  }
0xd: {  	[smem:$0x3FB2] =	sst s5  }
0xe: {  	[smem:$0x3FB3] =	sst s6  }
0xf: {  	[smem:$0x3FB4] =	sst s7  }
0x10: {  	[smem:$0x3FB5] =	sst s8  }
0x11: {  	[smem:$0x3FB6] =	sst s9;
	s0 =	simm.s32 @!p0 $0x0  }
0x12: {  	s1 =	sld [smem:$0x3F9C];
	s0 =	simm.s32 @p0 $0x1  }
0x13: {  	[smem:$0x3FB7] =	sst s0;
	s0 =	simm.s32 @!p1 $0x0  }
0x14: {  	s2 =	sld [smem:$0x3F9B];
	s0 =	simm.s32 @p1 $0x1  }
0x15: {  	[smem:$0x3FB8] =	sst s0;
	s0 =	simm.s32 @!p2 $0x0  }
0x16: {  	s3 =	sld [smem:$0x3FDB];
	s0 =	simm.s32 @p2 $0x1  }
0x17: {  	s4 =	simm.s32 $0x1BF5;
	[smem:$0x3FBA] =	sst s0  }
0x18: {  	s0 =	sld [smem:$0x3F9D];
	_ =	swait.ge [sflag:s4], $0x0  }
0x19: {  	s7 =	sld [smem:$0x3F9E]  }
0x1a: {  	s8 =	sadd.s32 $0xFFFFE003, lr  }
0x1b: {  	s9 =	sadd.s32 $0xFFFFFEF7, lr;
	s5 =	simm.s32 $0xFFFFFFFF;
	p2 =	slt.u32 s8, $0xFFFFF086  }
0x1c: {  	p1 =	slt.u32 s9, $0xF7A;
	s5 =	simm.s32 @!p2 $0x0  }
0x1d: {  	s5 =	simm.s32 @p1 $0x1;
	p0 =	seq.s32 s7, s2  }
0x1e: {  	s7 =	smul.u32 @!p0 $0xF7A, s2;
	p2 =	seq.s32 @!p0 s5, $0x0  }
0x1f: {  	s9 =	smul.u32 $0xF7A, s1;
	s8 =	simm.s32 @!p0 $0x1BF5;
	p2 =	por !p2, p0  }
0x20: {  	[sflag:s8] =	ssyncset.s32 @!p0 $0xFFFFF086;
	s6 =	sadd.s32 @!p0 s3, s7;
	s7 =	simm.s32 @!p0 $0x108  }
0x21: {  	s3 =	sadd.s32 s3, s9;
	s6 =	sadd.s32 @!p0 $0x88, s6;
	s7 =	simm.s32 @p2 $0x1082  }
0x22: {  	[simem:s7], [sflag:s8] =	dma.local @!p0 [hbm:s6], $0xF7A  }
0x23: {  	s9 =	sor.u32 $0xD0000000, s2;
	s6 =	simm.s32 $0x108;
	_ =	swait.ge @!p0 [sflag:s8], $0x0  }
0x24: {  	s3 =	sadd.s32 $0x88, s3;
	s6 =	simm.s32 @!p1 $0x1082;
	[sflag:s4] =	ssyncset.s32 $0xFFFFF086  }
0x25: {  	[simem:s6], [sflag:s4] =	dma.local [hbm:s3], $0xF7A  }
0x26: {  	[smem:$0x3F9E] =	sst s1;
	(tag) =	ssettag s2;
	_ =	strace s9  }
0x27: {  	s1 =	sld [smem:$0x3FAE]  }
0x28: {  	s2 =	sld [smem:$0x3FAF]  }
0x29: {  	s4 =	sld [smem:$0x3FB1]  }
0x2a: {  	p0 =	seq.s32 s5, $0x0;
	s5 =	sld [smem:$0x3FB2]  }
0x2b: {  	s6 =	sld [smem:$0x3FB3]  }
0x2c: {  	s7 =	sld [smem:$0x3FB4]  }
0x2d: {  	s3 =	simm.s32 $0x108;
	s8 =	sld [smem:$0x3FB5]  }
0x2e: {  	s3 =	simm.s32 @!p0 $0x1082;
	s9 =	sld [smem:$0x3FB6]  }
0x2f: {  	lr =	sadd.s32 s0, s3;
	s0 =	sld [smem:$0x3FAD]  }
0x30: {  	s3 =	sld [smem:$0x3FB0]  }
0x31: {  	[smem:$0x3FB9] =	sst s10  }
0x32: {  	s10 =	sld [smem:$0x3FB7];
	_ =	sdelay $0x3  }
0x33: {  	p0 =	seq.s32 s10, $0x1;
	s10 =	sld [smem:$0x3FB9];
	_ =	sdelay $0x3  }
0x34: {  	[smem:$0x3FB9] =	sst s10  }
0x35: {  	s10 =	sld [smem:$0x3FB8];
	_ =	sdelay $0x3  }
0x36: {  	p1 =	seq.s32 s10, $0x1;
	s10 =	sld [smem:$0x3FB9];
	_ =	sdelay $0x3  }
0x37: {  	[smem:$0x3FB9] =	sst s10  }
0x38: {  	s10 =	sld [smem:$0x3FBA]  }
0x39: {  	_ = 	snop;
	(pc) =	sbr.ind lr, $3  }
0x3a: {  	_ = 	snop  }
0x3b: {  	_ = 	snop  }
0x3c: {  	p2 =	seq.s32 s10, $0x1;
	s10 =	sld [smem:$0x3FB9]  }
0x3d: {  	_ =	shalt  }
0x3e: {  	_ =	shalt  }
0x3f: {  	_ =	shalt  }
0x40: {  	_ =	shalt  }
0x41: {  	_ =	shalt  }
0x42: {  	_ =	shalt  }
0x43: {  	_ =	shalt  }
0x44: {  	_ =	shalt  }
0x45: {  	_ =	shalt  }
0x46: {  	_ =	shalt  }
0x47: {  	_ =	shalt  }
0x48: {  	_ =	shalt  }
0x49: {  	_ =	shalt  }
0x4a: {  	_ =	shalt  }
0x4b: {  	_ =	shalt  }
0x4c: {  	_ =	shalt  }
0x4d: {  	_ =	shalt  }
0x4e: {  	_ =	shalt  }
0x4f: {  	_ =	shalt  }
0x50: {  	_ =	shalt  }
0x51: {  	_ =	shalt  }
0x52: {  	_ =	shalt  }
0x53: {  	_ =	shalt  }
0x54: {  	_ =	shalt  }
0x55: {  	_ =	shalt  }
0x56: {  	_ =	shalt  }
0x57: {  	_ =	shalt  }
0x58: {  	_ =	shalt  }
0x59: {  	_ =	shalt  }
0x5a: {  	_ =	shalt  }
0x5b: {  	_ =	shalt  }
0x5c: {  	_ =	shalt  }
0x5d: {  	_ =	shalt  }
0x5e: {  	_ =	shalt  }
0x5f: {  	_ =	shalt  }
0x60: {  	_ =	shalt  }
0x61: {  	_ =	shalt  }
0x62: {  	_ =	shalt  }
0x63: {  	_ =	shalt  }
0x64: {  	_ =	shalt  }
0x65: {  	_ =	shalt  }
0x66: {  	_ =	shalt  }
0x67: {  	_ =	shalt  }
0x68: {  	_ =	shalt  }
0x69: {  	_ =	shalt  }
0x6a: {  	_ =	shalt  }
0x6b: {  	_ =	shalt  }
0x6c: {  	_ =	shalt  }
0x6d: {  	_ =	shalt  }
0x6e: {  	_ =	shalt  }
0x6f: {  	_ =	shalt  }
0x70: {  	_ =	shalt  }
0x71: {  	_ =	shalt  }
0x72: {  	_ =	shalt  }
0x73: {  	_ =	shalt  }
0x74: {  	_ =	shalt  }
0x75: {  	_ =	shalt  }
0x76: {  	_ =	shalt  }
0x77: {  	_ =	shalt  }
0x78: {  	_ =	shalt  }
0x79: {  	_ =	shalt  }
0x7a: {  	_ =	shalt  }
0x7b: {  	_ =	shalt  }
0x7c: {  	_ =	shalt  }
0x7d: {  	_ =	shalt  }
0x7e: {  	_ =	shalt  }
0x7f: {  	_ =	shalt  }
0x80: {  	_ =	shalt  }
0x81: {  	_ =	shalt  }
0x82: {  	_ =	shalt  }
0x83: {  	_ =	shalt  }
0x84: {  	_ =	shalt  }
0x85: {  	_ =	shalt  }
0x86: {  	_ =	shalt  }
0x87: {  	_ =	shalt  }
.Lfunc_end0:
.L_simem_size_0:
called_computation_lowered:
.L_overlay_start_0:
0x88: {  	s2 =	sld [smem:$0x3FD9]  }
0x89: {  	s3 =	sld [smem:$0x3FFE];
	_ =	sdelay $0x1  }
0x8a: {  	s1 =	srdreg.scid  }
0x8b: {  	s0 =	sand.u32 $0x1, s1  }
0x8c: {  	s18 =	sshll.u32 s0, $0xA;
	s2 =	sadd.s32 s3, s2  }
0x8d: {  	s2 =	sadd.s32 s2, s18  }
0x8e: {  	[smem:$0x3FC5] =	sst s2  }
0x8f: {  	_ = 	snop  }
0x90: {  	s2 =	sld [smem:$0x3FC9]  }
0x91: {  	s19 =	sld [smem:$0x3FC8]  }
0x92: {  	s4 =	sld [smem:$0x3FC7]  }
0x93: {  	s5 =	sld [smem:$0x3FD0];
	(tm) =	ssettm $0x1  }
0x94: {  	s6 =	sld [smem:$0x3FFB];
	_ =	sdelay $0x3  }
0x95: {  	_ =	strace s6  }
0x96: {  	s6 =	sld [smem:$0x3FFC];
	_ =	sdelay $0x3  }
0x97: {  	_ =	strace s6  }
0x98: {  	s6 =	sld [smem:$0x3FFD];
	_ =	sdelay $0x3  }
0x99: {  	_ =	strace s6  }
0x9a: {  	_ =	strace $0x8FFFFFFF  }
0x9b: {  	s20 =	sld [smem:$0x3FDB];
	_ =	sdelay $0x1  }
0x9c: {  	s7 =	simm.s32 $_scs_section_size  }
0x9d: {  	s8 =	simm.s32 $_size__tile_overlayer_lowered;
	s9 =	simm.s32 $_tile_overlayer_lowered  }
0x9e: {  	s23 =	simm.s32 $0x1BFF;
	s22 =	sshll.u32 s9, $0x1;
	s6 =	sadd.s32 s7, s20  }
0x9f: {  	s10 =	simm.s32 $0x0;
	s21 =	sshll.u32 s8, $0x1;
	s8 =	sadd.s32 s22, s6  }
0xa0: {  	[timem:s10], [sflag:s23] =	dma.local [hbm:s8], s21  }
0xa1: {  	_ =	swait.ge [sflag:s23], s21  }
0xa2: {  	s7 =	ssub.s32 $0x0, s21;
	[sflag:s23] =	ssyncset.done $0x0  }
0xa3: {  	[sflag:s23] =	ssyncadd.s32 s7;
	_ =	sdelay $0x1  }
0xa4: {  	s24 =	simm.s32 $0x1B8B  }
0xa5: {  	_ =	swait.ge [sflag:s24], $0x1  }
0xa6: {  	[sflag:s24] =	ssyncset.done $0x0  }
0xa7: {  	s25 =	simm.s32 $0x1B8E;
	[sflag:s24] =	ssyncadd.s32 $0xFFFFFFFF  }
0xa8: {  	s26 =	simm.s32 $execute0_lowered;
	[smem:$0x3FD2] =	sst s25  }
0xa9: {  	s7 =	sshll.u32 s26, $0x1;
	_ =	strace $0x80000046;
	[dreg:$0x1] =	wrdreg $0xFFFFFFFF  }
0xaa: {  	s28 =	simm.s32 $_size_execute0_lowered;
	s6 =	sadd.s32 s6, s7;
	[dreg:$0x0] =	wrdreg $0x0  }
0xab: {  	s7 =	sshll.u32 s28, $0x1;
	[dreg:$0x2] =	wrdreg s6  }
0xac: {  	[dreg:$0x3] =	wrdreg s7  }
0xad: {  	[dreg:$0x4] =	wrdreg $0xC0  }
0xae: {  	_ =	task [dreg:s10], $0x5FFFF  }
0xaf: {  	[dreg:$0x1] =	wrdreg $0xFFFFFFFF  }
0xb0: {  	[dreg:$0x0] =	wrdreg $0x60  }
0xb1: {  	[dreg:$0x2] =	wrdreg s2  }
0xb2: {  	[dreg:$0x3] =	wrdreg s19  }
0xb3: {  	[dreg:$0x4] =	wrdreg s4  }
0xb4: {  	[dreg:$0x5] =	wrdreg s5  }
0xb5: {  	[dreg:$0x6] =	wrdreg $0x9  }
0xb6: {  	_ =	task.clear_ibuf [dreg:s10], $0x7FFFF;
	_ =	strace $0x90000046  }
0xb7: {  	s29 =	simm.s32 $0x9;
	_ =	strace $0x80000048  }
0xb8: {  	_ =	swait.ge [sflag:s29], $0x1  }
0xb9: {  	[sflag:s29] =	ssyncadd.s32 $0xFFFFFFFF  }
0xba: {  	_ =	strace $0x90000048  }
0xbb: {  	_ =	sfence  }
0xbc: {  	s30 =	sld [smem:$0x0];
	_ =	sdelay $0x2  }
0xbd: {  	s31 =	sshll.u32 s1, $0xD;
	s1 =	sshrl.u32 s1, $0x2  }
0xbe: {  	s3 =	sand.u32 $0x4000, s31;
	s1 =	sadd.s32 s1, s30  }
0xbf: {  	s0 =	sor.u32 s3, s0;
	s1 =	sshll.u32 s1, $0x11  }
0xc0: {  	s0 =	sor.u32 s1, s0  }
0xc1: {  	s0 =	sadd.s32 $0x8F2B, s0  }
0xc2: {  	[sflag:s0] =	ssyncadd.remote.s32 $0x1  }
0xc3: {  	_ =	sfence.sel $0xFFFF  }
0xc4: {  	[dreg:$0x0] =	wrdreg $0xFFFFFFFF;
	(pc) =	sbr.abs _section_cstart, $3  }
0xc5: {  	[dreg:$0x1] =	wrdreg $0xFFFFFFFF  }
0xc6: {  	_ =	task.clear_ibuf [dreg:s10], $0x2FFFF;
	_ =	strace $0x9FFFFFFF  }
0xc7: {  	(tm) =	ssettm $0x7FFFFFFF  }
tec
execute0_lowered:
.L_overlay_start_1:
0x0: {  	(tag) =	ssettag $0x1  }
0x1: {  	s0 =	rddreg [dreg:$0x0]  }
0x2: {  	s1 =	rddreg [dreg:$0x1];
	s2 =	srdreg.scid  }
0x3: {  	s3 =	stileid.u32;
	s4 =	rddreg [dreg:$0x3];
	s5 =	simm.s32 $0x0  }
0x4: {  	s11 =	simm.s32 $0x7;
	s13 =	simm.s32 $0x64;
	s14 =	simm.s32 $0x8400  }
0x5: {  	s16 =	simm.s32 $0xB600;
	s17 =	simm.s32 $0xE800;
	s18 =	simm.s32 $0x11A00  }
0x6: {  	s19 =	simm.s32 $0x1;
	s20 =	simm.s32 $0x14C00;
	s21 =	simm.s32 $0x17E00  }
0x7: {  	s22 =	simm.s32 $0x2;
	s23 =	simm.s32 $0x4;
	s24 =	simm.s32 $0x3  }
0x8: {  	s25 =	simm.s32 $0x5;
	s2 =	sand.u32 $0x1, s2;
	s3 =	sshll.u32 s3, $0x1  }
0x9: {  	s28 =	simm.s32 $0x1F80;
	s29 =	simm.s32 $0x6;
	s3 =	sor.u32 s2, s3  }
0xa: {  	[smem:$0x7FF] =	sst s5;
	s2 =	ssub.s32 $0x2, s2;
	s6 =	smul.u32 $0xC8000, s3  }
0xb: {  	s30 =	simm.s32 $0x0;
	_ =	strace $0x80000047;
	s7 =	sshrl.u32 s2, $0x1  }
0xc: {  	s31 =	sshll.u32 s3, $0xA;
	s2 =	ssub.s32 s2, s7;
	s6 =	sshrl.u32 s6, $0x3  }
0xd: {  	s7 =	smul.u32 $0x1900, s3;
	s10 =	smax.u32 s2, $0x1;
	s9 =	sadd.s32 s4, s6  }
0xe: {  	s6 =	sadd.s32 s0, s31;
	s8 =	sadd.s32 $0x17700, s9;
	s9 =	sadd.s32 $0x18380, s9  }
.LBB2_1:
0xf: {  	[tilespmem:s5], [sflag:$0x7] =	stream.linear.gather [hbm4b:s6+s5], $0x2000, $0x38;
	[tilespmem:$0x1B000] =	vst v63  }
0x10: {  	_ =	swait.ge [sflag:s11], $0x2000  }
0x11: {  	[sflag:s11] =	ssyncset.done $0x0  }
0x12: {  	[sflag:s11] =	ssyncadd.s32 $0xFFFFE000  }
0x13: {  	s2 =	simm.s32 $0x2000;
	s0 =	rddreg [dreg:$0x2]  }
0x14: {  	[tilespmem:s2], [sflag:$0x7] =	stream.linear.gather [hbm4b:s0+s5], $0x6400, $0x38;
	[tilespmem:$0x1B000] =	vst v63  }
0x15: {  	_ =	swait.ge [sflag:s11], $0x6400  }
0x16: {  	[sflag:s11] =	ssyncset.done $0x0  }
0x17: {  	[sflag:s11] =	ssyncadd.s32 $0xFFFF9C00  }
0x18: {  	[tilespmem:s14], [sflag:$0x1] =	stream.indirect.gather [hbm4b:s1+s13], $0x80, s5, s13, $0xb8;
	[tilespmem:$0x1B000] =	vst v63  }
0x19: {  	s26 =	simm.s32 $0x80;
	s31 =	simm.s32 $0x0  }
0x1a: {  	[tilespmem:s16], [sflag:$0x1] =	stream.indirect.gather [hbm4b:s1+s13], $0x80, s26, s13, $0xb8;
	[tilespmem:$0x1B000] =	vst v63  }
.LBB2_2:
0x1b: {  	s0 =	smul.u32 $0x3, s31;
	p0 =	seq.s32 s31, $0x0  }
0x1c: {  	s3 =	simm.s32 @!p0 $0x5  }
0x1d: {  	s2 =	sadd.s32 $0x1, s0;
	_ =	swait.ge @!p0 [sflag:s3], $0x6400  }
0x1e: {  	[sflag:s3] =	ssyncset.done @!p0 $0x0;
	s12 =	sshll.u32 s2, $0x8  }
0x1f: {  	[sflag:s3] =	ssyncadd.s32 @!p0 $0xFFFF9C00;
	s26 =	sand.u32 $0x3FFFFF00, s12  }
0x20: {  	[tilespmem:s17], [sflag:$0x2] =	stream.indirect.gather [hbm4b:s1+s13], $0x80, s26, s13, $0xb8;
	[tilespmem:$0x1B000] =	vst v63  }
0x21: {  	s3 =	sor.u32 $0x80, s26  }
0x22: {  	[tilespmem:s18], [sflag:$0x2] =	stream.indirect.gather [hbm4b:s1+s13], $0x80, s3, s13, $0xb8;
	[tilespmem:$0x1B000] =	vst v63  }
0x23: {  	_ =	swait.ge [sflag:s19], $0x3200  }
0x24: {  	[sflag:s19] =	ssyncset.done $0x0  }
0x25: {  	[sflag:s19] =	ssyncadd.s32 $0xFFFFCE00  }
0x26: {  	_ =	swait.ge [sflag:s19], $0x3200  }
0x27: {  	[sflag:s19] =	ssyncset.done $0x0  }
0x28: {  	s3 =	simm.s32 $0x8500;
	[sflag:s19] =	ssyncadd.s32 $0xFFFFCE00  }
0x29: {  	s12 =	simm.s32 $0x2100;
	v0 =	vld [tilespmem:s3+$0x80]  }
0x2a: {  	v1 =	vld [tilespmem:s12+$0x80]  }
0x2b: {  	v2 =	vld [tilespmem:s3+$0xFFFFFF80]  }
0x2c: {  	v3 =	vld [tilespmem:s12+$0xFFFFFF80]  }
0x2d: {  	v4 =	vld [tilespmem:s3+$0x0]  }
0x2e: {  	v5 =	vld [tilespmem:s12+$0x0]  }
0x2f: {  	v6 =	vld [tilespmem:s3+$0xFFFFFF00];
	v0 =	vadd.f32 v1, v0  }
0x30: {  	v1 =	vld [tilespmem:s12+$0xFFFFFF00]  }
0x31: {  	[tilespmem:s3+$0x80] =	vst v0;
	v0 =	vld [tilespmem:s3+$0x90]  }
0x32: {  	v2 =	vadd.f32 v3, v2;
	v3 =	vld [tilespmem:s12+$0x90]  }
0x33: {  	v7 =	vld [tilespmem:s3+$0xFFFFFF10]  }
0x34: {  	[tilespmem:s3+$0xFFFFFF80] =	vst v2;
	v2 =	vadd.f32 v5, v4;
	v4 =	vld [tilespmem:s3+$0xFFFFFF90]  }
0x35: {  	v5 =	vld [tilespmem:s12+$0xFFFFFF90];
	v1 =	vadd.f32 v1, v6  }
0x36: {  	[tilespmem:s3+$0x0] =	vst v2;
	v2 =	vld [tilespmem:s3+$0x10]  }
0x37: {  	v6 =	vld [tilespmem:s12+$0x10];
	[tilespmem:s3+$0xFFFFFF00] =	vst v1;
	v0 =	vadd.f32 v3, v0  }
0x38: {  	v1 =	vld [tilespmem:s12+$0xFFFFFF10]  }
0x39: {  	[tilespmem:s3+$0x90] =	vst v0;
	v0 =	vld [tilespmem:s3+$0xA0]  }
0x3a: {  	v3 =	vadd.f32 v5, v4;
	v4 =	vld [tilespmem:s12+$0xA0]  }
0x3b: {  	v5 =	vld [tilespmem:s3+$0xFFFFFF20]  }
0x3c: {  	[tilespmem:s3+$0xFFFFFF90] =	vst v3;
	v2 =	vadd.f32 v6, v2;
	v3 =	vld [tilespmem:s3+$0xFFFFFFA0]  }
0x3d: {  	v6 =	vld [tilespmem:s12+$0xFFFFFFA0];
	v1 =	vadd.f32 v1, v7  }
0x3e: {  	[tilespmem:s3+$0x10] =	vst v2;
	v2 =	vld [tilespmem:s3+$0x20]  }
0x3f: {  	v7 =	vld [tilespmem:s12+$0x20];
	[tilespmem:s3+$0xFFFFFF10] =	vst v1;
	v0 =	vadd.f32 v4, v0  }
0x40: {  	v1 =	vld [tilespmem:s12+$0xFFFFFF20]  }
0x41: {  	[tilespmem:s3+$0xA0] =	vst v0;
	v0 =	vld [tilespmem:s3+$0xB0]  }
0x42: {  	v3 =	vadd.f32 v6, v3;
	v4 =	vld [tilespmem:s12+$0xB0]  }
0x43: {  	v6 =	vld [tilespmem:s3+$0xFFFFFF30]  }
0x44: {  	[tilespmem:s3+$0xFFFFFFA0] =	vst v3;
	v2 =	vadd.f32 v7, v2;
	v3 =	vld [tilespmem:s3+$0xFFFFFFB0]  }
0x45: {  	v7 =	vld [tilespmem:s12+$0xFFFFFFB0];
	v1 =	vadd.f32 v1, v5  }
0x46: {  	[tilespmem:s3+$0x20] =	vst v2;
	v2 =	vld [tilespmem:s3+$0x30]  }
0x47: {  	v5 =	vld [tilespmem:s12+$0x30];
	[tilespmem:s3+$0xFFFFFF20] =	vst v1;
	v0 =	vadd.f32 v4, v0  }
0x48: {  	v1 =	vld [tilespmem:s12+$0xFFFFFF30]  }
0x49: {  	[tilespmem:s3+$0xB0] =	vst v0;
	v0 =	vld [tilespmem:s3+$0xC0]  }
0x4a: {  	v3 =	vadd.f32 v7, v3;
	v4 =	vld [tilespmem:s12+$0xC0]  }
0x4b: {  	v7 =	vld [tilespmem:s3+$0xFFFFFF40]  }
0x4c: {  	[tilespmem:s3+$0xFFFFFFB0] =	vst v3;
	v2 =	vadd.f32 v5, v2;
	v3 =	vld [tilespmem:s3+$0xFFFFFFC0]  }
0x4d: {  	v5 =	vld [tilespmem:s12+$0xFFFFFFC0];
	v1 =	vadd.f32 v1, v6  }
0x4e: {  	[tilespmem:s3+$0x30] =	vst v2;
	v2 =	vld [tilespmem:s3+$0x40]  }
0x4f: {  	v6 =	vld [tilespmem:s12+$0x40];
	[tilespmem:s3+$0xFFFFFF30] =	vst v1;
	v0 =	vadd.f32 v4, v0  }
0x50: {  	v1 =	vld [tilespmem:s12+$0xFFFFFF40]  }
0x51: {  	[tilespmem:s3+$0xC0] =	vst v0;
	v0 =	vld [tilespmem:s3+$0xD0]  }
0x52: {  	v3 =	vadd.f32 v5, v3;
	v4 =	vld [tilespmem:s12+$0xD0]  }
0x53: {  	v5 =	vld [tilespmem:s3+$0xFFFFFF50]  }
0x54: {  	[tilespmem:s3+$0xFFFFFFC0] =	vst v3;
	v2 =	vadd.f32 v6, v2;
	v3 =	vld [tilespmem:s3+$0xFFFFFFD0]  }
0x55: {  	v6 =	vld [tilespmem:s12+$0xFFFFFFD0];
	v1 =	vadd.f32 v1, v7  }
0x56: {  	[tilespmem:s3+$0x40] =	vst v2;
	v2 =	vld [tilespmem:s3+$0x50]  }
0x57: {  	v7 =	vld [tilespmem:s12+$0x50];
	[tilespmem:s3+$0xFFFFFF40] =	vst v1;
	v0 =	vadd.f32 v4, v0  }
0x58: {  	v1 =	vld [tilespmem:s12+$0xFFFFFF50]  }
0x59: {  	[tilespmem:s3+$0xD0] =	vst v0;
	v0 =	vld [tilespmem:s3+$0xE0]  }
0x5a: {  	v3 =	vadd.f32 v6, v3;
	v4 =	vld [tilespmem:s12+$0xE0]  }
0x5b: {  	v6 =	vld [tilespmem:s3+$0xFFFFFF60]  }
0x5c: {  	[tilespmem:s3+$0xFFFFFFD0] =	vst v3;
	v2 =	vadd.f32 v7, v2;
	v3 =	vld [tilespmem:s3+$0xFFFFFFE0]  }
0x5d: {  	v7 =	vld [tilespmem:s12+$0xFFFFFFE0];
	v1 =	vadd.f32 v1, v5  }
0x5e: {  	[tilespmem:s3+$0x50] =	vst v2;
	v2 =	vld [tilespmem:s3+$0x60]  }
0x5f: {  	v5 =	vld [tilespmem:s12+$0x60];
	[tilespmem:s3+$0xFFFFFF50] =	vst v1;
	v0 =	vadd.f32 v4, v0  }
0x60: {  	v4 =	vld [tilespmem:s12+$0xFFFFFF60]  }
0x61: {  	v8 =	vld [tilespmem:s3+$0xF0];
	[tilespmem:s3+$0xE0] =	vst v0  }
0x62: {  	v1 =	vadd.f32 v7, v3;
	v7 =	vld [tilespmem:s12+$0xF0]  }
0x63: {  	v0 =	vld [tilespmem:s3+$0xFFFFFF70]  }
0x64: {  	[tilespmem:s3+$0xFFFFFFE0] =	vst v1;
	v2 =	vadd.f32 v5, v2;
	v1 =	vld [tilespmem:s3+$0xFFFFFFF0]  }
0x65: {  	v3 =	vld [tilespmem:s12+$0xFFFFFFF0];
	v4 =	vadd.f32 v4, v6  }
0x66: {  	[tilespmem:s3+$0x60] =	vst v2;
	v2 =	vld [tilespmem:s3+$0x70]  }
0x67: {  	[tilespmem:s3+$0xFFFFFF60] =	vst v4;
	v4 =	vld [tilespmem:s12+$0x70];
	v6 =	vadd.f32 v7, v8  }
0x68: {  	s15 =	simm.s32 $0x0;
	s26 =	simm.s32 $0x8700;
	v5 =	vld [tilespmem:s12+$0xFFFFFF70]  }
.LBB2_3:
0x69: {  	v7 =	vld [tilespmem:s26+$0x80];
	[tilespmem:s3+$0xF0] =	vst v6;
	s12 =	sadd.s32 $0x200, s12  }
0x6a: {  	s15 =	sadd.s32 $0x4, s15;
	v6 =	vld [tilespmem:s12+$0x80];
	v1 =	vadd.f32 v3, v1  }
0x6b: {  	p1 =	slt.u32 s15, $0xC4;
	v3 =	vld [tilespmem:s12+$0xFFFFFF00]  }
0x6c: {  	v8 =	vld [tilespmem:s26+$0xFFFFFF80];
	[tilespmem:s3+$0xFFFFFFF0] =	vst v1;
	v1 =	vadd.f32 v4, v2  }
0x6d: {  	v2 =	vld [tilespmem:s12+$0xFFFFFF80];
	v0 =	vadd.f32 v5, v0  }
0x6e: {  	v4 =	vld [tilespmem:s26+$0x0];
	[tilespmem:s3+$0x70] =	vst v1  }
0x6f: {  	v1 =	vld [tilespmem:s12+$0x0];
	v5 =	vadd.f32 v6, v7;
	[tilespmem:s3+$0xFFFFFF70] =	vst v0;
	s3 =	smov.u32 s26  }
0x70: {  	v0 =	vld [tilespmem:s26+$0xFFFFFF00]  }
0x71: {  	[tilespmem:s26+$0x80] =	vst v5;
	v5 =	vld [tilespmem:s26+$0x90]  }
0x72: {  	v2 =	vadd.f32 v2, v8;
	v6 =	vld [tilespmem:s12+$0x90]  }
0x73: {  	v7 =	vld [tilespmem:s26+$0xFFFFFF10]  }
0x74: {  	[tilespmem:s26+$0xFFFFFF80] =	vst v2;
	v2 =	vld [tilespmem:s26+$0xFFFFFF90];
	v1 =	vadd.f32 v1, v4  }
0x75: {  	v0 =	vadd.f32 v3, v0;
	v3 =	vld [tilespmem:s12+$0xFFFFFF90]  }
0x76: {  	[tilespmem:s26+$0x0] =	vst v1;
	v1 =	vld [tilespmem:s26+$0x10]  }
0x77: {  	[tilespmem:s26+$0xFFFFFF00] =	vst v0;
	v0 =	vld [tilespmem:s12+$0x10];
	v4 =	vadd.f32 v6, v5  }
0x78: {  	v5 =	vld [tilespmem:s12+$0xFFFFFF10]  }
0x79: {  	[tilespmem:s26+$0x90] =	vst v4;
	v4 =	vld [tilespmem:s26+$0xA0]  }
0x7a: {  	v2 =	vadd.f32 v3, v2;
	v3 =	vld [tilespmem:s12+$0xA0]  }
0x7b: {  	v6 =	vld [tilespmem:s26+$0xFFFFFF20]  }
0x7c: {  	[tilespmem:s26+$0xFFFFFF90] =	vst v2;
	v2 =	vld [tilespmem:s26+$0xFFFFFFA0];
	v0 =	vadd.f32 v0, v1  }
0x7d: {  	v1 =	vadd.f32 v5, v7;
	v5 =	vld [tilespmem:s12+$0xFFFFFFA0]  }
0x7e: {  	[tilespmem:s26+$0x10] =	vst v0;
	v0 =	vld [tilespmem:s26+$0x20]  }
0x7f: {  	[tilespmem:s26+$0xFFFFFF10] =	vst v1;
	v1 =	vld [tilespmem:s12+$0x20];
	v3 =	vadd.f32 v3, v4  }
0x80: {  	v4 =	vld [tilespmem:s12+$0xFFFFFF20]  }
0x81: {  	[tilespmem:s26+$0xA0] =	vst v3;
	v3 =	vld [tilespmem:s26+$0xB0]  }
0x82: {  	v2 =	vadd.f32 v5, v2;
	v5 =	vld [tilespmem:s12+$0xB0]  }
0x83: {  	v7 =	vld [tilespmem:s26+$0xFFFFFF30]  }
0x84: {  	[tilespmem:s26+$0xFFFFFFA0] =	vst v2;
	v2 =	vld [tilespmem:s26+$0xFFFFFFB0];
	v0 =	vadd.f32 v1, v0  }
0x85: {  	v1 =	vadd.f32 v4, v6;
	v4 =	vld [tilespmem:s12+$0xFFFFFFB0]  }
0x86: {  	[tilespmem:s26+$0x20] =	vst v0;
	v0 =	vld [tilespmem:s26+$0x30]  }
0x87: {  	[tilespmem:s26+$0xFFFFFF20] =	vst v1;
	v1 =	vld [tilespmem:s12+$0x30];
	v3 =	vadd.f32 v5, v3  }
0x88: {  	v5 =	vld [tilespmem:s12+$0xFFFFFF30]  }
0x89: {  	[tilespmem:s26+$0xB0] =	vst v3;
	v3 =	vld [tilespmem:s26+$0xC0]  }
0x8a: {  	v2 =	vadd.f32 v4, v2;
	v4 =	vld [tilespmem:s12+$0xC0]  }
0x8b: {  	v6 =	vld [tilespmem:s26+$0xFFFFFF40]  }
0x8c: {  	[tilespmem:s26+$0xFFFFFFB0] =	vst v2;
	v2 =	vld [tilespmem:s26+$0xFFFFFFC0];
	v0 =	vadd.f32 v1, v0  }
0x8d: {  	v1 =	vadd.f32 v5, v7;
	v5 =	vld [tilespmem:s12+$0xFFFFFFC0]  }
0x8e: {  	[tilespmem:s26+$0x30] =	vst v0;
	v0 =	vld [tilespmem:s26+$0x40]  }
0x8f: {  	[tilespmem:s26+$0xFFFFFF30] =	vst v1;
	v1 =	vld [tilespmem:s12+$0x40];
	v3 =	vadd.f32 v4, v3  }
0x90: {  	v4 =	vld [tilespmem:s12+$0xFFFFFF40]  }
0x91: {  	[tilespmem:s26+$0xC0] =	vst v3;
	v3 =	vld [tilespmem:s26+$0xD0]  }
0x92: {  	v2 =	vadd.f32 v5, v2;
	v5 =	vld [tilespmem:s12+$0xD0]  }
0x93: {  	v7 =	vld [tilespmem:s26+$0xFFFFFF50]  }
0x94: {  	[tilespmem:s26+$0xFFFFFFC0] =	vst v2;
	v2 =	vld [tilespmem:s26+$0xFFFFFFD0];
	v0 =	vadd.f32 v1, v0  }
0x95: {  	v1 =	vadd.f32 v4, v6;
	v4 =	vld [tilespmem:s12+$0xFFFFFFD0]  }
0x96: {  	[tilespmem:s26+$0x40] =	vst v0;
	v0 =	vld [tilespmem:s26+$0x50]  }
0x97: {  	[tilespmem:s26+$0xFFFFFF40] =	vst v1;
	v1 =	vld [tilespmem:s12+$0x50];
	v3 =	vadd.f32 v5, v3  }
0x98: {  	v5 =	vld [tilespmem:s12+$0xFFFFFF50]  }
0x99: {  	[tilespmem:s26+$0xD0] =	vst v3;
	v3 =	vld [tilespmem:s26+$0xE0]  }
0x9a: {  	v2 =	vadd.f32 v4, v2;
	v4 =	vld [tilespmem:s12+$0xE0]  }
0x9b: {  	v6 =	vld [tilespmem:s26+$0xFFFFFF60]  }
0x9c: {  	[tilespmem:s26+$0xFFFFFFD0] =	vst v2;
	v2 =	vld [tilespmem:s26+$0xFFFFFFE0];
	v0 =	vadd.f32 v1, v0  }
0x9d: {  	v1 =	vadd.f32 v5, v7;
	v5 =	vld [tilespmem:s12+$0xFFFFFFE0]  }
0x9e: {  	[tilespmem:s26+$0x50] =	vst v0;
	v7 =	vld [tilespmem:s26+$0x60]  }
0x9f: {  	[tilespmem:s26+$0xFFFFFF50] =	vst v1;
	v8 =	vld [tilespmem:s12+$0x60];
	v0 =	vadd.f32 v4, v3  }
0xa0: {  	v3 =	vld [tilespmem:s12+$0xFFFFFF60]  }
0xa1: {  	[tilespmem:s26+$0xE0] =	vst v0;
	v9 =	vld [tilespmem:s26+$0xF0]  }
0xa2: {  	v1 =	vadd.f32 v5, v2;
	v5 =	vld [tilespmem:s12+$0xF0]  }
0xa3: {  	v0 =	vld [tilespmem:s26+$0xFFFFFF70]  }
.Ltmp0:
0xa4: {  	[tilespmem:s26+$0xFFFFFFE0] =	vst v1;
	v1 =	vld [tilespmem:s26+$0xFFFFFFF0];
	v2 =	vadd.f32 v8, v7;
	(pc) =	sbr.rel @p1 .LBB2_3-.Ltmp0, $4  }
0xa5: {  	v4 =	vadd.f32 v3, v6;
	v3 =	vld [tilespmem:s12+$0xFFFFFFF0]  }
0xa6: {  	[tilespmem:s26+$0x60] =	vst v2;
	v2 =	vld [tilespmem:s26+$0x70]  }
0xa7: {  	[tilespmem:s26+$0xFFFFFF60] =	vst v4;
	v4 =	vld [tilespmem:s12+$0x70];
	v6 =	vadd.f32 v5, v9  }
0xa8: {  	s26 =	sadd.s32 $0x200, s26;
	v5 =	vld [tilespmem:s12+$0xFFFFFF70]  }
0xa9: {  	_ =	sdelay $0x1  }
0xaa: {  	s12 =	smul.u32 $0x258, s31;
	v1 =	vadd.f32 v3, v1  }
0xab: {  	[tilespmem:s3+$0xF0] =	vst v6;
	v2 =	vadd.f32 v4, v2  }
0xac: {  	s12 =	sadd.s32 s7, s12;
	[tilespmem:s3+$0xFFFFFFF0] =	vst v1;
	v0 =	vadd.f32 v5, v0  }
0xad: {  	s12 =	sshll.u32 s12, $0x4;
	[tilespmem:s3+$0x70] =	vst v2  }
0xae: {  	s12 =	sadd.s32 s4, s12;
	[tilespmem:s3+$0xFFFFFF70] =	vst v0;
	s3 =	simm.s32 @!p0 $0x6  }
0xaf: {  	[hbm4b:s12+s5] =	stream.linear.scatter [tilespmem:s14], [sflag:$0x4], $0x6400, $0x38;
	[tilespmem:$0x1B000] =	vst v63  }
0xb0: {  	s0 =	sadd.s32 $0x2, s0;
	_ =	swait.ge @!p0 [sflag:s3], $0x6400  }
0xb1: {  	s15 =	sshll.u32 s0, $0x8;
	[sflag:s3] =	ssyncset.done @!p0 $0x0  }
0xb2: {  	s26 =	sand.u32 $0x3FFFFF00, s15;
	[sflag:s3] =	ssyncadd.s32 @!p0 $0xFFFF9C00  }
0xb3: {  	[tilespmem:s20], [sflag:$0x3] =	stream.indirect.gather [hbm4b:s1+s13], $0x80, s26, s13, $0xb8;
	[tilespmem:$0x1B000] =	vst v63  }
0xb4: {  	s3 =	sor.u32 $0x80, s26  }
0xb5: {  	[tilespmem:s21], [sflag:$0x3] =	stream.indirect.gather [hbm4b:s1+s13], $0x80, s3, s13, $0xb8;
	[tilespmem:$0x1B000] =	vst v63  }
0xb6: {  	_ =	swait.ge [sflag:s22], $0x3200  }
0xb7: {  	[sflag:s22] =	ssyncset.done $0x0  }
0xb8: {  	[sflag:s22] =	ssyncadd.s32 $0xFFFFCE00  }
0xb9: {  	_ =	swait.ge [sflag:s22], $0x3200  }
0xba: {  	[sflag:s22] =	ssyncset.done $0x0  }
0xbb: {  	s3 =	simm.s32 $0xE900;
	[sflag:s22] =	ssyncadd.s32 $0xFFFFCE00  }
0xbc: {  	s12 =	simm.s32 $0x2100;
	v0 =	vld [tilespmem:s3+$0x80]  }
0xbd: {  	v1 =	vld [tilespmem:s12+$0x80]  }
0xbe: {  	v2 =	vld [tilespmem:s3+$0xFFFFFF80]  }
0xbf: {  	v3 =	vld [tilespmem:s12+$0xFFFFFF80]  }
0xc0: {  	v4 =	vld [tilespmem:s3+$0x0]  }
0xc1: {  	v5 =	vld [tilespmem:s12+$0x0]  }
0xc2: {  	v6 =	vld [tilespmem:s3+$0xFFFFFF00];
	v0 =	vadd.f32 v1, v0  }
0xc3: {  	v1 =	vld [tilespmem:s12+$0xFFFFFF00]  }
0xc4: {  	[tilespmem:s3+$0x80] =	vst v0;
	v0 =	vld [tilespmem:s3+$0x90]  }
0xc5: {  	v2 =	vadd.f32 v3, v2;
	v3 =	vld [tilespmem:s12+$0x90]  }
0xc6: {  	v7 =	vld [tilespmem:s3+$0xFFFFFF10]  }
0xc7: {  	[tilespmem:s3+$0xFFFFFF80] =	vst v2;
	v2 =	vadd.f32 v5, v4;
	v4 =	vld [tilespmem:s3+$0xFFFFFF90]  }
0xc8: {  	v5 =	vld [tilespmem:s12+$0xFFFFFF90];
	v1 =	vadd.f32 v1, v6  }
0xc9: {  	[tilespmem:s3+$0x0] =	vst v2;
	v2 =	vld [tilespmem:s3+$0x10]  }
0xca: {  	v6 =	vld [tilespmem:s12+$0x10];
	[tilespmem:s3+$0xFFFFFF00] =	vst v1;
	v0 =	vadd.f32 v3, v0  }
0xcb: {  	v1 =	vld [tilespmem:s12+$0xFFFFFF10]  }
0xcc: {  	[tilespmem:s3+$0x90] =	vst v0;
	v0 =	vld [tilespmem:s3+$0xA0]  }
0xcd: {  	v3 =	vadd.f32 v5, v4;
	v4 =	vld [tilespmem:s12+$0xA0]  }
0xce: {  	v5 =	vld [tilespmem:s3+$0xFFFFFF20]  }
0xcf: {  	[tilespmem:s3+$0xFFFFFF90] =	vst v3;
	v2 =	vadd.f32 v6, v2;
	v3 =	vld [tilespmem:s3+$0xFFFFFFA0]  }
0xd0: {  	v6 =	vld [tilespmem:s12+$0xFFFFFFA0];
	v1 =	vadd.f32 v1, v7  }
0xd1: {  	[tilespmem:s3+$0x10] =	vst v2;
	v2 =	vld [tilespmem:s3+$0x20]  }
0xd2: {  	v7 =	vld [tilespmem:s12+$0x20];
	[tilespmem:s3+$0xFFFFFF10] =	vst v1;
	v0 =	vadd.f32 v4, v0  }
0xd3: {  	v1 =	vld [tilespmem:s12+$0xFFFFFF20]  }
0xd4: {  	[tilespmem:s3+$0xA0] =	vst v0;
	v0 =	vld [tilespmem:s3+$0xB0]  }
0xd5: {  	v3 =	vadd.f32 v6, v3;
	v4 =	vld [tilespmem:s12+$0xB0]  }
0xd6: {  	v6 =	vld [tilespmem:s3+$0xFFFFFF30]  }
0xd7: {  	[tilespmem:s3+$0xFFFFFFA0] =	vst v3;
	v2 =	vadd.f32 v7, v2;
	v3 =	vld [tilespmem:s3+$0xFFFFFFB0]  }
0xd8: {  	v7 =	vld [tilespmem:s12+$0xFFFFFFB0];
	v1 =	vadd.f32 v1, v5  }
0xd9: {  	[tilespmem:s3+$0x20] =	vst v2;
	v2 =	vld [tilespmem:s3+$0x30]  }
0xda: {  	v5 =	vld [tilespmem:s12+$0x30];
	[tilespmem:s3+$0xFFFFFF20] =	vst v1;
	v0 =	vadd.f32 v4, v0  }
0xdb: {  	v1 =	vld [tilespmem:s12+$0xFFFFFF30]  }
0xdc: {  	[tilespmem:s3+$0xB0] =	vst v0;
	v0 =	vld [tilespmem:s3+$0xC0]  }
0xdd: {  	v3 =	vadd.f32 v7, v3;
	v4 =	vld [tilespmem:s12+$0xC0]  }
0xde: {  	v7 =	vld [tilespmem:s3+$0xFFFFFF40]  }
0xdf: {  	[tilespmem:s3+$0xFFFFFFB0] =	vst v3;
	v2 =	vadd.f32 v5, v2;
	v3 =	vld [tilespmem:s3+$0xFFFFFFC0]  }
0xe0: {  	v5 =	vld [tilespmem:s12+$0xFFFFFFC0];
	v1 =	vadd.f32 v1, v6  }
0xe1: {  	[tilespmem:s3+$0x30] =	vst v2;
	v2 =	vld [tilespmem:s3+$0x40]  }
0xe2: {  	v6 =	vld [tilespmem:s12+$0x40];
	[tilespmem:s3+$0xFFFFFF30] =	vst v1;
	v0 =	vadd.f32 v4, v0  }
0xe3: {  	v1 =	vld [tilespmem:s12+$0xFFFFFF40]  }
0xe4: {  	[tilespmem:s3+$0xC0] =	vst v0;
	v0 =	vld [tilespmem:s3+$0xD0]  }
0xe5: {  	v3 =	vadd.f32 v5, v3;
	v4 =	vld [tilespmem:s12+$0xD0]  }
0xe6: {  	v5 =	vld [tilespmem:s3+$0xFFFFFF50]  }
0xe7: {  	[tilespmem:s3+$0xFFFFFFC0] =	vst v3;
	v2 =	vadd.f32 v6, v2;
	v3 =	vld [tilespmem:s3+$0xFFFFFFD0]  }
0xe8: {  	v6 =	vld [tilespmem:s12+$0xFFFFFFD0];
	v1 =	vadd.f32 v1, v7  }
0xe9: {  	[tilespmem:s3+$0x40] =	vst v2;
	v2 =	vld [tilespmem:s3+$0x50]  }
0xea: {  	v7 =	vld [tilespmem:s12+$0x50];
	[tilespmem:s3+$0xFFFFFF40] =	vst v1;
	v0 =	vadd.f32 v4, v0  }
0xeb: {  	v1 =	vld [tilespmem:s12+$0xFFFFFF50]  }
0xec: {  	[tilespmem:s3+$0xD0] =	vst v0;
	v0 =	vld [tilespmem:s3+$0xE0]  }
0xed: {  	v3 =	vadd.f32 v6, v3;
	v4 =	vld [tilespmem:s12+$0xE0]  }
0xee: {  	v6 =	vld [tilespmem:s3+$0xFFFFFF60]  }
0xef: {  	[tilespmem:s3+$0xFFFFFFD0] =	vst v3;
	v2 =	vadd.f32 v7, v2;
	v3 =	vld [tilespmem:s3+$0xFFFFFFE0]  }
0xf0: {  	v7 =	vld [tilespmem:s12+$0xFFFFFFE0];
	v1 =	vadd.f32 v1, v5  }
0xf1: {  	[tilespmem:s3+$0x50] =	vst v2;
	v2 =	vld [tilespmem:s3+$0x60]  }
0xf2: {  	v5 =	vld [tilespmem:s12+$0x60];
	[tilespmem:s3+$0xFFFFFF50] =	vst v1;
	v0 =	vadd.f32 v4, v0  }
0xf3: {  	v4 =	vld [tilespmem:s12+$0xFFFFFF60]  }
0xf4: {  	v8 =	vld [tilespmem:s3+$0xF0];
	[tilespmem:s3+$0xE0] =	vst v0  }
0xf5: {  	v1 =	vadd.f32 v7, v3;
	v7 =	vld [tilespmem:s12+$0xF0]  }
0xf6: {  	v0 =	vld [tilespmem:s3+$0xFFFFFF70]  }
0xf7: {  	[tilespmem:s3+$0xFFFFFFE0] =	vst v1;
	v2 =	vadd.f32 v5, v2;
	v1 =	vld [tilespmem:s3+$0xFFFFFFF0]  }
0xf8: {  	v3 =	vld [tilespmem:s12+$0xFFFFFFF0];
	v4 =	vadd.f32 v4, v6  }
0xf9: {  	[tilespmem:s3+$0x60] =	vst v2;
	v2 =	vld [tilespmem:s3+$0x70]  }
0xfa: {  	[tilespmem:s3+$0xFFFFFF60] =	vst v4;
	v4 =	vld [tilespmem:s12+$0x70];
	v6 =	vadd.f32 v7, v8  }
0xfb: {  	s15 =	simm.s32 $0x0;
	s26 =	simm.s32 $0xEB00;
	v5 =	vld [tilespmem:s12+$0xFFFFFF70]  }
.LBB2_5:
0xfc: {  	v7 =	vld [tilespmem:s26+$0x80];
	[tilespmem:s3+$0xF0] =	vst v6;
	s12 =	sadd.s32 $0x200, s12  }
0xfd: {  	s15 =	sadd.s32 $0x4, s15;
	v6 =	vld [tilespmem:s12+$0x80];
	v1 =	vadd.f32 v3, v1  }
0xfe: {  	p0 =	slt.u32 s15, $0xC4;
	v3 =	vld [tilespmem:s12+$0xFFFFFF00]  }
0xff: {  	v8 =	vld [tilespmem:s26+$0xFFFFFF80];
	[tilespmem:s3+$0xFFFFFFF0] =	vst v1;
	v1 =	vadd.f32 v4, v2  }
0x100: {  	v2 =	vld [tilespmem:s12+$0xFFFFFF80];
	v0 =	vadd.f32 v5, v0  }
0x101: {  	v4 =	vld [tilespmem:s26+$0x0];
	[tilespmem:s3+$0x70] =	vst v1  }
0x102: {  	v1 =	vld [tilespmem:s12+$0x0];
	v5 =	vadd.f32 v6, v7;
	[tilespmem:s3+$0xFFFFFF70] =	vst v0;
	s3 =	smov.u32 s26  }
0x103: {  	v0 =	vld [tilespmem:s26+$0xFFFFFF00]  }
0x104: {  	[tilespmem:s26+$0x80] =	vst v5;
	v5 =	vld [tilespmem:s26+$0x90]  }
0x105: {  	v2 =	vadd.f32 v2, v8;
	v6 =	vld [tilespmem:s12+$0x90]  }
0x106: {  	v7 =	vld [tilespmem:s26+$0xFFFFFF10]  }
0x107: {  	[tilespmem:s26+$0xFFFFFF80] =	vst v2;
	v2 =	vld [tilespmem:s26+$0xFFFFFF90];
	v1 =	vadd.f32 v1, v4  }
0x108: {  	v0 =	vadd.f32 v3, v0;
	v3 =	vld [tilespmem:s12+$0xFFFFFF90]  }
0x109: {  	[tilespmem:s26+$0x0] =	vst v1;
	v1 =	vld [tilespmem:s26+$0x10]  }
0x10a: {  	[tilespmem:s26+$0xFFFFFF00] =	vst v0;
	v0 =	vld [tilespmem:s12+$0x10];
	v4 =	vadd.f32 v6, v5  }
0x10b: {  	v5 =	vld [tilespmem:s12+$0xFFFFFF10]  }
0x10c: {  	[tilespmem:s26+$0x90] =	vst v4;
	v4 =	vld [tilespmem:s26+$0xA0]  }
0x10d: {  	v2 =	vadd.f32 v3, v2;
	v3 =	vld [tilespmem:s12+$0xA0]  }
0x10e: {  	v6 =	vld [tilespmem:s26+$0xFFFFFF20]  }
0x10f: {  	[tilespmem:s26+$0xFFFFFF90] =	vst v2;
	v2 =	vld [tilespmem:s26+$0xFFFFFFA0];
	v0 =	vadd.f32 v0, v1  }
0x110: {  	v1 =	vadd.f32 v5, v7;
	v5 =	vld [tilespmem:s12+$0xFFFFFFA0]  }
0x111: {  	[tilespmem:s26+$0x10] =	vst v0;
	v0 =	vld [tilespmem:s26+$0x20]  }
0x112: {  	[tilespmem:s26+$0xFFFFFF10] =	vst v1;
	v1 =	vld [tilespmem:s12+$0x20];
	v3 =	vadd.f32 v3, v4  }
0x113: {  	v4 =	vld [tilespmem:s12+$0xFFFFFF20]  }
0x114: {  	[tilespmem:s26+$0xA0] =	vst v3;
	v3 =	vld [tilespmem:s26+$0xB0]  }
0x115: {  	v2 =	vadd.f32 v5, v2;
	v5 =	vld [tilespmem:s12+$0xB0]  }
0x116: {  	v7 =	vld [tilespmem:s26+$0xFFFFFF30]  }
0x117: {  	[tilespmem:s26+$0xFFFFFFA0] =	vst v2;
	v2 =	vld [tilespmem:s26+$0xFFFFFFB0];
	v0 =	vadd.f32 v1, v0  }
0x118: {  	v1 =	vadd.f32 v4, v6;
	v4 =	vld [tilespmem:s12+$0xFFFFFFB0]  }
0x119: {  	[tilespmem:s26+$0x20] =	vst v0;
	v0 =	vld [tilespmem:s26+$0x30]  }
0x11a: {  	[tilespmem:s26+$0xFFFFFF20] =	vst v1;
	v1 =	vld [tilespmem:s12+$0x30];
	v3 =	vadd.f32 v5, v3  }
0x11b: {  	v5 =	vld [tilespmem:s12+$0xFFFFFF30]  }
0x11c: {  	[tilespmem:s26+$0xB0] =	vst v3;
	v3 =	vld [tilespmem:s26+$0xC0]  }
0x11d: {  	v2 =	vadd.f32 v4, v2;
	v4 =	vld [tilespmem:s12+$0xC0]  }
0x11e: {  	v6 =	vld [tilespmem:s26+$0xFFFFFF40]  }
0x11f: {  	[tilespmem:s26+$0xFFFFFFB0] =	vst v2;
	v2 =	vld [tilespmem:s26+$0xFFFFFFC0];
	v0 =	vadd.f32 v1, v0  }
0x120: {  	v1 =	vadd.f32 v5, v7;
	v5 =	vld [tilespmem:s12+$0xFFFFFFC0]  }
0x121: {  	[tilespmem:s26+$0x30] =	vst v0;
	v0 =	vld [tilespmem:s26+$0x40]  }
0x122: {  	[tilespmem:s26+$0xFFFFFF30] =	vst v1;
	v1 =	vld [tilespmem:s12+$0x40];
	v3 =	vadd.f32 v4, v3  }
0x123: {  	v4 =	vld [tilespmem:s12+$0xFFFFFF40]  }
0x124: {  	[tilespmem:s26+$0xC0] =	vst v3;
	v3 =	vld [tilespmem:s26+$0xD0]  }
0x125: {  	v2 =	vadd.f32 v5, v2;
	v5 =	vld [tilespmem:s12+$0xD0]  }
0x126: {  	v7 =	vld [tilespmem:s26+$0xFFFFFF50]  }
0x127: {  	[tilespmem:s26+$0xFFFFFFC0] =	vst v2;
	v2 =	vld [tilespmem:s26+$0xFFFFFFD0];
	v0 =	vadd.f32 v1, v0  }
0x128: {  	v1 =	vadd.f32 v4, v6;
	v4 =	vld [tilespmem:s12+$0xFFFFFFD0]  }
0x129: {  	[tilespmem:s26+$0x40] =	vst v0;
	v0 =	vld [tilespmem:s26+$0x50]  }
0x12a: {  	[tilespmem:s26+$0xFFFFFF40] =	vst v1;
	v1 =	vld [tilespmem:s12+$0x50];
	v3 =	vadd.f32 v5, v3  }
0x12b: {  	v5 =	vld [tilespmem:s12+$0xFFFFFF50]  }
0x12c: {  	[tilespmem:s26+$0xD0] =	vst v3;
	v3 =	vld [tilespmem:s26+$0xE0]  }
0x12d: {  	v2 =	vadd.f32 v4, v2;
	v4 =	vld [tilespmem:s12+$0xE0]  }
0x12e: {  	v6 =	vld [tilespmem:s26+$0xFFFFFF60]  }
0x12f: {  	[tilespmem:s26+$0xFFFFFFD0] =	vst v2;
	v2 =	vld [tilespmem:s26+$0xFFFFFFE0];
	v0 =	vadd.f32 v1, v0  }
0x130: {  	v1 =	vadd.f32 v5, v7;
	v5 =	vld [tilespmem:s12+$0xFFFFFFE0]  }
0x131: {  	[tilespmem:s26+$0x50] =	vst v0;
	v7 =	vld [tilespmem:s26+$0x60]  }
0x132: {  	[tilespmem:s26+$0xFFFFFF50] =	vst v1;
	v8 =	vld [tilespmem:s12+$0x60];
	v0 =	vadd.f32 v4, v3  }
0x133: {  	v3 =	vld [tilespmem:s12+$0xFFFFFF60]  }
0x134: {  	[tilespmem:s26+$0xE0] =	vst v0;
	v9 =	vld [tilespmem:s26+$0xF0]  }
0x135: {  	v1 =	vadd.f32 v5, v2;
	v5 =	vld [tilespmem:s12+$0xF0]  }
0x136: {  	v0 =	vld [tilespmem:s26+$0xFFFFFF70]  }
.Ltmp1:
0x137: {  	[tilespmem:s26+$0xFFFFFFE0] =	vst v1;
	v1 =	vld [tilespmem:s26+$0xFFFFFFF0];
	v2 =	vadd.f32 v8, v7;
	(pc) =	sbr.rel @p0 .LBB2_5-.Ltmp1, $4  }
0x138: {  	v4 =	vadd.f32 v3, v6;
	v3 =	vld [tilespmem:s12+$0xFFFFFFF0]  }
0x139: {  	[tilespmem:s26+$0x60] =	vst v2;
	v2 =	vld [tilespmem:s26+$0x70]  }
0x13a: {  	[tilespmem:s26+$0xFFFFFF60] =	vst v4;
	v4 =	vld [tilespmem:s12+$0x70];
	v6 =	vadd.f32 v5, v9  }
0x13b: {  	s26 =	sadd.s32 $0x200, s26;
	v5 =	vld [tilespmem:s12+$0xFFFFFF70]  }
0x13c: {  	_ =	sdelay $0x1  }
0x13d: {  	s2 =	smul.u32 $0xC8, s2;
	v1 =	vadd.f32 v3, v1  }
0x13e: {  	[tilespmem:s3+$0xF0] =	vst v6;
	v2 =	vadd.f32 v4, v2  }
0x13f: {  	s2 =	sadd.s32 s7, s2;
	[tilespmem:s3+$0xFFFFFFF0] =	vst v1;
	v0 =	vadd.f32 v5, v0  }
0x140: {  	s2 =	sshll.u32 s2, $0x4;
	[tilespmem:s3+$0x70] =	vst v2  }
0x141: {  	s15 =	smul.u32 $0xC00, s31;
	s2 =	sadd.s32 s4, s2;
	[tilespmem:s3+$0xFFFFFF70] =	vst v0  }
0x142: {  	[hbm4b:s2+s5] =	stream.linear.scatter [tilespmem:s17], [sflag:$0x5], $0x6400, $0x38;
	[tilespmem:$0x1B000] =	vst v63  }
0x143: {  	_ =	swait.ge [sflag:s23], $0x6400  }
0x144: {  	s2 =	sshra.s32 s15, $0x2;
	[sflag:s23] =	ssyncset.done $0x0  }
0x145: {  	s26 =	sadd.s32 $0x300, s2;
	[sflag:s23] =	ssyncadd.s32 $0xFFFF9C00  }
0x146: {  	[tilespmem:s14], [sflag:$0x1] =	stream.indirect.gather [hbm4b:s1+s13], $0x80, s26, s13, $0xb8;
	[tilespmem:$0x1B000] =	vst v63  }
0x147: {  	s2 =	sadd.s32 $0x380, s2  }
0x148: {  	[tilespmem:s16], [sflag:$0x1] =	stream.indirect.gather [hbm4b:s1+s13], $0x80, s2, s13, $0xb8;
	[tilespmem:$0x1B000] =	vst v63  }
0x149: {  	_ =	swait.ge [sflag:s24], $0x3200  }
0x14a: {  	[sflag:s24] =	ssyncset.done $0x0  }
0x14b: {  	[sflag:s24] =	ssyncadd.s32 $0xFFFFCE00  }
0x14c: {  	_ =	swait.ge [sflag:s24], $0x3200  }
0x14d: {  	[sflag:s24] =	ssyncset.done $0x0  }
0x14e: {  	s2 =	simm.s32 $0x14D00;
	[sflag:s24] =	ssyncadd.s32 $0xFFFFCE00  }
0x14f: {  	s3 =	simm.s32 $0x2100;
	v0 =	vld [tilespmem:s2+$0x80]  }
0x150: {  	v1 =	vld [tilespmem:s3+$0x80]  }
0x151: {  	v2 =	vld [tilespmem:s2+$0xFFFFFF80]  }
0x152: {  	v3 =	vld [tilespmem:s3+$0xFFFFFF80]  }
0x153: {  	v4 =	vld [tilespmem:s2+$0x0]  }
0x154: {  	v5 =	vld [tilespmem:s3+$0x0]  }
0x155: {  	v6 =	vld [tilespmem:s2+$0xFFFFFF00];
	v0 =	vadd.f32 v1, v0  }
0x156: {  	v1 =	vld [tilespmem:s3+$0xFFFFFF00]  }
0x157: {  	[tilespmem:s2+$0x80] =	vst v0;
	v0 =	vld [tilespmem:s2+$0x90]  }
0x158: {  	v2 =	vadd.f32 v3, v2;
	v3 =	vld [tilespmem:s3+$0x90]  }
0x159: {  	v7 =	vld [tilespmem:s2+$0xFFFFFF10]  }
0x15a: {  	[tilespmem:s2+$0xFFFFFF80] =	vst v2;
	v2 =	vadd.f32 v5, v4;
	v4 =	vld [tilespmem:s2+$0xFFFFFF90]  }
0x15b: {  	v5 =	vld [tilespmem:s3+$0xFFFFFF90];
	v1 =	vadd.f32 v1, v6  }
0x15c: {  	[tilespmem:s2+$0x0] =	vst v2;
	v2 =	vld [tilespmem:s2+$0x10]  }
0x15d: {  	v6 =	vld [tilespmem:s3+$0x10];
	[tilespmem:s2+$0xFFFFFF00] =	vst v1;
	v0 =	vadd.f32 v3, v0  }
0x15e: {  	v1 =	vld [tilespmem:s3+$0xFFFFFF10]  }
0x15f: {  	[tilespmem:s2+$0x90] =	vst v0;
	v0 =	vld [tilespmem:s2+$0xA0]  }
0x160: {  	v3 =	vadd.f32 v5, v4;
	v4 =	vld [tilespmem:s3+$0xA0]  }
0x161: {  	v5 =	vld [tilespmem:s2+$0xFFFFFF20]  }
0x162: {  	[tilespmem:s2+$0xFFFFFF90] =	vst v3;
	v2 =	vadd.f32 v6, v2;
	v3 =	vld [tilespmem:s2+$0xFFFFFFA0]  }
0x163: {  	v6 =	vld [tilespmem:s3+$0xFFFFFFA0];
	v1 =	vadd.f32 v1, v7  }
0x164: {  	[tilespmem:s2+$0x10] =	vst v2;
	v2 =	vld [tilespmem:s2+$0x20]  }
0x165: {  	v7 =	vld [tilespmem:s3+$0x20];
	[tilespmem:s2+$0xFFFFFF10] =	vst v1;
	v0 =	vadd.f32 v4, v0  }
0x166: {  	v1 =	vld [tilespmem:s3+$0xFFFFFF20]  }
0x167: {  	[tilespmem:s2+$0xA0] =	vst v0;
	v0 =	vld [tilespmem:s2+$0xB0]  }
0x168: {  	v3 =	vadd.f32 v6, v3;
	v4 =	vld [tilespmem:s3+$0xB0]  }
0x169: {  	v6 =	vld [tilespmem:s2+$0xFFFFFF30]  }
0x16a: {  	[tilespmem:s2+$0xFFFFFFA0] =	vst v3;
	v2 =	vadd.f32 v7, v2;
	v3 =	vld [tilespmem:s2+$0xFFFFFFB0]  }
0x16b: {  	v7 =	vld [tilespmem:s3+$0xFFFFFFB0];
	v1 =	vadd.f32 v1, v5  }
0x16c: {  	[tilespmem:s2+$0x20] =	vst v2;
	v2 =	vld [tilespmem:s2+$0x30]  }
0x16d: {  	v5 =	vld [tilespmem:s3+$0x30];
	[tilespmem:s2+$0xFFFFFF20] =	vst v1;
	v0 =	vadd.f32 v4, v0  }
0x16e: {  	v1 =	vld [tilespmem:s3+$0xFFFFFF30]  }
0x16f: {  	[tilespmem:s2+$0xB0] =	vst v0;
	v0 =	vld [tilespmem:s2+$0xC0]  }
0x170: {  	v3 =	vadd.f32 v7, v3;
	v4 =	vld [tilespmem:s3+$0xC0]  }
0x171: {  	v7 =	vld [tilespmem:s2+$0xFFFFFF40]  }
0x172: {  	[tilespmem:s2+$0xFFFFFFB0] =	vst v3;
	v2 =	vadd.f32 v5, v2;
	v3 =	vld [tilespmem:s2+$0xFFFFFFC0]  }
0x173: {  	v5 =	vld [tilespmem:s3+$0xFFFFFFC0];
	v1 =	vadd.f32 v1, v6  }
0x174: {  	[tilespmem:s2+$0x30] =	vst v2;
	v2 =	vld [tilespmem:s2+$0x40]  }
0x175: {  	v6 =	vld [tilespmem:s3+$0x40];
	[tilespmem:s2+$0xFFFFFF30] =	vst v1;
	v0 =	vadd.f32 v4, v0  }
0x176: {  	v1 =	vld [tilespmem:s3+$0xFFFFFF40]  }
0x177: {  	[tilespmem:s2+$0xC0] =	vst v0;
	v0 =	vld [tilespmem:s2+$0xD0]  }
0x178: {  	v3 =	vadd.f32 v5, v3;
	v4 =	vld [tilespmem:s3+$0xD0]  }
0x179: {  	v5 =	vld [tilespmem:s2+$0xFFFFFF50]  }
0x17a: {  	[tilespmem:s2+$0xFFFFFFC0] =	vst v3;
	v2 =	vadd.f32 v6, v2;
	v3 =	vld [tilespmem:s2+$0xFFFFFFD0]  }
0x17b: {  	v6 =	vld [tilespmem:s3+$0xFFFFFFD0];
	v1 =	vadd.f32 v1, v7  }
0x17c: {  	[tilespmem:s2+$0x40] =	vst v2;
	v2 =	vld [tilespmem:s2+$0x50]  }
0x17d: {  	v7 =	vld [tilespmem:s3+$0x50];
	[tilespmem:s2+$0xFFFFFF40] =	vst v1;
	v0 =	vadd.f32 v4, v0  }
0x17e: {  	v1 =	vld [tilespmem:s3+$0xFFFFFF50]  }
0x17f: {  	[tilespmem:s2+$0xD0] =	vst v0;
	v0 =	vld [tilespmem:s2+$0xE0]  }
0x180: {  	v3 =	vadd.f32 v6, v3;
	v4 =	vld [tilespmem:s3+$0xE0]  }
0x181: {  	v6 =	vld [tilespmem:s2+$0xFFFFFF60]  }
0x182: {  	[tilespmem:s2+$0xFFFFFFD0] =	vst v3;
	v2 =	vadd.f32 v7, v2;
	v3 =	vld [tilespmem:s2+$0xFFFFFFE0]  }
0x183: {  	v7 =	vld [tilespmem:s3+$0xFFFFFFE0];
	v1 =	vadd.f32 v1, v5  }
0x184: {  	[tilespmem:s2+$0x50] =	vst v2;
	v2 =	vld [tilespmem:s2+$0x60]  }
0x185: {  	v5 =	vld [tilespmem:s3+$0x60];
	[tilespmem:s2+$0xFFFFFF50] =	vst v1;
	v0 =	vadd.f32 v4, v0  }
0x186: {  	v4 =	vld [tilespmem:s3+$0xFFFFFF60]  }
0x187: {  	v8 =	vld [tilespmem:s2+$0xF0];
	[tilespmem:s2+$0xE0] =	vst v0  }
0x188: {  	v1 =	vadd.f32 v7, v3;
	v7 =	vld [tilespmem:s3+$0xF0]  }
0x189: {  	v0 =	vld [tilespmem:s2+$0xFFFFFF70]  }
0x18a: {  	[tilespmem:s2+$0xFFFFFFE0] =	vst v1;
	v2 =	vadd.f32 v5, v2;
	v1 =	vld [tilespmem:s2+$0xFFFFFFF0]  }
0x18b: {  	v3 =	vld [tilespmem:s3+$0xFFFFFFF0];
	v4 =	vadd.f32 v4, v6  }
0x18c: {  	[tilespmem:s2+$0x60] =	vst v2;
	v2 =	vld [tilespmem:s2+$0x70]  }
0x18d: {  	[tilespmem:s2+$0xFFFFFF60] =	vst v4;
	v4 =	vld [tilespmem:s3+$0x70];
	v6 =	vadd.f32 v7, v8  }
0x18e: {  	s12 =	simm.s32 $0x0;
	s15 =	simm.s32 $0x14F00;
	v5 =	vld [tilespmem:s3+$0xFFFFFF70]  }
.LBB2_7:
0x18f: {  	v7 =	vld [tilespmem:s15+$0x80];
	[tilespmem:s2+$0xF0] =	vst v6;
	s3 =	sadd.s32 $0x200, s3  }
0x190: {  	s12 =	sadd.s32 $0x4, s12;
	v6 =	vld [tilespmem:s3+$0x80];
	v1 =	vadd.f32 v3, v1  }
0x191: {  	p0 =	slt.u32 s12, $0xC4;
	v3 =	vld [tilespmem:s3+$0xFFFFFF00]  }
0x192: {  	v8 =	vld [tilespmem:s15+$0xFFFFFF80];
	[tilespmem:s2+$0xFFFFFFF0] =	vst v1;
	v1 =	vadd.f32 v4, v2  }
0x193: {  	v2 =	vld [tilespmem:s3+$0xFFFFFF80];
	v0 =	vadd.f32 v5, v0  }
0x194: {  	v4 =	vld [tilespmem:s15+$0x0];
	[tilespmem:s2+$0x70] =	vst v1  }
0x195: {  	v1 =	vld [tilespmem:s3+$0x0];
	v5 =	vadd.f32 v6, v7;
	[tilespmem:s2+$0xFFFFFF70] =	vst v0;
	s2 =	smov.u32 s15  }
0x196: {  	v0 =	vld [tilespmem:s15+$0xFFFFFF00]  }
0x197: {  	[tilespmem:s15+$0x80] =	vst v5;
	v5 =	vld [tilespmem:s15+$0x90]  }
0x198: {  	v2 =	vadd.f32 v2, v8;
	v6 =	vld [tilespmem:s3+$0x90]  }
0x199: {  	v7 =	vld [tilespmem:s15+$0xFFFFFF10]  }
0x19a: {  	[tilespmem:s15+$0xFFFFFF80] =	vst v2;
	v2 =	vld [tilespmem:s15+$0xFFFFFF90];
	v1 =	vadd.f32 v1, v4  }
0x19b: {  	v0 =	vadd.f32 v3, v0;
	v3 =	vld [tilespmem:s3+$0xFFFFFF90]  }
0x19c: {  	[tilespmem:s15+$0x0] =	vst v1;
	v1 =	vld [tilespmem:s15+$0x10]  }
0x19d: {  	[tilespmem:s15+$0xFFFFFF00] =	vst v0;
	v0 =	vld [tilespmem:s3+$0x10];
	v4 =	vadd.f32 v6, v5  }
0x19e: {  	v5 =	vld [tilespmem:s3+$0xFFFFFF10]  }
0x19f: {  	[tilespmem:s15+$0x90] =	vst v4;
	v4 =	vld [tilespmem:s15+$0xA0]  }
0x1a0: {  	v2 =	vadd.f32 v3, v2;
	v3 =	vld [tilespmem:s3+$0xA0]  }
0x1a1: {  	v6 =	vld [tilespmem:s15+$0xFFFFFF20]  }
0x1a2: {  	[tilespmem:s15+$0xFFFFFF90] =	vst v2;
	v2 =	vld [tilespmem:s15+$0xFFFFFFA0];
	v0 =	vadd.f32 v0, v1  }
0x1a3: {  	v1 =	vadd.f32 v5, v7;
	v5 =	vld [tilespmem:s3+$0xFFFFFFA0]  }
0x1a4: {  	[tilespmem:s15+$0x10] =	vst v0;
	v0 =	vld [tilespmem:s15+$0x20]  }
0x1a5: {  	[tilespmem:s15+$0xFFFFFF10] =	vst v1;
	v1 =	vld [tilespmem:s3+$0x20];
	v3 =	vadd.f32 v3, v4  }
0x1a6: {  	v4 =	vld [tilespmem:s3+$0xFFFFFF20]  }
0x1a7: {  	[tilespmem:s15+$0xA0] =	vst v3;
	v3 =	vld [tilespmem:s15+$0xB0]  }
0x1a8: {  	v2 =	vadd.f32 v5, v2;
	v5 =	vld [tilespmem:s3+$0xB0]  }
0x1a9: {  	v7 =	vld [tilespmem:s15+$0xFFFFFF30]  }
0x1aa: {  	[tilespmem:s15+$0xFFFFFFA0] =	vst v2;
	v2 =	vld [tilespmem:s15+$0xFFFFFFB0];
	v0 =	vadd.f32 v1, v0  }
0x1ab: {  	v1 =	vadd.f32 v4, v6;
	v4 =	vld [tilespmem:s3+$0xFFFFFFB0]  }
0x1ac: {  	[tilespmem:s15+$0x20] =	vst v0;
	v0 =	vld [tilespmem:s15+$0x30]  }
0x1ad: {  	[tilespmem:s15+$0xFFFFFF20] =	vst v1;
	v1 =	vld [tilespmem:s3+$0x30];
	v3 =	vadd.f32 v5, v3  }
0x1ae: {  	v5 =	vld [tilespmem:s3+$0xFFFFFF30]  }
0x1af: {  	[tilespmem:s15+$0xB0] =	vst v3;
	v3 =	vld [tilespmem:s15+$0xC0]  }
0x1b0: {  	v2 =	vadd.f32 v4, v2;
	v4 =	vld [tilespmem:s3+$0xC0]  }
0x1b1: {  	v6 =	vld [tilespmem:s15+$0xFFFFFF40]  }
0x1b2: {  	[tilespmem:s15+$0xFFFFFFB0] =	vst v2;
	v2 =	vld [tilespmem:s15+$0xFFFFFFC0];
	v0 =	vadd.f32 v1, v0  }
0x1b3: {  	v1 =	vadd.f32 v5, v7;
	v5 =	vld [tilespmem:s3+$0xFFFFFFC0]  }
0x1b4: {  	[tilespmem:s15+$0x30] =	vst v0;
	v0 =	vld [tilespmem:s15+$0x40]  }
0x1b5: {  	[tilespmem:s15+$0xFFFFFF30] =	vst v1;
	v1 =	vld [tilespmem:s3+$0x40];
	v3 =	vadd.f32 v4, v3  }
0x1b6: {  	v4 =	vld [tilespmem:s3+$0xFFFFFF40]  }
0x1b7: {  	[tilespmem:s15+$0xC0] =	vst v3;
	v3 =	vld [tilespmem:s15+$0xD0]  }
0x1b8: {  	v2 =	vadd.f32 v5, v2;
	v5 =	vld [tilespmem:s3+$0xD0]  }
0x1b9: {  	v7 =	vld [tilespmem:s15+$0xFFFFFF50]  }
0x1ba: {  	[tilespmem:s15+$0xFFFFFFC0] =	vst v2;
	v2 =	vld [tilespmem:s15+$0xFFFFFFD0];
	v0 =	vadd.f32 v1, v0  }
0x1bb: {  	v1 =	vadd.f32 v4, v6;
	v4 =	vld [tilespmem:s3+$0xFFFFFFD0]  }
0x1bc: {  	[tilespmem:s15+$0x40] =	vst v0;
	v0 =	vld [tilespmem:s15+$0x50]  }
0x1bd: {  	[tilespmem:s15+$0xFFFFFF40] =	vst v1;
	v1 =	vld [tilespmem:s3+$0x50];
	v3 =	vadd.f32 v5, v3  }
0x1be: {  	v5 =	vld [tilespmem:s3+$0xFFFFFF50]  }
0x1bf: {  	[tilespmem:s15+$0xD0] =	vst v3;
	v3 =	vld [tilespmem:s15+$0xE0]  }
0x1c0: {  	v2 =	vadd.f32 v4, v2;
	v4 =	vld [tilespmem:s3+$0xE0]  }
0x1c1: {  	v6 =	vld [tilespmem:s15+$0xFFFFFF60]  }
0x1c2: {  	[tilespmem:s15+$0xFFFFFFD0] =	vst v2;
	v2 =	vld [tilespmem:s15+$0xFFFFFFE0];
	v0 =	vadd.f32 v1, v0  }
0x1c3: {  	v1 =	vadd.f32 v5, v7;
	v5 =	vld [tilespmem:s3+$0xFFFFFFE0]  }
0x1c4: {  	[tilespmem:s15+$0x50] =	vst v0;
	v7 =	vld [tilespmem:s15+$0x60]  }
0x1c5: {  	[tilespmem:s15+$0xFFFFFF50] =	vst v1;
	v8 =	vld [tilespmem:s3+$0x60];
	v0 =	vadd.f32 v4, v3  }
0x1c6: {  	v3 =	vld [tilespmem:s3+$0xFFFFFF60]  }
0x1c7: {  	[tilespmem:s15+$0xE0] =	vst v0;
	v9 =	vld [tilespmem:s15+$0xF0]  }
0x1c8: {  	v1 =	vadd.f32 v5, v2;
	v5 =	vld [tilespmem:s3+$0xF0]  }
0x1c9: {  	v0 =	vld [tilespmem:s15+$0xFFFFFF70]  }
.Ltmp2:
0x1ca: {  	[tilespmem:s15+$0xFFFFFFE0] =	vst v1;
	v1 =	vld [tilespmem:s15+$0xFFFFFFF0];
	v2 =	vadd.f32 v8, v7;
	(pc) =	sbr.rel @p0 .LBB2_7-.Ltmp2, $4  }
0x1cb: {  	v4 =	vadd.f32 v3, v6;
	v3 =	vld [tilespmem:s3+$0xFFFFFFF0]  }
0x1cc: {  	[tilespmem:s15+$0x60] =	vst v2;
	v2 =	vld [tilespmem:s15+$0x70]  }
0x1cd: {  	[tilespmem:s15+$0xFFFFFF60] =	vst v4;
	v4 =	vld [tilespmem:s3+$0x70];
	v6 =	vadd.f32 v5, v9  }
0x1ce: {  	s15 =	sadd.s32 $0x200, s15;
	v5 =	vld [tilespmem:s3+$0xFFFFFF70]  }
0x1cf: {  	_ = 	snop  }
0x1d0: {  	s31 =	sadd.s32 $0x1, s31  }
0x1d1: {  	s0 =	smul.u32 $0xC8, s0;
	v1 =	vadd.f32 v3, v1;
	p0 =	sne.s32 s31, $0xA  }
.Ltmp3:
0x1d2: {  	[tilespmem:s2+$0xF0] =	vst v6;
	v2 =	vadd.f32 v4, v2;
	(pc) =	sbr.rel @p0 .LBB2_2-.Ltmp3, $4  }
0x1d3: {  	s0 =	sadd.s32 s7, s0;
	[tilespmem:s2+$0xFFFFFFF0] =	vst v1;
	v0 =	vadd.f32 v5, v0  }
0x1d4: {  	s0 =	sshll.u32 s0, $0x4;
	[tilespmem:s2+$0x70] =	vst v2  }
0x1d5: {  	s0 =	sadd.s32 s4, s0;
	[tilespmem:s2+$0xFFFFFF70] =	vst v0  }
0x1d6: {  	[hbm4b:s0+s5] =	stream.linear.scatter [tilespmem:s20], [sflag:$0x6], $0x6400, $0x38;
	[tilespmem:$0x1B000] =	vst v63  }
0x1d7: {  	_ =	swait.ge [sflag:s25], $0x6400  }
0x1d8: {  	[sflag:s25] =	ssyncset.done $0x0  }
0x1d9: {  	s0 =	simm.s32 $0x1F00;
	[sflag:s25] =	ssyncadd.s32 $0xFFFF9C00  }
0x1da: {  	[tilespmem:s17], [sflag:$0x2] =	stream.indirect.gather [hbm4b:s1+s13], $0x80, s0, s13, $0xb8;
	[tilespmem:$0x1B000] =	vst v63  }
0x1db: {  	_ = 	snop  }
0x1dc: {  	[tilespmem:s18], [sflag:$0x2] =	stream.indirect.gather [hbm4b:s1+s13], $0x80, s28, s13, $0xb8;
	[tilespmem:$0x1B000] =	vst v63  }
0x1dd: {  	_ =	swait.ge [sflag:s19], $0x3200  }
0x1de: {  	[sflag:s19] =	ssyncset.done $0x0  }
0x1df: {  	[sflag:s19] =	ssyncadd.s32 $0xFFFFCE00  }
0x1e0: {  	_ =	swait.ge [sflag:s19], $0x3200  }
0x1e1: {  	[sflag:s19] =	ssyncset.done $0x0  }
0x1e2: {  	s0 =	simm.s32 $0x8500;
	[sflag:s19] =	ssyncadd.s32 $0xFFFFCE00  }
0x1e3: {  	s2 =	simm.s32 $0x2100;
	v0 =	vld [tilespmem:s0+$0x80]  }
0x1e4: {  	v1 =	vld [tilespmem:s2+$0x80]  }
0x1e5: {  	v2 =	vld [tilespmem:s0+$0xFFFFFF80]  }
0x1e6: {  	v3 =	vld [tilespmem:s2+$0xFFFFFF80]  }
0x1e7: {  	v4 =	vld [tilespmem:s0+$0x0]  }
0x1e8: {  	v5 =	vld [tilespmem:s2+$0x0]  }
0x1e9: {  	v6 =	vld [tilespmem:s0+$0xFFFFFF00];
	v0 =	vadd.f32 v1, v0  }
0x1ea: {  	v1 =	vld [tilespmem:s2+$0xFFFFFF00]  }
0x1eb: {  	[tilespmem:s0+$0x80] =	vst v0;
	v0 =	vld [tilespmem:s0+$0x90]  }
0x1ec: {  	v2 =	vadd.f32 v3, v2;
	v3 =	vld [tilespmem:s2+$0x90]  }
0x1ed: {  	v7 =	vld [tilespmem:s0+$0xFFFFFF10]  }
0x1ee: {  	[tilespmem:s0+$0xFFFFFF80] =	vst v2;
	v2 =	vadd.f32 v5, v4;
	v4 =	vld [tilespmem:s0+$0xFFFFFF90]  }
0x1ef: {  	v5 =	vld [tilespmem:s2+$0xFFFFFF90];
	v1 =	vadd.f32 v1, v6  }
0x1f0: {  	[tilespmem:s0+$0x0] =	vst v2;
	v2 =	vld [tilespmem:s0+$0x10]  }
0x1f1: {  	v6 =	vld [tilespmem:s2+$0x10];
	[tilespmem:s0+$0xFFFFFF00] =	vst v1;
	v0 =	vadd.f32 v3, v0  }
0x1f2: {  	v1 =	vld [tilespmem:s2+$0xFFFFFF10]  }
0x1f3: {  	[tilespmem:s0+$0x90] =	vst v0;
	v0 =	vld [tilespmem:s0+$0xA0]  }
0x1f4: {  	v3 =	vadd.f32 v5, v4;
	v4 =	vld [tilespmem:s2+$0xA0]  }
0x1f5: {  	v5 =	vld [tilespmem:s0+$0xFFFFFF20]  }
0x1f6: {  	[tilespmem:s0+$0xFFFFFF90] =	vst v3;
	v2 =	vadd.f32 v6, v2;
	v3 =	vld [tilespmem:s0+$0xFFFFFFA0]  }
0x1f7: {  	v6 =	vld [tilespmem:s2+$0xFFFFFFA0];
	v1 =	vadd.f32 v1, v7  }
0x1f8: {  	[tilespmem:s0+$0x10] =	vst v2;
	v2 =	vld [tilespmem:s0+$0x20]  }
0x1f9: {  	v7 =	vld [tilespmem:s2+$0x20];
	[tilespmem:s0+$0xFFFFFF10] =	vst v1;
	v0 =	vadd.f32 v4, v0  }
0x1fa: {  	v1 =	vld [tilespmem:s2+$0xFFFFFF20]  }
0x1fb: {  	[tilespmem:s0+$0xA0] =	vst v0;
	v0 =	vld [tilespmem:s0+$0xB0]  }
0x1fc: {  	v3 =	vadd.f32 v6, v3;
	v4 =	vld [tilespmem:s2+$0xB0]  }
0x1fd: {  	v6 =	vld [tilespmem:s0+$0xFFFFFF30]  }
0x1fe: {  	[tilespmem:s0+$0xFFFFFFA0] =	vst v3;
	v2 =	vadd.f32 v7, v2;
	v3 =	vld [tilespmem:s0+$0xFFFFFFB0]  }
0x1ff: {  	v7 =	vld [tilespmem:s2+$0xFFFFFFB0];
	v1 =	vadd.f32 v1, v5  }
0x200: {  	[tilespmem:s0+$0x20] =	vst v2;
	v2 =	vld [tilespmem:s0+$0x30]  }
0x201: {  	v5 =	vld [tilespmem:s2+$0x30];
	[tilespmem:s0+$0xFFFFFF20] =	vst v1;
	v0 =	vadd.f32 v4, v0  }
0x202: {  	v1 =	vld [tilespmem:s2+$0xFFFFFF30]  }
0x203: {  	[tilespmem:s0+$0xB0] =	vst v0;
	v0 =	vld [tilespmem:s0+$0xC0]  }
0x204: {  	v3 =	vadd.f32 v7, v3;
	v4 =	vld [tilespmem:s2+$0xC0]  }
0x205: {  	v7 =	vld [tilespmem:s0+$0xFFFFFF40]  }
0x206: {  	[tilespmem:s0+$0xFFFFFFB0] =	vst v3;
	v2 =	vadd.f32 v5, v2;
	v3 =	vld [tilespmem:s0+$0xFFFFFFC0]  }
0x207: {  	v5 =	vld [tilespmem:s2+$0xFFFFFFC0];
	v1 =	vadd.f32 v1, v6  }
0x208: {  	[tilespmem:s0+$0x30] =	vst v2;
	v2 =	vld [tilespmem:s0+$0x40]  }
0x209: {  	v6 =	vld [tilespmem:s2+$0x40];
	[tilespmem:s0+$0xFFFFFF30] =	vst v1;
	v0 =	vadd.f32 v4, v0  }
0x20a: {  	v1 =	vld [tilespmem:s2+$0xFFFFFF40]  }
0x20b: {  	[tilespmem:s0+$0xC0] =	vst v0;
	v0 =	vld [tilespmem:s0+$0xD0]  }
0x20c: {  	v3 =	vadd.f32 v5, v3;
	v4 =	vld [tilespmem:s2+$0xD0]  }
0x20d: {  	v5 =	vld [tilespmem:s0+$0xFFFFFF50]  }
0x20e: {  	[tilespmem:s0+$0xFFFFFFC0] =	vst v3;
	v2 =	vadd.f32 v6, v2;
	v3 =	vld [tilespmem:s0+$0xFFFFFFD0]  }
0x20f: {  	v6 =	vld [tilespmem:s2+$0xFFFFFFD0];
	v1 =	vadd.f32 v1, v7  }
0x210: {  	[tilespmem:s0+$0x40] =	vst v2;
	v2 =	vld [tilespmem:s0+$0x50]  }
0x211: {  	v7 =	vld [tilespmem:s2+$0x50];
	[tilespmem:s0+$0xFFFFFF40] =	vst v1;
	v0 =	vadd.f32 v4, v0  }
0x212: {  	v1 =	vld [tilespmem:s2+$0xFFFFFF50]  }
0x213: {  	[tilespmem:s0+$0xD0] =	vst v0;
	v0 =	vld [tilespmem:s0+$0xE0]  }
0x214: {  	v3 =	vadd.f32 v6, v3;
	v4 =	vld [tilespmem:s2+$0xE0]  }
0x215: {  	v6 =	vld [tilespmem:s0+$0xFFFFFF60]  }
0x216: {  	[tilespmem:s0+$0xFFFFFFD0] =	vst v3;
	v2 =	vadd.f32 v7, v2;
	v3 =	vld [tilespmem:s0+$0xFFFFFFE0]  }
0x217: {  	v7 =	vld [tilespmem:s2+$0xFFFFFFE0];
	v1 =	vadd.f32 v1, v5  }
0x218: {  	[tilespmem:s0+$0x50] =	vst v2;
	v2 =	vld [tilespmem:s0+$0x60]  }
0x219: {  	v5 =	vld [tilespmem:s2+$0x60];
	[tilespmem:s0+$0xFFFFFF50] =	vst v1;
	v0 =	vadd.f32 v4, v0  }
0x21a: {  	v4 =	vld [tilespmem:s2+$0xFFFFFF60]  }
0x21b: {  	v8 =	vld [tilespmem:s0+$0xF0];
	[tilespmem:s0+$0xE0] =	vst v0  }
0x21c: {  	v1 =	vadd.f32 v7, v3;
	v7 =	vld [tilespmem:s2+$0xF0]  }
0x21d: {  	v0 =	vld [tilespmem:s0+$0xFFFFFF70]  }
0x21e: {  	[tilespmem:s0+$0xFFFFFFE0] =	vst v1;
	v2 =	vadd.f32 v5, v2;
	v1 =	vld [tilespmem:s0+$0xFFFFFFF0]  }
0x21f: {  	v3 =	vld [tilespmem:s2+$0xFFFFFFF0];
	v4 =	vadd.f32 v4, v6  }
0x220: {  	[tilespmem:s0+$0x60] =	vst v2;
	v2 =	vld [tilespmem:s0+$0x70]  }
0x221: {  	[tilespmem:s0+$0xFFFFFF60] =	vst v4;
	v4 =	vld [tilespmem:s2+$0x70];
	v6 =	vadd.f32 v7, v8  }
0x222: {  	s3 =	simm.s32 $0x0;
	s12 =	simm.s32 $0x8700;
	v5 =	vld [tilespmem:s2+$0xFFFFFF70]  }
.LBB2_10:
0x223: {  	v7 =	vld [tilespmem:s12+$0x80];
	[tilespmem:s0+$0xF0] =	vst v6;
	s2 =	sadd.s32 $0x200, s2  }
0x224: {  	s3 =	sadd.s32 $0x4, s3;
	v6 =	vld [tilespmem:s2+$0x80];
	v1 =	vadd.f32 v3, v1  }
0x225: {  	p0 =	slt.u32 s3, $0xC4;
	v3 =	vld [tilespmem:s2+$0xFFFFFF00]  }
0x226: {  	v8 =	vld [tilespmem:s12+$0xFFFFFF80];
	[tilespmem:s0+$0xFFFFFFF0] =	vst v1;
	v1 =	vadd.f32 v4, v2  }
0x227: {  	v2 =	vld [tilespmem:s2+$0xFFFFFF80];
	v0 =	vadd.f32 v5, v0  }
0x228: {  	v4 =	vld [tilespmem:s12+$0x0];
	[tilespmem:s0+$0x70] =	vst v1  }
0x229: {  	v1 =	vld [tilespmem:s2+$0x0];
	v5 =	vadd.f32 v6, v7;
	[tilespmem:s0+$0xFFFFFF70] =	vst v0;
	s0 =	smov.u32 s12  }
0x22a: {  	v0 =	vld [tilespmem:s12+$0xFFFFFF00]  }
0x22b: {  	[tilespmem:s12+$0x80] =	vst v5;
	v5 =	vld [tilespmem:s12+$0x90]  }
0x22c: {  	v2 =	vadd.f32 v2, v8;
	v6 =	vld [tilespmem:s2+$0x90]  }
0x22d: {  	v7 =	vld [tilespmem:s12+$0xFFFFFF10]  }
0x22e: {  	[tilespmem:s12+$0xFFFFFF80] =	vst v2;
	v2 =	vld [tilespmem:s12+$0xFFFFFF90];
	v1 =	vadd.f32 v1, v4  }
0x22f: {  	v0 =	vadd.f32 v3, v0;
	v3 =	vld [tilespmem:s2+$0xFFFFFF90]  }
0x230: {  	[tilespmem:s12+$0x0] =	vst v1;
	v1 =	vld [tilespmem:s12+$0x10]  }
0x231: {  	[tilespmem:s12+$0xFFFFFF00] =	vst v0;
	v0 =	vld [tilespmem:s2+$0x10];
	v4 =	vadd.f32 v6, v5  }
0x232: {  	v5 =	vld [tilespmem:s2+$0xFFFFFF10]  }
0x233: {  	[tilespmem:s12+$0x90] =	vst v4;
	v4 =	vld [tilespmem:s12+$0xA0]  }
0x234: {  	v2 =	vadd.f32 v3, v2;
	v3 =	vld [tilespmem:s2+$0xA0]  }
0x235: {  	v6 =	vld [tilespmem:s12+$0xFFFFFF20]  }
0x236: {  	[tilespmem:s12+$0xFFFFFF90] =	vst v2;
	v2 =	vld [tilespmem:s12+$0xFFFFFFA0];
	v0 =	vadd.f32 v0, v1  }
0x237: {  	v1 =	vadd.f32 v5, v7;
	v5 =	vld [tilespmem:s2+$0xFFFFFFA0]  }
0x238: {  	[tilespmem:s12+$0x10] =	vst v0;
	v0 =	vld [tilespmem:s12+$0x20]  }
0x239: {  	[tilespmem:s12+$0xFFFFFF10] =	vst v1;
	v1 =	vld [tilespmem:s2+$0x20];
	v3 =	vadd.f32 v3, v4  }
0x23a: {  	v4 =	vld [tilespmem:s2+$0xFFFFFF20]  }
0x23b: {  	[tilespmem:s12+$0xA0] =	vst v3;
	v3 =	vld [tilespmem:s12+$0xB0]  }
0x23c: {  	v2 =	vadd.f32 v5, v2;
	v5 =	vld [tilespmem:s2+$0xB0]  }
0x23d: {  	v7 =	vld [tilespmem:s12+$0xFFFFFF30]  }
0x23e: {  	[tilespmem:s12+$0xFFFFFFA0] =	vst v2;
	v2 =	vld [tilespmem:s12+$0xFFFFFFB0];
	v0 =	vadd.f32 v1, v0  }
0x23f: {  	v1 =	vadd.f32 v4, v6;
	v4 =	vld [tilespmem:s2+$0xFFFFFFB0]  }
0x240: {  	[tilespmem:s12+$0x20] =	vst v0;
	v0 =	vld [tilespmem:s12+$0x30]  }
0x241: {  	[tilespmem:s12+$0xFFFFFF20] =	vst v1;
	v1 =	vld [tilespmem:s2+$0x30];
	v3 =	vadd.f32 v5, v3  }
0x242: {  	v5 =	vld [tilespmem:s2+$0xFFFFFF30]  }
0x243: {  	[tilespmem:s12+$0xB0] =	vst v3;
	v3 =	vld [tilespmem:s12+$0xC0]  }
0x244: {  	v2 =	vadd.f32 v4, v2;
	v4 =	vld [tilespmem:s2+$0xC0]  }
0x245: {  	v6 =	vld [tilespmem:s12+$0xFFFFFF40]  }
0x246: {  	[tilespmem:s12+$0xFFFFFFB0] =	vst v2;
	v2 =	vld [tilespmem:s12+$0xFFFFFFC0];
	v0 =	vadd.f32 v1, v0  }
0x247: {  	v1 =	vadd.f32 v5, v7;
	v5 =	vld [tilespmem:s2+$0xFFFFFFC0]  }
0x248: {  	[tilespmem:s12+$0x30] =	vst v0;
	v0 =	vld [tilespmem:s12+$0x40]  }
0x249: {  	[tilespmem:s12+$0xFFFFFF30] =	vst v1;
	v1 =	vld [tilespmem:s2+$0x40];
	v3 =	vadd.f32 v4, v3  }
0x24a: {  	v4 =	vld [tilespmem:s2+$0xFFFFFF40]  }
0x24b: {  	[tilespmem:s12+$0xC0] =	vst v3;
	v3 =	vld [tilespmem:s12+$0xD0]  }
0x24c: {  	v2 =	vadd.f32 v5, v2;
	v5 =	vld [tilespmem:s2+$0xD0]  }
0x24d: {  	v7 =	vld [tilespmem:s12+$0xFFFFFF50]  }
0x24e: {  	[tilespmem:s12+$0xFFFFFFC0] =	vst v2;
	v2 =	vld [tilespmem:s12+$0xFFFFFFD0];
	v0 =	vadd.f32 v1, v0  }
0x24f: {  	v1 =	vadd.f32 v4, v6;
	v4 =	vld [tilespmem:s2+$0xFFFFFFD0]  }
0x250: {  	[tilespmem:s12+$0x40] =	vst v0;
	v0 =	vld [tilespmem:s12+$0x50]  }
0x251: {  	[tilespmem:s12+$0xFFFFFF40] =	vst v1;
	v1 =	vld [tilespmem:s2+$0x50];
	v3 =	vadd.f32 v5, v3  }
0x252: {  	v5 =	vld [tilespmem:s2+$0xFFFFFF50]  }
0x253: {  	[tilespmem:s12+$0xD0] =	vst v3;
	v3 =	vld [tilespmem:s12+$0xE0]  }
0x254: {  	v2 =	vadd.f32 v4, v2;
	v4 =	vld [tilespmem:s2+$0xE0]  }
0x255: {  	v6 =	vld [tilespmem:s12+$0xFFFFFF60]  }
0x256: {  	[tilespmem:s12+$0xFFFFFFD0] =	vst v2;
	v2 =	vld [tilespmem:s12+$0xFFFFFFE0];
	v0 =	vadd.f32 v1, v0  }
0x257: {  	v1 =	vadd.f32 v5, v7;
	v5 =	vld [tilespmem:s2+$0xFFFFFFE0]  }
0x258: {  	[tilespmem:s12+$0x50] =	vst v0;
	v7 =	vld [tilespmem:s12+$0x60]  }
0x259: {  	[tilespmem:s12+$0xFFFFFF50] =	vst v1;
	v8 =	vld [tilespmem:s2+$0x60];
	v0 =	vadd.f32 v4, v3  }
0x25a: {  	v3 =	vld [tilespmem:s2+$0xFFFFFF60]  }
0x25b: {  	[tilespmem:s12+$0xE0] =	vst v0;
	v9 =	vld [tilespmem:s12+$0xF0]  }
0x25c: {  	v1 =	vadd.f32 v5, v2;
	v5 =	vld [tilespmem:s2+$0xF0]  }
0x25d: {  	v0 =	vld [tilespmem:s12+$0xFFFFFF70]  }
.Ltmp4:
0x25e: {  	[tilespmem:s12+$0xFFFFFFE0] =	vst v1;
	v1 =	vld [tilespmem:s12+$0xFFFFFFF0];
	v2 =	vadd.f32 v8, v7;
	(pc) =	sbr.rel @p0 .LBB2_10-.Ltmp4, $4  }
0x25f: {  	v4 =	vadd.f32 v3, v6;
	v3 =	vld [tilespmem:s2+$0xFFFFFFF0]  }
0x260: {  	[tilespmem:s12+$0x60] =	vst v2;
	v2 =	vld [tilespmem:s12+$0x70]  }
0x261: {  	[tilespmem:s12+$0xFFFFFF60] =	vst v4;
	v4 =	vld [tilespmem:s2+$0x70];
	v6 =	vadd.f32 v5, v9  }
0x262: {  	s12 =	sadd.s32 $0x200, s12;
	v5 =	vld [tilespmem:s2+$0xFFFFFF70]  }
0x263: {  	_ =	sdelay $0x1  }
0x264: {  	v1 =	vadd.f32 v3, v1  }
0x265: {  	[tilespmem:s0+$0xF0] =	vst v6;
	v2 =	vadd.f32 v4, v2  }
0x266: {  	[tilespmem:s0+$0xFFFFFFF0] =	vst v1;
	v0 =	vadd.f32 v5, v0  }
0x267: {  	[tilespmem:s0+$0x70] =	vst v2  }
0x268: {  	[tilespmem:s0+$0xFFFFFF70] =	vst v0  }
0x269: {  	[hbm4b:s8+s5] =	stream.linear.scatter [tilespmem:s14], [sflag:$0x4], $0x6400, $0x38;
	[tilespmem:$0x1B000] =	vst v63  }
0x26a: {  	_ =	swait.ge [sflag:s22], $0x3200  }
0x26b: {  	[sflag:s22] =	ssyncset.done $0x0  }
0x26c: {  	[sflag:s22] =	ssyncadd.s32 $0xFFFFCE00  }
0x26d: {  	_ =	swait.ge [sflag:s22], $0x3200  }
0x26e: {  	[sflag:s22] =	ssyncset.done $0x0  }
0x26f: {  	s0 =	simm.s32 $0xE900;
	[sflag:s22] =	ssyncadd.s32 $0xFFFFCE00  }
0x270: {  	s2 =	simm.s32 $0x2100;
	v0 =	vld [tilespmem:s0+$0x80]  }
0x271: {  	v1 =	vld [tilespmem:s2+$0x80]  }
0x272: {  	v2 =	vld [tilespmem:s0+$0xFFFFFF80]  }
0x273: {  	v3 =	vld [tilespmem:s2+$0xFFFFFF80]  }
0x274: {  	v4 =	vld [tilespmem:s0+$0x0]  }
0x275: {  	v5 =	vld [tilespmem:s2+$0x0]  }
0x276: {  	v6 =	vld [tilespmem:s0+$0xFFFFFF00];
	v0 =	vadd.f32 v1, v0  }
0x277: {  	v1 =	vld [tilespmem:s2+$0xFFFFFF00]  }
0x278: {  	[tilespmem:s0+$0x80] =	vst v0;
	v0 =	vld [tilespmem:s0+$0x90]  }
0x279: {  	v2 =	vadd.f32 v3, v2;
	v3 =	vld [tilespmem:s2+$0x90]  }
0x27a: {  	v7 =	vld [tilespmem:s0+$0xFFFFFF10]  }
0x27b: {  	[tilespmem:s0+$0xFFFFFF80] =	vst v2;
	v2 =	vadd.f32 v5, v4;
	v4 =	vld [tilespmem:s0+$0xFFFFFF90]  }
0x27c: {  	v5 =	vld [tilespmem:s2+$0xFFFFFF90];
	v1 =	vadd.f32 v1, v6  }
0x27d: {  	[tilespmem:s0+$0x0] =	vst v2;
	v2 =	vld [tilespmem:s0+$0x10]  }
0x27e: {  	v6 =	vld [tilespmem:s2+$0x10];
	[tilespmem:s0+$0xFFFFFF00] =	vst v1;
	v0 =	vadd.f32 v3, v0  }
0x27f: {  	v1 =	vld [tilespmem:s2+$0xFFFFFF10]  }
0x280: {  	[tilespmem:s0+$0x90] =	vst v0;
	v0 =	vld [tilespmem:s0+$0xA0]  }
0x281: {  	v3 =	vadd.f32 v5, v4;
	v4 =	vld [tilespmem:s2+$0xA0]  }
0x282: {  	v5 =	vld [tilespmem:s0+$0xFFFFFF20]  }
0x283: {  	[tilespmem:s0+$0xFFFFFF90] =	vst v3;
	v2 =	vadd.f32 v6, v2;
	v3 =	vld [tilespmem:s0+$0xFFFFFFA0]  }
0x284: {  	v6 =	vld [tilespmem:s2+$0xFFFFFFA0];
	v1 =	vadd.f32 v1, v7  }
0x285: {  	[tilespmem:s0+$0x10] =	vst v2;
	v2 =	vld [tilespmem:s0+$0x20]  }
0x286: {  	v7 =	vld [tilespmem:s2+$0x20];
	[tilespmem:s0+$0xFFFFFF10] =	vst v1;
	v0 =	vadd.f32 v4, v0  }
0x287: {  	v1 =	vld [tilespmem:s2+$0xFFFFFF20]  }
0x288: {  	[tilespmem:s0+$0xA0] =	vst v0;
	v0 =	vld [tilespmem:s0+$0xB0]  }
0x289: {  	v3 =	vadd.f32 v6, v3;
	v4 =	vld [tilespmem:s2+$0xB0]  }
0x28a: {  	v6 =	vld [tilespmem:s0+$0xFFFFFF30]  }
0x28b: {  	[tilespmem:s0+$0xFFFFFFA0] =	vst v3;
	v2 =	vadd.f32 v7, v2;
	v3 =	vld [tilespmem:s0+$0xFFFFFFB0]  }
0x28c: {  	v7 =	vld [tilespmem:s2+$0xFFFFFFB0];
	v1 =	vadd.f32 v1, v5  }
0x28d: {  	[tilespmem:s0+$0x20] =	vst v2;
	v2 =	vld [tilespmem:s0+$0x30]  }
0x28e: {  	v5 =	vld [tilespmem:s2+$0x30];
	[tilespmem:s0+$0xFFFFFF20] =	vst v1;
	v0 =	vadd.f32 v4, v0  }
0x28f: {  	v1 =	vld [tilespmem:s2+$0xFFFFFF30]  }
0x290: {  	[tilespmem:s0+$0xB0] =	vst v0;
	v0 =	vld [tilespmem:s0+$0xC0]  }
0x291: {  	v3 =	vadd.f32 v7, v3;
	v4 =	vld [tilespmem:s2+$0xC0]  }
0x292: {  	v7 =	vld [tilespmem:s0+$0xFFFFFF40]  }
0x293: {  	[tilespmem:s0+$0xFFFFFFB0] =	vst v3;
	v2 =	vadd.f32 v5, v2;
	v3 =	vld [tilespmem:s0+$0xFFFFFFC0]  }
0x294: {  	v5 =	vld [tilespmem:s2+$0xFFFFFFC0];
	v1 =	vadd.f32 v1, v6  }
0x295: {  	[tilespmem:s0+$0x30] =	vst v2;
	v2 =	vld [tilespmem:s0+$0x40]  }
0x296: {  	v6 =	vld [tilespmem:s2+$0x40];
	[tilespmem:s0+$0xFFFFFF30] =	vst v1;
	v0 =	vadd.f32 v4, v0  }
0x297: {  	v1 =	vld [tilespmem:s2+$0xFFFFFF40]  }
0x298: {  	[tilespmem:s0+$0xC0] =	vst v0;
	v0 =	vld [tilespmem:s0+$0xD0]  }
0x299: {  	v3 =	vadd.f32 v5, v3;
	v4 =	vld [tilespmem:s2+$0xD0]  }
0x29a: {  	v5 =	vld [tilespmem:s0+$0xFFFFFF50]  }
0x29b: {  	[tilespmem:s0+$0xFFFFFFC0] =	vst v3;
	v2 =	vadd.f32 v6, v2;
	v3 =	vld [tilespmem:s0+$0xFFFFFFD0]  }
0x29c: {  	v6 =	vld [tilespmem:s2+$0xFFFFFFD0];
	v1 =	vadd.f32 v1, v7  }
0x29d: {  	[tilespmem:s0+$0x40] =	vst v2;
	v2 =	vld [tilespmem:s0+$0x50]  }
0x29e: {  	v7 =	vld [tilespmem:s2+$0x50];
	[tilespmem:s0+$0xFFFFFF40] =	vst v1;
	v0 =	vadd.f32 v4, v0  }
0x29f: {  	v1 =	vld [tilespmem:s2+$0xFFFFFF50]  }
0x2a0: {  	[tilespmem:s0+$0xD0] =	vst v0;
	v0 =	vld [tilespmem:s0+$0xE0]  }
0x2a1: {  	v3 =	vadd.f32 v6, v3;
	v4 =	vld [tilespmem:s2+$0xE0]  }
0x2a2: {  	v6 =	vld [tilespmem:s0+$0xFFFFFF60]  }
0x2a3: {  	[tilespmem:s0+$0xFFFFFFD0] =	vst v3;
	v2 =	vadd.f32 v7, v2;
	v3 =	vld [tilespmem:s0+$0xFFFFFFE0]  }
0x2a4: {  	v7 =	vld [tilespmem:s2+$0xFFFFFFE0];
	v1 =	vadd.f32 v1, v5  }
0x2a5: {  	[tilespmem:s0+$0x50] =	vst v2;
	v2 =	vld [tilespmem:s0+$0x60]  }
0x2a6: {  	v5 =	vld [tilespmem:s2+$0x60];
	[tilespmem:s0+$0xFFFFFF50] =	vst v1;
	v0 =	vadd.f32 v4, v0  }
0x2a7: {  	v4 =	vld [tilespmem:s2+$0xFFFFFF60]  }
0x2a8: {  	v8 =	vld [tilespmem:s0+$0xF0];
	[tilespmem:s0+$0xE0] =	vst v0  }
0x2a9: {  	v1 =	vadd.f32 v7, v3;
	v7 =	vld [tilespmem:s2+$0xF0]  }
0x2aa: {  	v0 =	vld [tilespmem:s0+$0xFFFFFF70]  }
0x2ab: {  	[tilespmem:s0+$0xFFFFFFE0] =	vst v1;
	v2 =	vadd.f32 v5, v2;
	v1 =	vld [tilespmem:s0+$0xFFFFFFF0]  }
0x2ac: {  	v3 =	vld [tilespmem:s2+$0xFFFFFFF0];
	v4 =	vadd.f32 v4, v6  }
0x2ad: {  	[tilespmem:s0+$0x60] =	vst v2;
	v2 =	vld [tilespmem:s0+$0x70]  }
0x2ae: {  	[tilespmem:s0+$0xFFFFFF60] =	vst v4;
	v4 =	vld [tilespmem:s2+$0x70];
	v6 =	vadd.f32 v7, v8  }
0x2af: {  	s3 =	simm.s32 $0x0;
	s12 =	simm.s32 $0xEB00;
	v5 =	vld [tilespmem:s2+$0xFFFFFF70]  }
.LBB2_12:
0x2b0: {  	v7 =	vld [tilespmem:s12+$0x80];
	[tilespmem:s0+$0xF0] =	vst v6;
	s2 =	sadd.s32 $0x200, s2  }
0x2b1: {  	s3 =	sadd.s32 $0x4, s3;
	v6 =	vld [tilespmem:s2+$0x80];
	v1 =	vadd.f32 v3, v1  }
0x2b2: {  	p0 =	slt.u32 s3, $0xC4;
	v3 =	vld [tilespmem:s2+$0xFFFFFF00]  }
0x2b3: {  	v8 =	vld [tilespmem:s12+$0xFFFFFF80];
	[tilespmem:s0+$0xFFFFFFF0] =	vst v1;
	v1 =	vadd.f32 v4, v2  }
0x2b4: {  	v2 =	vld [tilespmem:s2+$0xFFFFFF80];
	v0 =	vadd.f32 v5, v0  }
0x2b5: {  	v4 =	vld [tilespmem:s12+$0x0];
	[tilespmem:s0+$0x70] =	vst v1  }
0x2b6: {  	v1 =	vld [tilespmem:s2+$0x0];
	v5 =	vadd.f32 v6, v7;
	[tilespmem:s0+$0xFFFFFF70] =	vst v0;
	s0 =	smov.u32 s12  }
0x2b7: {  	v0 =	vld [tilespmem:s12+$0xFFFFFF00]  }
0x2b8: {  	[tilespmem:s12+$0x80] =	vst v5;
	v5 =	vld [tilespmem:s12+$0x90]  }
0x2b9: {  	v2 =	vadd.f32 v2, v8;
	v6 =	vld [tilespmem:s2+$0x90]  }
0x2ba: {  	v7 =	vld [tilespmem:s12+$0xFFFFFF10]  }
0x2bb: {  	[tilespmem:s12+$0xFFFFFF80] =	vst v2;
	v2 =	vld [tilespmem:s12+$0xFFFFFF90];
	v1 =	vadd.f32 v1, v4  }
0x2bc: {  	v0 =	vadd.f32 v3, v0;
	v3 =	vld [tilespmem:s2+$0xFFFFFF90]  }
0x2bd: {  	[tilespmem:s12+$0x0] =	vst v1;
	v1 =	vld [tilespmem:s12+$0x10]  }
0x2be: {  	[tilespmem:s12+$0xFFFFFF00] =	vst v0;
	v0 =	vld [tilespmem:s2+$0x10];
	v4 =	vadd.f32 v6, v5  }
0x2bf: {  	v5 =	vld [tilespmem:s2+$0xFFFFFF10]  }
0x2c0: {  	[tilespmem:s12+$0x90] =	vst v4;
	v4 =	vld [tilespmem:s12+$0xA0]  }
0x2c1: {  	v2 =	vadd.f32 v3, v2;
	v3 =	vld [tilespmem:s2+$0xA0]  }
0x2c2: {  	v6 =	vld [tilespmem:s12+$0xFFFFFF20]  }
0x2c3: {  	[tilespmem:s12+$0xFFFFFF90] =	vst v2;
	v2 =	vld [tilespmem:s12+$0xFFFFFFA0];
	v0 =	vadd.f32 v0, v1  }
0x2c4: {  	v1 =	vadd.f32 v5, v7;
	v5 =	vld [tilespmem:s2+$0xFFFFFFA0]  }
0x2c5: {  	[tilespmem:s12+$0x10] =	vst v0;
	v0 =	vld [tilespmem:s12+$0x20]  }
0x2c6: {  	[tilespmem:s12+$0xFFFFFF10] =	vst v1;
	v1 =	vld [tilespmem:s2+$0x20];
	v3 =	vadd.f32 v3, v4  }
0x2c7: {  	v4 =	vld [tilespmem:s2+$0xFFFFFF20]  }
0x2c8: {  	[tilespmem:s12+$0xA0] =	vst v3;
	v3 =	vld [tilespmem:s12+$0xB0]  }
0x2c9: {  	v2 =	vadd.f32 v5, v2;
	v5 =	vld [tilespmem:s2+$0xB0]  }
0x2ca: {  	v7 =	vld [tilespmem:s12+$0xFFFFFF30]  }
0x2cb: {  	[tilespmem:s12+$0xFFFFFFA0] =	vst v2;
	v2 =	vld [tilespmem:s12+$0xFFFFFFB0];
	v0 =	vadd.f32 v1, v0  }
0x2cc: {  	v1 =	vadd.f32 v4, v6;
	v4 =	vld [tilespmem:s2+$0xFFFFFFB0]  }
0x2cd: {  	[tilespmem:s12+$0x20] =	vst v0;
	v0 =	vld [tilespmem:s12+$0x30]  }
0x2ce: {  	[tilespmem:s12+$0xFFFFFF20] =	vst v1;
	v1 =	vld [tilespmem:s2+$0x30];
	v3 =	vadd.f32 v5, v3  }
0x2cf: {  	v5 =	vld [tilespmem:s2+$0xFFFFFF30]  }
0x2d0: {  	[tilespmem:s12+$0xB0] =	vst v3;
	v3 =	vld [tilespmem:s12+$0xC0]  }
0x2d1: {  	v2 =	vadd.f32 v4, v2;
	v4 =	vld [tilespmem:s2+$0xC0]  }
0x2d2: {  	v6 =	vld [tilespmem:s12+$0xFFFFFF40]  }
0x2d3: {  	[tilespmem:s12+$0xFFFFFFB0] =	vst v2;
	v2 =	vld [tilespmem:s12+$0xFFFFFFC0];
	v0 =	vadd.f32 v1, v0  }
0x2d4: {  	v1 =	vadd.f32 v5, v7;
	v5 =	vld [tilespmem:s2+$0xFFFFFFC0]  }
0x2d5: {  	[tilespmem:s12+$0x30] =	vst v0;
	v0 =	vld [tilespmem:s12+$0x40]  }
0x2d6: {  	[tilespmem:s12+$0xFFFFFF30] =	vst v1;
	v1 =	vld [tilespmem:s2+$0x40];
	v3 =	vadd.f32 v4, v3  }
0x2d7: {  	v4 =	vld [tilespmem:s2+$0xFFFFFF40]  }
0x2d8: {  	[tilespmem:s12+$0xC0] =	vst v3;
	v3 =	vld [tilespmem:s12+$0xD0]  }
0x2d9: {  	v2 =	vadd.f32 v5, v2;
	v5 =	vld [tilespmem:s2+$0xD0]  }
0x2da: {  	v7 =	vld [tilespmem:s12+$0xFFFFFF50]  }
0x2db: {  	[tilespmem:s12+$0xFFFFFFC0] =	vst v2;
	v2 =	vld [tilespmem:s12+$0xFFFFFFD0];
	v0 =	vadd.f32 v1, v0  }
0x2dc: {  	v1 =	vadd.f32 v4, v6;
	v4 =	vld [tilespmem:s2+$0xFFFFFFD0]  }
0x2dd: {  	[tilespmem:s12+$0x40] =	vst v0;
	v0 =	vld [tilespmem:s12+$0x50]  }
0x2de: {  	[tilespmem:s12+$0xFFFFFF40] =	vst v1;
	v1 =	vld [tilespmem:s2+$0x50];
	v3 =	vadd.f32 v5, v3  }
0x2df: {  	v5 =	vld [tilespmem:s2+$0xFFFFFF50]  }
0x2e0: {  	[tilespmem:s12+$0xD0] =	vst v3;
	v3 =	vld [tilespmem:s12+$0xE0]  }
0x2e1: {  	v2 =	vadd.f32 v4, v2;
	v4 =	vld [tilespmem:s2+$0xE0]  }
0x2e2: {  	v6 =	vld [tilespmem:s12+$0xFFFFFF60]  }
0x2e3: {  	[tilespmem:s12+$0xFFFFFFD0] =	vst v2;
	v2 =	vld [tilespmem:s12+$0xFFFFFFE0];
	v0 =	vadd.f32 v1, v0  }
0x2e4: {  	v1 =	vadd.f32 v5, v7;
	v5 =	vld [tilespmem:s2+$0xFFFFFFE0]  }
0x2e5: {  	[tilespmem:s12+$0x50] =	vst v0;
	v7 =	vld [tilespmem:s12+$0x60]  }
0x2e6: {  	[tilespmem:s12+$0xFFFFFF50] =	vst v1;
	v8 =	vld [tilespmem:s2+$0x60];
	v0 =	vadd.f32 v4, v3  }
0x2e7: {  	v3 =	vld [tilespmem:s2+$0xFFFFFF60]  }
0x2e8: {  	[tilespmem:s12+$0xE0] =	vst v0;
	v9 =	vld [tilespmem:s12+$0xF0]  }
0x2e9: {  	v1 =	vadd.f32 v5, v2;
	v5 =	vld [tilespmem:s2+$0xF0]  }
0x2ea: {  	v0 =	vld [tilespmem:s12+$0xFFFFFF70]  }
.Ltmp5:
0x2eb: {  	[tilespmem:s12+$0xFFFFFFE0] =	vst v1;
	v1 =	vld [tilespmem:s12+$0xFFFFFFF0];
	v2 =	vadd.f32 v8, v7;
	(pc) =	sbr.rel @p0 .LBB2_12-.Ltmp5, $4  }
0x2ec: {  	v4 =	vadd.f32 v3, v6;
	v3 =	vld [tilespmem:s2+$0xFFFFFFF0]  }
0x2ed: {  	[tilespmem:s12+$0x60] =	vst v2;
	v2 =	vld [tilespmem:s12+$0x70]  }
0x2ee: {  	[tilespmem:s12+$0xFFFFFF60] =	vst v4;
	v4 =	vld [tilespmem:s2+$0x70];
	v6 =	vadd.f32 v5, v9  }
0x2ef: {  	s12 =	sadd.s32 $0x200, s12;
	v5 =	vld [tilespmem:s2+$0xFFFFFF70]  }
0x2f0: {  	_ =	sdelay $0x1  }
0x2f1: {  	v1 =	vadd.f32 v3, v1  }
0x2f2: {  	[tilespmem:s0+$0xF0] =	vst v6;
	v2 =	vadd.f32 v4, v2  }
0x2f3: {  	[tilespmem:s0+$0xFFFFFFF0] =	vst v1;
	v0 =	vadd.f32 v5, v0  }
0x2f4: {  	[tilespmem:s0+$0x70] =	vst v2  }
0x2f5: {  	[tilespmem:s0+$0xFFFFFF70] =	vst v0  }
0x2f6: {  	[hbm4b:s9+s5] =	stream.linear.scatter [tilespmem:s17], [sflag:$0x5], $0x6400, $0x38;
	[tilespmem:$0x1B000] =	vst v63  }
0x2f7: {  	_ =	swait.ge [sflag:s29], $0x6400  }
0x2f8: {  	[sflag:s29] =	ssyncset.done $0x0  }
0x2f9: {  	s30 =	sadd.s32 $0x1, s30;
	[sflag:s29] =	ssyncadd.s32 $0xFFFF9C00  }
0x2fa: {  	p0 =	sne.s32 s30, s10;
	_ =	swait.ge [sflag:s23], $0x6400  }
.Ltmp6:
0x2fb: {  	[sflag:s23] =	ssyncset.done $0x0;
	(pc) =	sbr.rel @p0 .LBB2_1-.Ltmp6, $4  }
0x2fc: {  	[sflag:s23] =	ssyncadd.s32 $0xFFFF9C00  }
0x2fd: {  	_ =	swait.ge [sflag:s25], $0x6400  }
0x2fe: {  	[sflag:s25] =	ssyncset.done $0x0  }
0x2ff: {  	[sflag:s25] =	ssyncadd.s32 $0xFFFF9C00  }
0x300: {  	_ =	sfence.sel $0x180000  }
0x301: {  	[bflag:$0x0] =	sbarrier.arrive $0xFFFF  }
0x302: {  	_ =	strace $0x90000047  }
0x303: {  	s0 =	stileid.u32;
	[bflag:$0x2] =	sbarrier.arrive $0xFFFF  }
0x304: {  	p0 =	sne.s32 s0, $0x0;
	s0 =	rddreg [dreg:$0x4]  }
0x305: {  	s0 =	sadd.s32 @!p0 $0x100000, s0  }
0x306: {  	[sflag:s0] =	ssyncadd.tile.s32 @!p0 $0x1;
	_ =	shalt  }
.Lfunc_end2:
_tile_overlayer_lowered:
.L_overlay_start_2:
0x307: {  	(tag) =	ssettag $0x2  }
0x308: {  	s0 =	rddreg [dreg:$0x0];
	s2 =	stileid.u32  }
0x309: {  	s1 =	rddreg [dreg:$0x1];
	p0 =	sne.s32 s2, $0x0  }
0x30a: {  	s3 =	rddreg [dreg:$0x2];
	[bflag:$0x3] =	sbarrier.arrive $0xFFFF;
	s2 =	simm.s32 @!p0 $0x1C07  }
0x30b: {  	[timem:s3], [sflag:s2] =	dma.local @!p0 [hbm:s0], s1  }
0x30c: {  	s0 =	simm.s32 @!p0 $0x7  }
0x30d: {  	_ =	swait.ge @!p0 [sflag:s0], s1  }
0x30e: {  	s1 =	ssub.s32 @!p0 $0x0, s1;
	[sflag:s0] =	ssyncset.done @!p0 $0x0  }
0x30f: {  	[sflag:s0] =	ssyncadd.s32 @!p0 s1  }
0x310: {  	[bflag:$0x3] =	sbarrier.arrive $0xFFFF  }
0x311: {  	_ =	shalt  }

</sc_bundles>
